<compile_context>
chip_gen: v7x
topology: tpu7x:2x2x1
jax: 0.10.2.dev20260603
libtpu: 0.0.44.dev20260713+nightly
codegen_flags: <defaults>
</compile_context>

<pallas_src>
import functools

import jax
import jax.numpy as jnp
from jax import lax
from jax.experimental import pallas as pl
from jax.experimental.pallas import tpu as pltpu
from jax.experimental.pallas import tpu_sc as plsc

N_ROWS = 320000
COLS = 5
NBLK = N_ROWS // 128
NW = 32

SC_BLKS = 900
TC_BLKS = NBLK - SC_BLKS
SC_BASE = TC_BLKS * 128

SC_PER_TILE = SC_BLKS // NW
SC_EXTRA = SC_BLKS - SC_PER_TILE * NW
SC_CHUNK_BLKS = 14
SC_NCHUNK = SC_PER_TILE // SC_CHUNK_BLKS
SC_CW = SC_CHUNK_BLKS * 128

TC_WBLK = 320
TC_W = TC_WBLK * 128
TC_GRID = 5

_mesh = plsc.VectorSubcoreMesh(core_axis_name="c", subcore_axis_name="s")


@functools.partial(
    pl.kernel,
    mesh=_mesh,
    compiler_params=pltpu.CompilerParams(
        needs_layout_passes=False, skip_device_barrier=True),
    out_type=[
        jax.ShapeDtypeStruct((NW, 16), jnp.float32),
        jax.ShapeDtypeStruct((NW, 16), jnp.float32),
    ],
    scratch_types=[
        pltpu.VMEM((2, COLS, SC_CW), jnp.float32),
        pltpu.VMEM((2, COLS, SC_CW), jnp.float32),
        pltpu.VMEM((2, SC_CW), jnp.int32),
        pltpu.VMEM((16,), jnp.float32),
        pltpu.VMEM((16,), jnp.float32),
        pltpu.SemaphoreType.DMA,
        pltpu.SemaphoreType.DMA,
    ],
)
def _sc_partials(pred_hbm, lab_hbm, tgt_hbm, out_loss, out_cnt,
                 pred_b, tgt_b, lab_b, stage_l, stage_c, sem0, sem1):
    wid = lax.axis_index("s") * 2 + lax.axis_index("c")
    base_row = SC_BASE + wid * (SC_PER_TILE * 128)
    sems = (sem0, sem1)

    def issue(ci, b):
        rb = base_row + ci * SC_CW
        return [
            pltpu.async_copy(pred_hbm.at[:, pl.ds(rb, SC_CW)], pred_b.at[b], sems[b]),
            pltpu.async_copy(tgt_hbm.at[:, pl.ds(rb, SC_CW)], tgt_b.at[b], sems[b]),
            pltpu.async_copy(lab_hbm.at[pl.ds(rb, SC_CW)], lab_b.at[b], sems[b]),
        ]

    def vec_step(b, o, cr):
        ac, cn = cr
        lv = lab_b[b, pl.ds(o, 16)]
        m = lv == 1
        hsum = jnp.zeros((16,), jnp.float32)
        for c in range(COLS):
            p = pred_b[b, c, pl.ds(o, 16)]
            t = tgt_b[b, c, pl.ds(o, 16)]
            d = p - t
            ax = jnp.abs(d)
            mn = jnp.minimum(ax, 1.0)
            hsum = hsum + (0.5 * mn * mn + (ax - mn))
        return (ac + jnp.where(m, hsum, 0.0), cn + jnp.where(m, 1.0, 0.0))

    def chunk_body(b, nvec, carry, unroll=4):
        def jbody(j, cr):
            o = j * (16 * unroll)
            for u in range(unroll):
                cr = vec_step(b, o + u * 16, cr)
            return cr
        return lax.fori_loop(0, nvec // unroll, jbody, carry)

    acc = jnp.zeros((16,), jnp.float32)
    cnt = jnp.zeros((16,), jnp.float32)
    pending = issue(0, 0)
    for ci in range(SC_NCHUNK):
        b = ci % 2
        nxt = issue(ci + 1, 1 - b) if ci + 1 < SC_NCHUNK else None
        for h in pending:
            h.wait()
        pending = nxt
        acc, cnt = chunk_body(b, SC_CW // 16, (acc, cnt))

    stage_l[...] = acc
    stage_c[...] = cnt

    @pl.when(wid < SC_EXTRA)
    def _():
        rb = SC_BASE + (SC_BLKS - SC_EXTRA) * 128 + wid * 128
        hs = [
            pltpu.async_copy(pred_hbm.at[:, pl.ds(rb, 128)],
                             pred_b.at[0, :, pl.ds(0, 128)], sem0),
            pltpu.async_copy(tgt_hbm.at[:, pl.ds(rb, 128)],
                             tgt_b.at[0, :, pl.ds(0, 128)], sem0),
            pltpu.async_copy(lab_hbm.at[pl.ds(rb, 128)],
                             lab_b.at[0, pl.ds(0, 128)], sem0),
        ]
        for h in hs:
            h.wait()
        a1, c1 = chunk_body(0, 8, (stage_l[...], stage_c[...]))
        stage_l[...] = a1
        stage_c[...] = c1

    pltpu.sync_copy(stage_l, out_loss.at[wid])
    pltpu.sync_copy(stage_c, out_cnt.at[wid])


def _tc_body(pred_ref, lab_ref, tgt_ref, out_ref, acc_ref):
    i = pl.program_id(0)

    @pl.when(i == 0)
    def _():
        acc_ref[0] = 0.0
        acc_ref[1] = 0.0

    d = pred_ref[...] - tgt_ref[...]
    ax = jnp.abs(d)
    mn = jnp.minimum(ax, 1.0)
    h = 0.5 * mn * mn + (ax - mn)
    m = lab_ref[...] == 1
    mb = jnp.broadcast_to(m[None, :], h.shape)
    hm = jnp.where(mb, h, 0.0)
    acc_ref[0] += jnp.sum(hm)
    acc_ref[1] += jnp.sum(jnp.where(m, 1.0, 0.0))

    @pl.when(i == TC_GRID - 1)
    def _():
        out_ref[0] = acc_ref[0]
        out_ref[1] = acc_ref[1]


_tc_partials = pl.pallas_call(
    _tc_body,
    grid=(TC_GRID,),
    in_specs=[
        pl.BlockSpec((COLS, TC_W), lambda i: (0, i)),
        pl.BlockSpec((TC_W,), lambda i: (i,)),
        pl.BlockSpec((COLS, TC_W), lambda i: (0, i)),
    ],
    out_specs=pl.BlockSpec(memory_space=pltpu.SMEM),
    out_shape=jax.ShapeDtypeStruct((2,), jnp.float32),
    scratch_shapes=[pltpu.SMEM((2,), jnp.float32)],
)


def _fin_body(sc_l_ref, sc_c_ref, tc_ref, out_ref):
    loss_sum = tc_ref[0] + jnp.sum(sc_l_ref[...])
    n_pos = tc_ref[1] + jnp.sum(sc_c_ref[...])
    out_ref[0] = loss_sum / (jnp.float32(COLS) * jnp.maximum(n_pos, 1.0))


_finalize = pl.pallas_call(
    _fin_body,
    in_specs=[
        pl.BlockSpec((NW, 16), lambda: (0, 0)),
        pl.BlockSpec((NW, 16), lambda: (0, 0)),
        pl.BlockSpec(memory_space=pltpu.SMEM),
    ],
    out_specs=pl.BlockSpec(memory_space=pltpu.SMEM),
    out_shape=jax.ShapeDtypeStruct((1,), jnp.float32),
)


def kernel(out_ellipse, labels, ellipse_targets):
    pred_t = out_ellipse.T
    tgt_t = ellipse_targets.T
    lab = jnp.reshape(labels, (-1,))
    loss_p, cnt_p = _sc_partials(pred_t, lab, tgt_t)
    tc_p = _tc_partials(pred_t, lab, tgt_t)
    out = _finalize(loss_p, cnt_p, tc_p)
    return jnp.reshape(out, ())

# --- scband reference (transcript-rebuilt; emitter-appended) ---
"""Pipeline reference for scband-loss-ellipse-sl1-78632261255863 (READ-ONLY COPY).

The authoritative reference and input builder live on the scoring server;
editing this copy changes nothing except your own understanding.
"""

import jax, jax.numpy as jnp
import numpy as np


def _huber(x, delta=1.0):
    ax = jnp.abs(x)
    return jnp.where(ax <= delta, 0.5 * x * x, delta * (ax - 0.5 * delta))


def setup_inputs(seed: int = 0) -> dict:
    key = jax.random.key(seed)
    k1, k2, k3 = jax.random.split(key, 3)
    N = 320000
    out_ellipse = jax.random.normal(k1, (N, 5), dtype=jnp.float32)
    labels = jax.random.randint(k2, (N,), 0, 2, dtype=jnp.int32)
    ellipse_targets = jax.random.normal(k3, (N, 5), dtype=jnp.float32)
    return {"out_ellipse": out_ellipse, "labels": labels, "ellipse_targets": ellipse_targets}


def reference(out_ellipse, labels, ellipse_targets):
    # Faithful translation of:
    #   pos_idcs = where(labels.reshape(-1) == 1)
    #   gather pred/target rows at pos_idcs, then Huber(delta=1.0) with
    #   Keras reduction: mean over last axis, then mean over selected rows.
    # Implemented with a mask so shapes stay static (same math).
    lab = jnp.reshape(labels, (-1,))
    mask = (lab == 1).astype(jnp.float32)
    pred = jnp.reshape(out_ellipse, (-1, 5))
    tgt = jnp.reshape(ellipse_targets, (-1, 5))
    per_elem = _huber(pred - tgt, delta=1.0)
    per_row = jnp.mean(per_elem, axis=-1)
    n_pos = jnp.sum(mask)
    loss = jnp.sum(per_row * mask) / jnp.maximum(n_pos, 1.0)
    return loss

if __name__ == "__main__":
    import jax
    _d = setup_inputs()
    print(jax.jit(kernel)(*tuple(_d.values())))

</pallas_src>

<mosaic_0001>
#map = affine_map<(d0, d1) -> (0, 0)>
#map1 = affine_map<(d0, d1) -> (0)>
module attributes {stable_mosaic.version = 14 : i64} {
  func.func @_sc_partials(%arg0: i32, %arg1: i32, %arg2: memref<5x320000xf32, #tpu.memory_space<hbm>>, %arg3: memref<320000xi32, #tpu.memory_space<hbm>>, %arg4: memref<5x320000xf32, #tpu.memory_space<hbm>>, %arg5: memref<32x16xf32, #tpu.memory_space<hbm>>, %arg6: memref<32x16xf32, #tpu.memory_space<hbm>>, %arg7: memref<2x5x1792xf32, #tpu.memory_space<vmem>>, %arg8: memref<2x5x1792xf32, #tpu.memory_space<vmem>>, %arg9: memref<2x1792xi32, #tpu.memory_space<vmem>>, %arg10: memref<16xf32, #tpu.memory_space<vmem>>, %arg11: memref<16xf32, #tpu.memory_space<vmem>>, %arg12: memref<!tpu.dma_semaphore, #tpu.memory_space<semaphore_mem>>, %arg13: memref<!tpu.dma_semaphore, #tpu.memory_space<semaphore_mem>>) attributes {dimension_semantics = [#tpu.dimension_semantics<core_parallel>, #tpu.dimension_semantics<subcore_parallel>], iteration_bounds = array<i64: 2, 16>, scalar_prefetch = 0 : i64, scratch_operands = 7 : i64, tpu.core_type = #tpu.core_type<sc_vector_subcore>, window_params = [{transform_indices = #map}, {transform_indices = #map1}, {transform_indices = #map}, {transform_indices = #map}, {transform_indices = #map}]} {
    %mul3A = arith.constant 2 : i32
    %mul3A_0 = arith.muli %arg1, %mul3A : i32
    %add3A = arith.addi %mul3A_0, %arg0 : i32
    %mul3A_1 = arith.constant 3584 : i32
    %mul3A_2 = arith.muli %add3A, %mul3A_1 : i32
    %add3A_3 = arith.constant 204800 : i32
    %add3A_4 = arith.addi %add3A_3, %mul3A_2 : i32
    %broadcast_in_dim3A = arith.constant 0.000000e+00 : f32
    %broadcast_in_dim3A_5 = vector.broadcast %broadcast_in_dim3A : f32 to vector<16xf32>
    %broadcast_in_dim3A_6 = arith.constant 0.000000e+00 : f32
    %broadcast_in_dim3A_7 = vector.broadcast %broadcast_in_dim3A_6 : f32 to vector<16xf32>
    %add3A_8 = arith.constant 0 : i32
    %add3A_9 = arith.addi %add3A_4, %add3A_8 : i32
    %dma_start3A = arith.constant 0 : i32
    %dma_start3A_10 = arith.constant 0 : i32
    %dma_start3A_11 = arith.constant 0 : i32
    %dma_start3A_12 = tpu.memref_slice %arg7[%dma_start3A, %dma_start3A_10, %dma_start3A_11] : memref<2x5x1792xf32, #tpu.memory_space<vmem>> -> memref<1x5x1792xf32, #tpu.memory_space<vmem>>
    %dma_start3A_13 = tpu.memref_squeeze %dma_start3A_12 : memref<1x5x1792xf32, #tpu.memory_space<vmem>> -> memref<5x1792xf32, #tpu.memory_space<vmem>>
    %dma_start3A_14 = arith.constant 0 : i32
    %dma_start3A_15 = tpu.memref_slice %arg2[%dma_start3A_14, %add3A_9] : memref<5x320000xf32, #tpu.memory_space<hbm>> -> memref<5x1792xf32, #tpu.memory_space<hbm>>
    %dma_start3A_16 = arith.constant 0 : i32
    %dma_start3A_17 = arith.constant 0 : i32
    %dma_start3A_18 = tpu.memref_slice %arg7[%dma_start3A, %dma_start3A_16, %dma_start3A_17] : memref<2x5x1792xf32, #tpu.memory_space<vmem>> -> memref<1x5x1792xf32, #tpu.memory_space<vmem>>
    %dma_start3A_19 = tpu.memref_squeeze %dma_start3A_18 : memref<1x5x1792xf32, #tpu.memory_space<vmem>> -> memref<5x1792xf32, #tpu.memory_space<vmem>>
    %dma_start3A_20 = arith.constant 0 : i32
    %dma_start3A_21 = tpu.memref_slice %arg2[%dma_start3A_20, %add3A_9] : memref<5x320000xf32, #tpu.memory_space<hbm>> -> memref<5x1792xf32, #tpu.memory_space<hbm>>
    tpu.enqueue_dma source(%dma_start3A_21 : memref<5x1792xf32, #tpu.memory_space<hbm>>) target(%dma_start3A_19 : memref<5x1792xf32, #tpu.memory_space<vmem>>) target_semaphore(%arg12 : memref<!tpu.dma_semaphore, #tpu.memory_space<semaphore_mem>>)
    %dma_start3A_22 = arith.constant 0 : i32
    %dma_start3A_23 = arith.constant 0 : i32
    %dma_start3A_24 = arith.constant 0 : i32
    %dma_start3A_25 = tpu.memref_slice %arg8[%dma_start3A_22, %dma_start3A_23, %dma_start3A_24] : memref<2x5x1792xf32, #tpu.memory_space<vmem>> -> memref<1x5x1792xf32, #tpu.memory_space<vmem>>
    %dma_start3A_26 = tpu.memref_squeeze %dma_start3A_25 : memref<1x5x1792xf32, #tpu.memory_space<vmem>> -> memref<5x1792xf32, #tpu.memory_space<vmem>>
    %dma_start3A_27 = arith.constant 0 : i32
    %dma_start3A_28 = tpu.memref_slice %arg4[%dma_start3A_27, %add3A_9] : memref<5x320000xf32, #tpu.memory_space<hbm>> -> memref<5x1792xf32, #tpu.memory_space<hbm>>
    %dma_start3A_29 = arith.constant 0 : i32
    %dma_start3A_30 = arith.constant 0 : i32
    %dma_start3A_31 = tpu.memref_slice %arg8[%dma_start3A_22, %dma_start3A_29, %dma_start3A_30] : memref<2x5x1792xf32, #tpu.memory_space<vmem>> -> memref<1x5x1792xf32, #tpu.memory_space<vmem>>
    %dma_start3A_32 = tpu.memref_squeeze %dma_start3A_31 : memref<1x5x1792xf32, #tpu.memory_space<vmem>> -> memref<5x1792xf32, #tpu.memory_space<vmem>>
    %dma_start3A_33 = arith.constant 0 : i32
    %dma_start3A_34 = tpu.memref_slice %arg4[%dma_start3A_33, %add3A_9] : memref<5x320000xf32, #tpu.memory_space<hbm>> -> memref<5x1792xf32, #tpu.memory_space<hbm>>
    tpu.enqueue_dma source(%dma_start3A_34 : memref<5x1792xf32, #tpu.memory_space<hbm>>) target(%dma_start3A_32 : memref<5x1792xf32, #tpu.memory_space<vmem>>) target_semaphore(%arg12 : memref<!tpu.dma_semaphore, #tpu.memory_space<semaphore_mem>>)
    %dma_start3A_35 = arith.constant 0 : i32
    %dma_start3A_36 = arith.constant 0 : i32
    %dma_start3A_37 = tpu.memref_slice %arg9[%dma_start3A_35, %dma_start3A_36] : memref<2x1792xi32, #tpu.memory_space<vmem>> -> memref<1x1792xi32, #tpu.memory_space<vmem>>
    %dma_start3A_38 = tpu.memref_squeeze %dma_start3A_37 : memref<1x1792xi32, #tpu.memory_space<vmem>> -> memref<1792xi32, #tpu.memory_space<vmem>>
    %dma_start3A_39 = tpu.memref_slice %arg3[%add3A_9] : memref<320000xi32, #tpu.memory_space<hbm>> -> memref<1792xi32, #tpu.memory_space<hbm>>
    %dma_start3A_40 = arith.constant 0 : i32
    %dma_start3A_41 = tpu.memref_slice %arg9[%dma_start3A_35, %dma_start3A_40] : memref<2x1792xi32, #tpu.memory_space<vmem>> -> memref<1x1792xi32, #tpu.memory_space<vmem>>
    %dma_start3A_42 = tpu.memref_squeeze %dma_start3A_41 : memref<1x1792xi32, #tpu.memory_space<vmem>> -> memref<1792xi32, #tpu.memory_space<vmem>>
    %dma_start3A_43 = tpu.memref_slice %arg3[%add3A_9] : memref<320000xi32, #tpu.memory_space<hbm>> -> memref<1792xi32, #tpu.memory_space<hbm>>
    tpu.enqueue_dma source(%dma_start3A_43 : memref<1792xi32, #tpu.memory_space<hbm>>) target(%dma_start3A_42 : memref<1792xi32, #tpu.memory_space<vmem>>) target_semaphore(%arg12 : memref<!tpu.dma_semaphore, #tpu.memory_space<semaphore_mem>>)
    %add3A_44 = arith.constant 1792 : i32
    %add3A_45 = arith.addi %add3A_4, %add3A_44 : i32
    %dma_start3A_46 = arith.constant 1 : i32
    %dma_start3A_47 = arith.constant 0 : i32
    %dma_start3A_48 = arith.constant 0 : i32
    %dma_start3A_49 = tpu.memref_slice %arg7[%dma_start3A_46, %dma_start3A_47, %dma_start3A_48] : memref<2x5x1792xf32, #tpu.memory_space<vmem>> -> memref<1x5x1792xf32, #tpu.memory_space<vmem>>
    %dma_start3A_50 = tpu.memref_squeeze %dma_start3A_49 : memref<1x5x1792xf32, #tpu.memory_space<vmem>> -> memref<5x1792xf32, #tpu.memory_space<vmem>>
    %dma_start3A_51 = arith.constant 0 : i32
    %dma_start3A_52 = tpu.memref_slice %arg2[%dma_start3A_51, %add3A_45] : memref<5x320000xf32, #tpu.memory_space<hbm>> -> memref<5x1792xf32, #tpu.memory_space<hbm>>
    %dma_start3A_53 = arith.constant 0 : i32
    %dma_start3A_54 = arith.constant 0 : i32
    %dma_start3A_55 = tpu.memref_slice %arg7[%dma_start3A_46, %dma_start3A_53, %dma_start3A_54] : memref<2x5x1792xf32, #tpu.memory_space<vmem>> -> memref<1x5x1792xf32, #tpu.memory_space<vmem>>
    %dma_start3A_56 = tpu.memref_squeeze %dma_start3A_55 : memref<1x5x1792xf32, #tpu.memory_space<vmem>> -> memref<5x1792xf32, #tpu.memory_space<vmem>>
    %dma_start3A_57 = arith.constant 0 : i32
    %dma_start3A_58 = tpu.memref_slice %arg2[%dma_start3A_57, %add3A_45] : memref<5x320000xf32, #tpu.memory_space<hbm>> -> memref<5x1792xf32, #tpu.memory_space<hbm>>
    tpu.enqueue_dma source(%dma_start3A_58 : memref<5x1792xf32, #tpu.memory_space<hbm>>) target(%dma_start3A_56 : memref<5x1792xf32, #tpu.memory_space<vmem>>) target_semaphore(%arg13 : memref<!tpu.dma_semaphore, #tpu.memory_space<semaphore_mem>>)
    %dma_start3A_59 = arith.constant 1 : i32
    %dma_start3A_60 = arith.constant 0 : i32
    %dma_start3A_61 = arith.constant 0 : i32
    %dma_start3A_62 = tpu.memref_slice %arg8[%dma_start3A_59, %dma_start3A_60, %dma_start3A_61] : memref<2x5x1792xf32, #tpu.memory_space<vmem>> -> memref<1x5x1792xf32, #tpu.memory_space<vmem>>
    %dma_start3A_63 = tpu.memref_squeeze %dma_start3A_62 : memref<1x5x1792xf32, #tpu.memory_space<vmem>> -> memref<5x1792xf32, #tpu.memory_space<vmem>>
    %dma_start3A_64 = arith.constant 0 : i32
    %dma_start3A_65 = tpu.memref_slice %arg4[%dma_start3A_64, %add3A_45] : memref<5x320000xf32, #tpu.memory_space<hbm>> -> memref<5x1792xf32, #tpu.memory_space<hbm>>
    %dma_start3A_66 = arith.constant 0 : i32
    %dma_start3A_67 = arith.constant 0 : i32
    %dma_start3A_68 = tpu.memref_slice %arg8[%dma_start3A_59, %dma_start3A_66, %dma_start3A_67] : memref<2x5x1792xf32, #tpu.memory_space<vmem>> -> memref<1x5x1792xf32, #tpu.memory_space<vmem>>
    %dma_start3A_69 = tpu.memref_squeeze %dma_start3A_68 : memref<1x5x1792xf32, #tpu.memory_space<vmem>> -> memref<5x1792xf32, #tpu.memory_space<vmem>>
    %dma_start3A_70 = arith.constant 0 : i32
    %dma_start3A_71 = tpu.memref_slice %arg4[%dma_start3A_70, %add3A_45] : memref<5x320000xf32, #tpu.memory_space<hbm>> -> memref<5x1792xf32, #tpu.memory_space<hbm>>
    tpu.enqueue_dma source(%dma_start3A_71 : memref<5x1792xf32, #tpu.memory_space<hbm>>) target(%dma_start3A_69 : memref<5x1792xf32, #tpu.memory_space<vmem>>) target_semaphore(%arg13 : memref<!tpu.dma_semaphore, #tpu.memory_space<semaphore_mem>>)
    %dma_start3A_72 = arith.constant 1 : i32
    %dma_start3A_73 = arith.constant 0 : i32
    %dma_start3A_74 = tpu.memref_slice %arg9[%dma_start3A_72, %dma_start3A_73] : memref<2x1792xi32, #tpu.memory_space<vmem>> -> memref<1x1792xi32, #tpu.memory_space<vmem>>
    %dma_start3A_75 = tpu.memref_squeeze %dma_start3A_74 : memref<1x1792xi32, #tpu.memory_space<vmem>> -> memref<1792xi32, #tpu.memory_space<vmem>>
    %dma_start3A_76 = tpu.memref_slice %arg3[%add3A_45] : memref<320000xi32, #tpu.memory_space<hbm>> -> memref<1792xi32, #tpu.memory_space<hbm>>
    %dma_start3A_77 = arith.constant 0 : i32
    %dma_start3A_78 = tpu.memref_slice %arg9[%dma_start3A_72, %dma_start3A_77] : memref<2x1792xi32, #tpu.memory_space<vmem>> -> memref<1x1792xi32, #tpu.memory_space<vmem>>
    %dma_start3A_79 = tpu.memref_squeeze %dma_start3A_78 : memref<1x1792xi32, #tpu.memory_space<vmem>> -> memref<1792xi32, #tpu.memory_space<vmem>>
    %dma_start3A_80 = tpu.memref_slice %arg3[%add3A_45] : memref<320000xi32, #tpu.memory_space<hbm>> -> memref<1792xi32, #tpu.memory_space<hbm>>
    tpu.enqueue_dma source(%dma_start3A_80 : memref<1792xi32, #tpu.memory_space<hbm>>) target(%dma_start3A_79 : memref<1792xi32, #tpu.memory_space<vmem>>) target_semaphore(%arg13 : memref<!tpu.dma_semaphore, #tpu.memory_space<semaphore_mem>>)
    %dma_wait3A = arith.constant 0 : i32
    %dma_wait3A_81 = arith.constant 0 : i32
    %dma_wait3A_82 = arith.constant 0 : i32
    %dma_wait3A_83 = tpu.memref_slice %arg7[%dma_wait3A, %dma_wait3A_81, %dma_wait3A_82] : memref<2x5x1792xf32, #tpu.memory_space<vmem>> -> memref<1x5x1792xf32, #tpu.memory_space<vmem>>
    %dma_wait3A_84 = tpu.memref_squeeze %dma_wait3A_83 : memref<1x5x1792xf32, #tpu.memory_space<vmem>> -> memref<5x1792xf32, #tpu.memory_space<vmem>>
    %dma_wait3A_85 = arith.constant 0 : i32
    %dma_wait3A_86 = tpu.memref_slice %arg2[%dma_wait3A_85, %add3A_9] : memref<5x320000xf32, #tpu.memory_space<hbm>> -> memref<5x1792xf32, #tpu.memory_space<hbm>>
    %dma_wait3A_87 = arith.constant 0 : i32
    %dma_wait3A_88 = arith.constant 0 : i32
    %dma_wait3A_89 = tpu.memref_slice %arg7[%dma_wait3A, %dma_wait3A_87, %dma_wait3A_88] : memref<2x5x1792xf32, #tpu.memory_space<vmem>> -> memref<1x5x1792xf32, #tpu.memory_space<vmem>>
    %dma_wait3A_90 = tpu.memref_squeeze %dma_wait3A_89 : memref<1x5x1792xf32, #tpu.memory_space<vmem>> -> memref<5x1792xf32, #tpu.memory_space<vmem>>
    %dma_wait3A_91 = arith.constant 0 : i32
    %dma_wait3A_92 = tpu.memref_slice %arg2[%dma_wait3A_91, %add3A_9] : memref<5x320000xf32, #tpu.memory_space<hbm>> -> memref<5x1792xf32, #tpu.memory_space<hbm>>
    tpu.wait_dma2 semaphore(%arg12 : memref<!tpu.dma_semaphore, #tpu.memory_space<semaphore_mem>>) src(%dma_wait3A_92 : memref<5x1792xf32, #tpu.memory_space<hbm>>) dst(%dma_wait3A_90 : memref<5x1792xf32, #tpu.memory_space<vmem>>)
    %dma_wait3A_93 = arith.constant 0 : i32
    %dma_wait3A_94 = arith.constant 0 : i32
    %dma_wait3A_95 = arith.constant 0 : i32
    %dma_wait3A_96 = tpu.memref_slice %arg8[%dma_wait3A_93, %dma_wait3A_94, %dma_wait3A_95] : memref<2x5x1792xf32, #tpu.memory_space<vmem>> -> memref<1x5x1792xf32, #tpu.memory_space<vmem>>
    %dma_wait3A_97 = tpu.memref_squeeze %dma_wait3A_96 : memref<1x5x1792xf32, #tpu.memory_space<vmem>> -> memref<5x1792xf32, #tpu.memory_space<vmem>>
    %dma_wait3A_98 = arith.constant 0 : i32
    %dma_wait3A_99 = tpu.memref_slice %arg4[%dma_wait3A_98, %add3A_9] : memref<5x320000xf32, #tpu.memory_space<hbm>> -> memref<5x1792xf32, #tpu.memory_space<hbm>>
    %dma_wait3A_100 = arith.constant 0 : i32
    %dma_wait3A_101 = arith.constant 0 : i32
    %dma_wait3A_102 = tpu.memref_slice %arg8[%dma_wait3A_93, %dma_wait3A_100, %dma_wait3A_101] : memref<2x5x1792xf32, #tpu.memory_space<vmem>> -> memref<1x5x1792xf32, #tpu.memory_space<vmem>>
    %dma_wait3A_103 = tpu.memref_squeeze %dma_wait3A_102 : memref<1x5x1792xf32, #tpu.memory_space<vmem>> -> memref<5x1792xf32, #tpu.memory_space<vmem>>
    %dma_wait3A_104 = arith.constant 0 : i32
    %dma_wait3A_105 = tpu.memref_slice %arg4[%dma_wait3A_104, %add3A_9] : memref<5x320000xf32, #tpu.memory_space<hbm>> -> memref<5x1792xf32, #tpu.memory_space<hbm>>
    tpu.wait_dma2 semaphore(%arg12 : memref<!tpu.dma_semaphore, #tpu.memory_space<semaphore_mem>>) src(%dma_wait3A_105 : memref<5x1792xf32, #tpu.memory_space<hbm>>) dst(%dma_wait3A_103 : memref<5x1792xf32, #tpu.memory_space<vmem>>)
    %dma_wait3A_106 = arith.constant 0 : i32
    %dma_wait3A_107 = arith.constant 0 : i32
    %dma_wait3A_108 = tpu.memref_slice %arg9[%dma_wait3A_106, %dma_wait3A_107] : memref<2x1792xi32, #tpu.memory_space<vmem>> -> memref<1x1792xi32, #tpu.memory_space<vmem>>
    %dma_wait3A_109 = tpu.memref_squeeze %dma_wait3A_108 : memref<1x1792xi32, #tpu.memory_space<vmem>> -> memref<1792xi32, #tpu.memory_space<vmem>>
    %dma_wait3A_110 = tpu.memref_slice %arg3[%add3A_9] : memref<320000xi32, #tpu.memory_space<hbm>> -> memref<1792xi32, #tpu.memory_space<hbm>>
    %dma_wait3A_111 = arith.constant 0 : i32
    %dma_wait3A_112 = tpu.memref_slice %arg9[%dma_wait3A_106, %dma_wait3A_111] : memref<2x1792xi32, #tpu.memory_space<vmem>> -> memref<1x1792xi32, #tpu.memory_space<vmem>>
    %dma_wait3A_113 = tpu.memref_squeeze %dma_wait3A_112 : memref<1x1792xi32, #tpu.memory_space<vmem>> -> memref<1792xi32, #tpu.memory_space<vmem>>
    %dma_wait3A_114 = tpu.memref_slice %arg3[%add3A_9] : memref<320000xi32, #tpu.memory_space<hbm>> -> memref<1792xi32, #tpu.memory_space<hbm>>
    tpu.wait_dma2 semaphore(%arg12 : memref<!tpu.dma_semaphore, #tpu.memory_space<semaphore_mem>>) src(%dma_wait3A_114 : memref<1792xi32, #tpu.memory_space<hbm>>) dst(%dma_wait3A_113 : memref<1792xi32, #tpu.memory_space<vmem>>)
    %scan3A = arith.constant 0 : i32
    %scan3A_115 = arith.constant 28 : i32
    %scan3A_116 = arith.addi %scan3A, %scan3A_115 : i32
    %scan3A_117 = arith.constant 1 : i32
    %scan3A_118:2 = scf.for %scan3A_166 = %scan3A to %scan3A_116 step %scan3A_117 iter_args(%scan3A_167 = %broadcast_in_dim3A_5, %scan3A_168 = %broadcast_in_dim3A_7) -> (vector<16xf32>, vector<16xf32>)  : i32 {
      %mul3A_169 = arith.constant 64 : i32
      %mul3A_170 = arith.muli %scan3A_166, %mul3A_169 : i32
      %add3A_171 = arith.constant 0 : i32
      %add3A_172 = arith.addi %mul3A_170, %add3A_171 : i32
      %get3A = arith.constant 0 : i32
      %get3A_173 = arith.index_cast %get3A : i32 to index
      %get3A_174 = arith.index_cast %add3A_172 : i32 to index
      %get3A_175 = tpu.vector_load %arg9[%get3A_173, %get3A_174] {strides = array<i32>} : memref<2x1792xi32, #tpu.memory_space<vmem>>, vector<16xi32>,
      %eq3A = arith.constant 1 : i32
      %eq3A_176 = vector.broadcast %eq3A : i32 to vector<16xi32>
      %eq3A_177 = arith.cmpi eq, %get3A_175, %eq3A_176 : vector<16xi32>
      %broadcast_in_dim3A_178 = arith.constant 0.000000e+00 : f32
      %broadcast_in_dim3A_179 = vector.broadcast %broadcast_in_dim3A_178 : f32 to vector<16xf32>
      %get3A_180 = arith.constant 0 : i32
      %get3A_181 = arith.constant 0 : i32
      %get3A_182 = arith.index_cast %get3A_180 : i32 to index
      %get3A_183 = arith.index_cast %get3A_181 : i32 to index
      %get3A_184 = arith.index_cast %add3A_172 : i32 to index
      %get3A_185 = tpu.vector_load %arg7[%get3A_182, %get3A_183, %get3A_184] {strides = array<i32>} : memref<2x5x1792xf32, #tpu.memory_space<vmem>>, vector<16xf32>,
      %get3A_186 = arith.constant 0 : i32
      %get3A_187 = arith.constant 0 : i32
      %get3A_188 = arith.index_cast %get3A_186 : i32 to index
      %get3A_189 = arith.index_cast %get3A_187 : i32 to index
      %get3A_190 = arith.index_cast %add3A_172 : i32 to index
      %get3A_191 = tpu.vector_load %arg8[%get3A_188, %get3A_189, %get3A_190] {strides = array<i32>} : memref<2x5x1792xf32, #tpu.memory_space<vmem>>, vector<16xf32>,
      %sub3A = arith.subf %get3A_185, %get3A_191 : vector<16xf32>
      %abs3A = math.absf %sub3A : vector<16xf32>
      %min3A = arith.constant 1.000000e+00 : f32
      %min3A_192 = vector.broadcast %min3A : f32 to vector<16xf32>
      %min3A_193 = arith.minimumf %abs3A, %min3A_192 : vector<16xf32>
      %mul3A_194 = arith.constant 5.000000e-01 : f32
      %mul3A_195 = vector.broadcast %mul3A_194 : f32 to vector<16xf32>
      %mul3A_196 = arith.mulf %mul3A_195, %min3A_193 : vector<16xf32>
      %mul3A_197 = arith.mulf %mul3A_196, %min3A_193 : vector<16xf32>
      %sub3A_198 = arith.subf %abs3A, %min3A_193 : vector<16xf32>
      %add3A_199 = arith.addf %mul3A_197, %sub3A_198 : vector<16xf32>
      %add3A_200 = arith.addf %broadcast_in_dim3A_179, %add3A_199 : vector<16xf32>
      %get3A_201 = arith.constant 0 : i32
      %get3A_202 = arith.constant 1 : i32
      %get3A_203 = arith.index_cast %get3A_201 : i32 to index
      %get3A_204 = arith.index_cast %get3A_202 : i32 to index
      %get3A_205 = arith.index_cast %add3A_172 : i32 to index
      %get3A_206 = tpu.vector_load %arg7[%get3A_203, %get3A_204, %get3A_205] {strides = array<i32>} : memref<2x5x1792xf32, #tpu.memory_space<vmem>>, vector<16xf32>,
      %get3A_207 = arith.constant 0 : i32
      %get3A_208 = arith.constant 1 : i32
      %get3A_209 = arith.index_cast %get3A_207 : i32 to index
      %get3A_210 = arith.index_cast %get3A_208 : i32 to index
      %get3A_211 = arith.index_cast %add3A_172 : i32 to index
      %get3A_212 = tpu.vector_load %arg8[%get3A_209, %get3A_210, %get3A_211] {strides = array<i32>} : memref<2x5x1792xf32, #tpu.memory_space<vmem>>, vector<16xf32>,
      %sub3A_213 = arith.subf %get3A_206, %get3A_212 : vector<16xf32>
      %abs3A_214 = math.absf %sub3A_213 : vector<16xf32>
      %min3A_215 = arith.constant 1.000000e+00 : f32
      %min3A_216 = vector.broadcast %min3A_215 : f32 to vector<16xf32>
      %min3A_217 = arith.minimumf %abs3A_214, %min3A_216 : vector<16xf32>
      %mul3A_218 = arith.constant 5.000000e-01 : f32
      %mul3A_219 = vector.broadcast %mul3A_218 : f32 to vector<16xf32>
      %mul3A_220 = arith.mulf %mul3A_219, %min3A_217 : vector<16xf32>
      %mul3A_221 = arith.mulf %mul3A_220, %min3A_217 : vector<16xf32>
      %sub3A_222 = arith.subf %abs3A_214, %min3A_217 : vector<16xf32>
      %add3A_223 = arith.addf %mul3A_221, %sub3A_222 : vector<16xf32>
      %add3A_224 = arith.addf %add3A_200, %add3A_223 : vector<16xf32>
      %get3A_225 = arith.constant 0 : i32
      %get3A_226 = arith.constant 2 : i32
      %get3A_227 = arith.index_cast %get3A_225 : i32 to index
      %get3A_228 = arith.index_cast %get3A_226 : i32 to index
      %get3A_229 = arith.index_cast %add3A_172 : i32 to index
      %get3A_230 = tpu.vector_load %arg7[%get3A_227, %get3A_228, %get3A_229] {strides = array<i32>} : memref<2x5x1792xf32, #tpu.memory_space<vmem>>, vector<16xf32>,
      %get3A_231 = arith.constant 0 : i32
      %get3A_232 = arith.constant 2 : i32
      %get3A_233 = arith.index_cast %get3A_231 : i32 to index
      %get3A_234 = arith.index_cast %get3A_232 : i32 to index
      %get3A_235 = arith.index_cast %add3A_172 : i32 to index
      %get3A_236 = tpu.vector_load %arg8[%get3A_233, %get3A_234, %get3A_235] {strides = array<i32>} : memref<2x5x1792xf32, #tpu.memory_space<vmem>>, vector<16xf32>,
      %sub3A_237 = arith.subf %get3A_230, %get3A_236 : vector<16xf32>
      %abs3A_238 = math.absf %sub3A_237 : vector<16xf32>
      %min3A_239 = arith.constant 1.000000e+00 : f32
      %min3A_240 = vector.broadcast %min3A_239 : f32 to vector<16xf32>
      %min3A_241 = arith.minimumf %abs3A_238, %min3A_240 : vector<16xf32>
      %mul3A_242 = arith.constant 5.000000e-01 : f32
      %mul3A_243 = vector.broadcast %mul3A_242 : f32 to vector<16xf32>
      %mul3A_244 = arith.mulf %mul3A_243, %min3A_241 : vector<16xf32>
      %mul3A_245 = arith.mulf %mul3A_244, %min3A_241 : vector<16xf32>
      %sub3A_246 = arith.subf %abs3A_238, %min3A_241 : vector<16xf32>
      %add3A_247 = arith.addf %mul3A_245, %sub3A_246 : vector<16xf32>
      %add3A_248 = arith.addf %add3A_224, %add3A_247 : vector<16xf32>
      %get3A_249 = arith.constant 0 : i32
      %get3A_250 = arith.constant 3 : i32
      %get3A_251 = arith.index_cast %get3A_249 : i32 to index
      %get3A_252 = arith.index_cast %get3A_250 : i32 to index
      %get3A_253 = arith.index_cast %add3A_172 : i32 to index
      %get3A_254 = tpu.vector_load %arg7[%get3A_251, %get3A_252, %get3A_253] {strides = array<i32>} : memref<2x5x1792xf32, #tpu.memory_space<vmem>>, vector<16xf32>,
      %get3A_255 = arith.constant 0 : i32
      %get3A_256 = arith.constant 3 : i32
      %get3A_257 = arith.index_cast %get3A_255 : i32 to index
      %get3A_258 = arith.index_cast %get3A_256 : i32 to index
      %get3A_259 = arith.index_cast %add3A_172 : i32 to index
      %get3A_260 = tpu.vector_load %arg8[%get3A_257, %get3A_258, %get3A_259] {strides = array<i32>} : memref<2x5x1792xf32, #tpu.memory_space<vmem>>, vector<16xf32>,
      %sub3A_261 = arith.subf %get3A_254, %get3A_260 : vector<16xf32>
      %abs3A_262 = math.absf %sub3A_261 : vector<16xf32>
      %min3A_263 = arith.constant 1.000000e+00 : f32
      %min3A_264 = vector.broadcast %min3A_263 : f32 to vector<16xf32>
      %min3A_265 = arith.minimumf %abs3A_262, %min3A_264 : vector<16xf32>
      %mul3A_266 = arith.constant 5.000000e-01 : f32
      %mul3A_267 = vector.broadcast %mul3A_266 : f32 to vector<16xf32>
      %mul3A_268 = arith.mulf %mul3A_267, %min3A_265 : vector<16xf32>
      %mul3A_269 = arith.mulf %mul3A_268, %min3A_265 : vector<16xf32>
      %sub3A_270 = arith.subf %abs3A_262, %min3A_265 : vector<16xf32>
      %add3A_271 = arith.addf %mul3A_269, %sub3A_270 : vector<16xf32>
      %add3A_272 = arith.addf %add3A_248, %add3A_271 : vector<16xf32>
      %get3A_273 = arith.constant 0 : i32
      %get3A_274 = arith.constant 4 : i32
      %get3A_275 = arith.index_cast %get3A_273 : i32 to index
      %get3A_276 = arith.index_cast %get3A_274 : i32 to index
      %get3A_277 = arith.index_cast %add3A_172 : i32 to index
      %get3A_278 = tpu.vector_load %arg7[%get3A_275, %get3A_276, %get3A_277] {strides = array<i32>} : memref<2x5x1792xf32, #tpu.memory_space<vmem>>, vector<16xf32>,
      %get3A_279 = arith.constant 0 : i32
      %get3A_280 = arith.constant 4 : i32
      %get3A_281 = arith.index_cast %get3A_279 : i32 to index
      %get3A_282 = arith.index_cast %get3A_280 : i32 to index
      %get3A_283 = arith.index_cast %add3A_172 : i32 to index
      %get3A_284 = tpu.vector_load %arg8[%get3A_281, %get3A_282, %get3A_283] {strides = array<i32>} : memref<2x5x1792xf32, #tpu.memory_space<vmem>>, vector<16xf32>,
      %sub3A_285 = arith.subf %get3A_278, %get3A_284 : vector<16xf32>
      %abs3A_286 = math.absf %sub3A_285 : vector<16xf32>
      %min3A_287 = arith.constant 1.000000e+00 : f32
      %min3A_288 = vector.broadcast %min3A_287 : f32 to vector<16xf32>
      %min3A_289 = arith.minimumf %abs3A_286, %min3A_288 : vector<16xf32>
      %mul3A_290 = arith.constant 5.000000e-01 : f32
      %mul3A_291 = vector.broadcast %mul3A_290 : f32 to vector<16xf32>
      %mul3A_292 = arith.mulf %mul3A_291, %min3A_289 : vector<16xf32>
      %mul3A_293 = arith.mulf %mul3A_292, %min3A_289 : vector<16xf32>
      %sub3A_294 = arith.subf %abs3A_286, %min3A_289 : vector<16xf32>
      %add3A_295 = arith.addf %mul3A_293, %sub3A_294 : vector<16xf32>
      %add3A_296 = arith.addf %add3A_272, %add3A_295 : vector<16xf32>
      %jit3A = arith.constant 0.000000e+00 : f32
      %broadcast_in_dim3A_297 = vector.broadcast %jit3A : f32 to vector<16xf32>
      %select_n3A = arith.select %eq3A_177, %add3A_296, %broadcast_in_dim3A_297 : vector<16xi1>, vector<16xf32>
      %add3A_298 = arith.addf %scan3A_167, %select_n3A : vector<16xf32>
      %jit3A_299 = arith.constant 1.000000e+00 : f32
      %jit3A_300 = arith.constant 0.000000e+00 : f32
      %broadcast_in_dim3A_301 = vector.broadcast %jit3A_299 : f32 to vector<16xf32>
      %broadcast_in_dim3A_302 = vector.broadcast %jit3A_300 : f32 to vector<16xf32>
      %select_n3A_303 = arith.select %eq3A_177, %broadcast_in_dim3A_301, %broadcast_in_dim3A_302 : vector<16xi1>, vector<16xf32>
      %add3A_304 = arith.addf %scan3A_168, %select_n3A_303 : vector<16xf32>
      %add3A_305 = arith.constant 16 : i32
      %add3A_306 = arith.addi %mul3A_170, %add3A_305 : i32
      %get3A_307 = arith.constant 0 : i32
      %get3A_308 = arith.index_cast %get3A_307 : i32 to index
      %get3A_309 = arith.index_cast %add3A_306 : i32 to index
      %get3A_310 = tpu.vector_load %arg9[%get3A_308, %get3A_309] {strides = array<i32>} : memref<2x1792xi32, #tpu.memory_space<vmem>>, vector<16xi32>,
      %eq3A_311 = arith.constant 1 : i32
      %eq3A_312 = vector.broadcast %eq3A_311 : i32 to vector<16xi32>
      %eq3A_313 = arith.cmpi eq, %get3A_310, %eq3A_312 : vector<16xi32>
      %broadcast_in_dim3A_314 = arith.constant 0.000000e+00 : f32
      %broadcast_in_dim3A_315 = vector.broadcast %broadcast_in_dim3A_314 : f32 to vector<16xf32>
      %get3A_316 = arith.constant 0 : i32
      %get3A_317 = arith.constant 0 : i32
      %get3A_318 = arith.index_cast %get3A_316 : i32 to index
      %get3A_319 = arith.index_cast %get3A_317 : i32 to index
      %get3A_320 = arith.index_cast %add3A_306 : i32 to index
      %get3A_321 = tpu.vector_load %arg7[%get3A_318, %get3A_319, %get3A_320] {strides = array<i32>} : memref<2x5x1792xf32, #tpu.memory_space<vmem>>, vector<16xf32>,
      %get3A_322 = arith.constant 0 : i32
      %get3A_323 = arith.constant 0 : i32
      %get3A_324 = arith.index_cast %get3A_322 : i32 to index
      %get3A_325 = arith.index_cast %get3A_323 : i32 to index
      %get3A_326 = arith.index_cast %add3A_306 : i32 to index
      %get3A_327 = tpu.vector_load %arg8[%get3A_324, %get3A_325, %get3A_326] {strides = array<i32>} : memref<2x5x1792xf32, #tpu.memory_space<vmem>>, vector<16xf32>,
      %sub3A_328 = arith.subf %get3A_321, %get3A_327 : vector<16xf32>
      %abs3A_329 = math.absf %sub3A_328 : vector<16xf32>
      %min3A_330 = arith.constant 1.000000e+00 : f32
      %min3A_331 = vector.broadcast %min3A_330 : f32 to vector<16xf32>
      %min3A_332 = arith.minimumf %abs3A_329, %min3A_331 : vector<16xf32>
      %mul3A_333 = arith.constant 5.000000e-01 : f32
      %mul3A_334 = vector.broadcast %mul3A_333 : f32 to vector<16xf32>
      %mul3A_335 = arith.mulf %mul3A_334, %min3A_332 : vector<16xf32>
      %mul3A_336 = arith.mulf %mul3A_335, %min3A_332 : vector<16xf32>
      %sub3A_337 = arith.subf %abs3A_329, %min3A_332 : vector<16xf32>
      %add3A_338 = arith.addf %mul3A_336, %sub3A_337 : vector<16xf32>
      %add3A_339 = arith.addf %broadcast_in_dim3A_315, %add3A_338 : vector<16xf32>
      %get3A_340 = arith.constant 0 : i32
      %get3A_341 = arith.constant 1 : i32
      %get3A_342 = arith.index_cast %get3A_340 : i32 to index
      %get3A_343 = arith.index_cast %get3A_341 : i32 to index
      %get3A_344 = arith.index_cast %add3A_306 : i32 to index
      %get3A_345 = tpu.vector_load %arg7[%get3A_342, %get3A_343, %get3A_344] {strides = array<i32>} : memref<2x5x1792xf32, #tpu.memory_space<vmem>>, vector<16xf32>,
      %get3A_346 = arith.constant 0 : i32
      %get3A_347 = arith.constant 1 : i32
      %get3A_348 = arith.index_cast %get3A_346 : i32 to index
      %get3A_349 = arith.index_cast %get3A_347 : i32 to index
      %get3A_350 = arith.index_cast %add3A_306 : i32 to index
      %get3A_351 = tpu.vector_load %arg8[%get3A_348, %get3A_349, %get3A_350] {strides = array<i32>} : memref<2x5x1792xf32, #tpu.memory_space<vmem>>, vector<16xf32>,
      %sub3A_352 = arith.subf %get3A_345, %get3A_351 : vector<16xf32>
      %abs3A_353 = math.absf %sub3A_352 : vector<16xf32>
      %min3A_354 = arith.constant 1.000000e+00 : f32
      %min3A_355 = vector.broadcast %min3A_354 : f32 to vector<16xf32>
      %min3A_356 = arith.minimumf %abs3A_353, %min3A_355 : vector<16xf32>
      %mul3A_357 = arith.constant 5.000000e-01 : f32
      %mul3A_358 = vector.broadcast %mul3A_357 : f32 to vector<16xf32>
      %mul3A_359 = arith.mulf %mul3A_358, %min3A_356 : vector<16xf32>
      %mul3A_360 = arith.mulf %mul3A_359, %min3A_356 : vector<16xf32>
      %sub3A_361 = arith.subf %abs3A_353, %min3A_356 : vector<16xf32>
      %add3A_362 = arith.addf %mul3A_360, %sub3A_361 : vector<16xf32>
      %add3A_363 = arith.addf %add3A_339, %add3A_362 : vector<16xf32>
      %get3A_364 = arith.constant 0 : i32
      %get3A_365 = arith.constant 2 : i32
      %get3A_366 = arith.index_cast %get3A_364 : i32 to index
      %get3A_367 = arith.index_cast %get3A_365 : i32 to index
      %get3A_368 = arith.index_cast %add3A_306 : i32 to index
      %get3A_369 = tpu.vector_load %arg7[%get3A_366, %get3A_367, %get3A_368] {strides = array<i32>} : memref<2x5x1792xf32, #tpu.memory_space<vmem>>, vector<16xf32>,
      %get3A_370 = arith.constant 0 : i32
      %get3A_371 = arith.constant 2 : i32
      %get3A_372 = arith.index_cast %get3A_370 : i32 to index
      %get3A_373 = arith.index_cast %get3A_371 : i32 to index
      %get3A_374 = arith.index_cast %add3A_306 : i32 to index
      %get3A_375 = tpu.vector_load %arg8[%get3A_372, %get3A_373, %get3A_374] {strides = array<i32>} : memref<2x5x1792xf32, #tpu.memory_space<vmem>>, vector<16xf32>,
      %sub3A_376 = arith.subf %get3A_369, %get3A_375 : vector<16xf32>
      %abs3A_377 = math.absf %sub3A_376 : vector<16xf32>
      %min3A_378 = arith.constant 1.000000e+00 : f32
      %min3A_379 = vector.broadcast %min3A_378 : f32 to vector<16xf32>
      %min3A_380 = arith.minimumf %abs3A_377, %min3A_379 : vector<16xf32>
      %mul3A_381 = arith.constant 5.000000e-01 : f32
      %mul3A_382 = vector.broadcast %mul3A_381 : f32 to vector<16xf32>
      %mul3A_383 = arith.mulf %mul3A_382, %min3A_380 : vector<16xf32>
      %mul3A_384 = arith.mulf %mul3A_383, %min3A_380 : vector<16xf32>
      %sub3A_385 = arith.subf %abs3A_377, %min3A_380 : vector<16xf32>
      %add3A_386 = arith.addf %mul3A_384, %sub3A_385 : vector<16xf32>
      %add3A_387 = arith.addf %add3A_363, %add3A_386 : vector<16xf32>
      %get3A_388 = arith.constant 0 : i32
      %get3A_389 = arith.constant 3 : i32
      %get3A_390 = arith.index_cast %get3A_388 : i32 to index
      %get3A_391 = arith.index_cast %get3A_389 : i32 to index
      %get3A_392 = arith.index_cast %add3A_306 : i32 to index
      %get3A_393 = tpu.vector_load %arg7[%get3A_390, %get3A_391, %get3A_392] {strides = array<i32>} : memref<2x5x1792xf32, #tpu.memory_space<vmem>>, vector<16xf32>,
      %get3A_394 = arith.constant 0 : i32
      %get3A_395 = arith.constant 3 : i32
      %get3A_396 = arith.index_cast %get3A_394 : i32 to index
      %get3A_397 = arith.index_cast %get3A_395 : i32 to index
      %get3A_398 = arith.index_cast %add3A_306 : i32 to index
      %get3A_399 = tpu.vector_load %arg8[%get3A_396, %get3A_397, %get3A_398] {strides = array<i32>} : memref<2x5x1792xf32, #tpu.memory_space<vmem>>, vector<16xf32>,
      %sub3A_400 = arith.subf %get3A_393, %get3A_399 : vector<16xf32>
      %abs3A_401 = math.absf %sub3A_400 : vector<16xf32>
      %min3A_402 = arith.constant 1.000000e+00 : f32
      %min3A_403 = vector.broadcast %min3A_402 : f32 to vector<16xf32>
      %min3A_404 = arith.minimumf %abs3A_401, %min3A_403 : vector<16xf32>
      %mul3A_405 = arith.constant 5.000000e-01 : f32
      %mul3A_406 = vector.broadcast %mul3A_405 : f32 to vector<16xf32>
      %mul3A_407 = arith.mulf %mul3A_406, %min3A_404 : vector<16xf32>
      %mul3A_408 = arith.mulf %mul3A_407, %min3A_404 : vector<16xf32>
      %sub3A_409 = arith.subf %abs3A_401, %min3A_404 : vector<16xf32>
      %add3A_410 = arith.addf %mul3A_408, %sub3A_409 : vector<16xf32>
      %add3A_411 = arith.addf %add3A_387, %add3A_410 : vector<16xf32>
      %get3A_412 = arith.constant 0 : i32
      %get3A_413 = arith.constant 4 : i32
      %get3A_414 = arith.index_cast %get3A_412 : i32 to index
      %get3A_415 = arith.index_cast %get3A_413 : i32 to index
      %get3A_416 = arith.index_cast %add3A_306 : i32 to index
      %get3A_417 = tpu.vector_load %arg7[%get3A_414, %get3A_415, %get3A_416] {strides = array<i32>} : memref<2x5x1792xf32, #tpu.memory_space<vmem>>, vector<16xf32>,
      %get3A_418 = arith.constant 0 : i32
      %get3A_419 = arith.constant 4 : i32
      %get3A_420 = arith.index_cast %get3A_418 : i32 to index
      %get3A_421 = arith.index_cast %get3A_419 : i32 to index
      %get3A_422 = arith.index_cast %add3A_306 : i32 to index
      %get3A_423 = tpu.vector_load %arg8[%get3A_420, %get3A_421, %get3A_422] {strides = array<i32>} : memref<2x5x1792xf32, #tpu.memory_space<vmem>>, vector<16xf32>,
      %sub3A_424 = arith.subf %get3A_417, %get3A_423 : vector<16xf32>
      %abs3A_425 = math.absf %sub3A_424 : vector<16xf32>
      %min3A_426 = arith.constant 1.000000e+00 : f32
      %min3A_427 = vector.broadcast %min3A_426 : f32 to vector<16xf32>
      %min3A_428 = arith.minimumf %abs3A_425, %min3A_427 : vector<16xf32>
      %mul3A_429 = arith.constant 5.000000e-01 : f32
      %mul3A_430 = vector.broadcast %mul3A_429 : f32 to vector<16xf32>
      %mul3A_431 = arith.mulf %mul3A_430, %min3A_428 : vector<16xf32>
      %mul3A_432 = arith.mulf %mul3A_431, %min3A_428 : vector<16xf32>
      %sub3A_433 = arith.subf %abs3A_425, %min3A_428 : vector<16xf32>
      %add3A_434 = arith.addf %mul3A_432, %sub3A_433 : vector<16xf32>
      %add3A_435 = arith.addf %add3A_411, %add3A_434 : vector<16xf32>
      %jit3A_436 = arith.constant 0.000000e+00 : f32
      %broadcast_in_dim3A_437 = vector.broadcast %jit3A_436 : f32 to vector<16xf32>
      %select_n3A_438 = arith.select %eq3A_313, %add3A_435, %broadcast_in_dim3A_437 : vector<16xi1>, vector<16xf32>
      %add3A_439 = arith.addf %add3A_298, %select_n3A_438 : vector<16xf32>
      %jit3A_440 = arith.constant 1.000000e+00 : f32
      %jit3A_441 = arith.constant 0.000000e+00 : f32
      %broadcast_in_dim3A_442 = vector.broadcast %jit3A_440 : f32 to vector<16xf32>
      %broadcast_in_dim3A_443 = vector.broadcast %jit3A_441 : f32 to vector<16xf32>
      %select_n3A_444 = arith.select %eq3A_313, %broadcast_in_dim3A_442, %broadcast_in_dim3A_443 : vector<16xi1>, vector<16xf32>
      %add3A_445 = arith.addf %add3A_304, %select_n3A_444 : vector<16xf32>
      %add3A_446 = arith.constant 32 : i32
      %add3A_447 = arith.addi %mul3A_170, %add3A_446 : i32
      %get3A_448 = arith.constant 0 : i32
      %get3A_449 = arith.index_cast %get3A_448 : i32 to index
      %get3A_450 = arith.index_cast %add3A_447 : i32 to index
      %get3A_451 = tpu.vector_load %arg9[%get3A_449, %get3A_450] {strides = array<i32>} : memref<2x1792xi32, #tpu.memory_space<vmem>>, vector<16xi32>,
      %eq3A_452 = arith.constant 1 : i32
      %eq3A_453 = vector.broadcast %eq3A_452 : i32 to vector<16xi32>
      %eq3A_454 = arith.cmpi eq, %get3A_451, %eq3A_453 : vector<16xi32>
      %broadcast_in_dim3A_455 = arith.constant 0.000000e+00 : f32
      %broadcast_in_dim3A_456 = vector.broadcast %broadcast_in_dim3A_455 : f32 to vector<16xf32>
      %get3A_457 = arith.constant 0 : i32
      %get3A_458 = arith.constant 0 : i32
      %get3A_459 = arith.index_cast %get3A_457 : i32 to index
      %get3A_460 = arith.index_cast %get3A_458 : i32 to index
      %get3A_461 = arith.index_cast %add3A_447 : i32 to index
      %get3A_462 = tpu.vector_load %arg7[%get3A_459, %get3A_460, %get3A_461] {strides = array<i32>} : memref<2x5x1792xf32, #tpu.memory_space<vmem>>, vector<16xf32>,
      %get3A_463 = arith.constant 0 : i32
      %get3A_464 = arith.constant 0 : i32
      %get3A_465 = arith.index_cast %get3A_463 : i32 to index
      %get3A_466 = arith.index_cast %get3A_464 : i32 to index
      %get3A_467 = arith.index_cast %add3A_447 : i32 to index
      %get3A_468 = tpu.vector_load %arg8[%get3A_465, %get3A_466, %get3A_467] {strides = array<i32>} : memref<2x5x1792xf32, #tpu.memory_space<vmem>>, vector<16xf32>,
      %sub3A_469 = arith.subf %get3A_462, %get3A_468 : vector<16xf32>
      %abs3A_470 = math.absf %sub3A_469 : vector<16xf32>
      %min3A_471 = arith.constant 1.000000e+00 : f32
      %min3A_472 = vector.broadcast %min3A_471 : f32 to vector<16xf32>
      %min3A_473 = arith.minimumf %abs3A_470, %min3A_472 : vector<16xf32>
      %mul3A_474 = arith.constant 5.000000e-01 : f32
      %mul3A_475 = vector.broadcast %mul3A_474 : f32 to vector<16xf32>
      %mul3A_476 = arith.mulf %mul3A_475, %min3A_473 : vector<16xf32>
      %mul3A_477 = arith.mulf %mul3A_476, %min3A_473 : vector<16xf32>
      %sub3A_478 = arith.subf %abs3A_470, %min3A_473 : vector<16xf32>
      %add3A_479 = arith.addf %mul3A_477, %sub3A_478 : vector<16xf32>
      %add3A_480 = arith.addf %broadcast_in_dim3A_456, %add3A_479 : vector<16xf32>
      %get3A_481 = arith.constant 0 : i32
      %get3A_482 = arith.constant 1 : i32
      %get3A_483 = arith.index_cast %get3A_481 : i32 to index
      %get3A_484 = arith.index_cast %get3A_482 : i32 to index
      %get3A_485 = arith.index_cast %add3A_447 : i32 to index
      %get3A_486 = tpu.vector_load %arg7[%get3A_483, %get3A_484, %get3A_485] {strides = array<i32>} : memref<2x5x1792xf32, #tpu.memory_space<vmem>>, vector<16xf32>,
      %get3A_487 = arith.constant 0 : i32
      %get3A_488 = arith.constant 1 : i32
      %get3A_489 = arith.index_cast %get3A_487 : i32 to index
      %get3A_490 = arith.index_cast %get3A_488 : i32 to index
      %get3A_491 = arith.index_cast %add3A_447 : i32 to index
      %get3A_492 = tpu.vector_load %arg8[%get3A_489, %get3A_490, %get3A_491] {strides = array<i32>} : memref<2x5x1792xf32, #tpu.memory_space<vmem>>, vector<16xf32>,
      %sub3A_493 = arith.subf %get3A_486, %get3A_492 : vector<16xf32>
      %abs3A_494 = math.absf %sub3A_493 : vector<16xf32>
      %min3A_495 = arith.constant 1.000000e+00 : f32
      %min3A_496 = vector.broadcast %min3A_495 : f32 to vector<16xf32>
      %min3A_497 = arith.minimumf %abs3A_494, %min3A_496 : vector<16xf32>
      %mul3A_498 = arith.constant 5.000000e-01 : f32
      %mul3A_499 = vector.broadcast %mul3A_498 : f32 to vector<16xf32>
      %mul3A_500 = arith.mulf %mul3A_499, %min3A_497 : vector<16xf32>
      %mul3A_501 = arith.mulf %mul3A_500, %min3A_497 : vector<16xf32>
      %sub3A_502 = arith.subf %abs3A_494, %min3A_497 : vector<16xf32>
      %add3A_503 = arith.addf %mul3A_501, %sub3A_502 : vector<16xf32>
      %add3A_504 = arith.addf %add3A_480, %add3A_503 : vector<16xf32>
      %get3A_505 = arith.constant 0 : i32
      %get3A_506 = arith.constant 2 : i32
      %get3A_507 = arith.index_cast %get3A_505 : i32 to index
      %get3A_508 = arith.index_cast %get3A_506 : i32 to index
      %get3A_509 = arith.index_cast %add3A_447 : i32 to index
      %get3A_510 = tpu.vector_load %arg7[%get3A_507, %get3A_508, %get3A_509] {strides = array<i32>} : memref<2x5x1792xf32, #tpu.memory_space<vmem>>, vector<16xf32>,
      %get3A_511 = arith.constant 0 : i32
      %get3A_512 = arith.constant 2 : i32
      %get3A_513 = arith.index_cast %get3A_511 : i32 to index
      %get3A_514 = arith.index_cast %get3A_512 : i32 to index
      %get3A_515 = arith.index_cast %add3A_447 : i32 to index
      %get3A_516 = tpu.vector_load %arg8[%get3A_513, %get3A_514, %get3A_515] {strides = array<i32>} : memref<2x5x1792xf32, #tpu.memory_space<vmem>>, vector<16xf32>,
      %sub3A_517 = arith.subf %get3A_510, %get3A_516 : vector<16xf32>
      %abs3A_518 = math.absf %sub3A_517 : vector<16xf32>
      %min3A_519 = arith.constant 1.000000e+00 : f32
      %min3A_520 = vector.broadcast %min3A_519 : f32 to vector<16xf32>
      %min3A_521 = arith.minimumf %abs3A_518, %min3A_520 : vector<16xf32>
      %mul3A_522 = arith.constant 5.000000e-01 : f32
      %mul3A_523 = vector.broadcast %mul3A_522 : f32 to vector<16xf32>
      %mul3A_524 = arith.mulf %mul3A_523, %min3A_521 : vector<16xf32>
      %mul3A_525 = arith.mulf %mul3A_524, %min3A_521 : vector<16xf32>
      %sub3A_526 = arith.subf %abs3A_518, %min3A_521 : vector<16xf32>
      %add3A_527 = arith.addf %mul3A_525, %sub3A_526 : vector<16xf32>
      %add3A_528 = arith.addf %add3A_504, %add3A_527 : vector<16xf32>
      %get3A_529 = arith.constant 0 : i32
      %get3A_530 = arith.constant 3 : i32
      %get3A_531 = arith.index_cast %get3A_529 : i32 to index
      %get3A_532 = arith.index_cast %get3A_530 : i32 to index
      %get3A_533 = arith.index_cast %add3A_447 : i32 to index
      %get3A_534 = tpu.vector_load %arg7[%get3A_531, %get3A_532, %get3A_533] {strides = array<i32>} : memref<2x5x1792xf32, #tpu.memory_space<vmem>>, vector<16xf32>,
      %get3A_535 = arith.constant 0 : i32
      %get3A_536 = arith.constant 3 : i32
      %get3A_537 = arith.index_cast %get3A_535 : i32 to index
      %get3A_538 = arith.index_cast %get3A_536 : i32 to index
      %get3A_539 = arith.index_cast %add3A_447 : i32 to index
      %get3A_540 = tpu.vector_load %arg8[%get3A_537, %get3A_538, %get3A_539] {strides = array<i32>} : memref<2x5x1792xf32, #tpu.memory_space<vmem>>, vector<16xf32>,
      %sub3A_541 = arith.subf %get3A_534, %get3A_540 : vector<16xf32>
      %abs3A_542 = math.absf %sub3A_541 : vector<16xf32>
      %min3A_543 = arith.constant 1.000000e+00 : f32
      %min3A_544 = vector.broadcast %min3A_543 : f32 to vector<16xf32>
      %min3A_545 = arith.minimumf %abs3A_542, %min3A_544 : vector<16xf32>
      %mul3A_546 = arith.constant 5.000000e-01 : f32
      %mul3A_547 = vector.broadcast %mul3A_546 : f32 to vector<16xf32>
      %mul3A_548 = arith.mulf %mul3A_547, %min3A_545 : vector<16xf32>
      %mul3A_549 = arith.mulf %mul3A_548, %min3A_545 : vector<16xf32>
      %sub3A_550 = arith.subf %abs3A_542, %min3A_545 : vector<16xf32>
      %add3A_551 = arith.addf %mul3A_549, %sub3A_550 : vector<16xf32>
      %add3A_552 = arith.addf %add3A_528, %add3A_551 : vector<16xf32>
      %get3A_553 = arith.constant 0 : i32
      %get3A_554 = arith.constant 4 : i32
      %get3A_555 = arith.index_cast %get3A_553 : i32 to index
      %get3A_556 = arith.index_cast %get3A_554 : i32 to index
      %get3A_557 = arith.index_cast %add3A_447 : i32 to index
      %get3A_558 = tpu.vector_load %arg7[%get3A_555, %get3A_556, %get3A_557] {strides = array<i32>} : memref<2x5x1792xf32, #tpu.memory_space<vmem>>, vector<16xf32>,
      %get3A_559 = arith.constant 0 : i32
      %get3A_560 = arith.constant 4 : i32
      %get3A_561 = arith.index_cast %get3A_559 : i32 to index
      %get3A_562 = arith.index_cast %get3A_560 : i32 to index
      %get3A_563 = arith.index_cast %add3A_447 : i32 to index
      %get3A_564 = tpu.vector_load %arg8[%get3A_561, %get3A_562, %get3A_563] {strides = array<i32>} : memref<2x5x1792xf32, #tpu.memory_space<vmem>>, vector<16xf32>,
      %sub3A_565 = arith.subf %get3A_558, %get3A_564 : vector<16xf32>
      %abs3A_566 = math.absf %sub3A_565 : vector<16xf32>
      %min3A_567 = arith.constant 1.000000e+00 : f32
      %min3A_568 = vector.broadcast %min3A_567 : f32 to vector<16xf32>
      %min3A_569 = arith.minimumf %abs3A_566, %min3A_568 : vector<16xf32>
      %mul3A_570 = arith.constant 5.000000e-01 : f32
      %mul3A_571 = vector.broadcast %mul3A_570 : f32 to vector<16xf32>
      %mul3A_572 = arith.mulf %mul3A_571, %min3A_569 : vector<16xf32>
      %mul3A_573 = arith.mulf %mul3A_572, %min3A_569 : vector<16xf32>
      %sub3A_574 = arith.subf %abs3A_566, %min3A_569 : vector<16xf32>
      %add3A_575 = arith.addf %mul3A_573, %sub3A_574 : vector<16xf32>
      %add3A_576 = arith.addf %add3A_552, %add3A_575 : vector<16xf32>
      %jit3A_577 = arith.constant 0.000000e+00 : f32
      %broadcast_in_dim3A_578 = vector.broadcast %jit3A_577 : f32 to vector<16xf32>
      %select_n3A_579 = arith.select %eq3A_454, %add3A_576, %broadcast_in_dim3A_578 : vector<16xi1>, vector<16xf32>
      %add3A_580 = arith.addf %add3A_439, %select_n3A_579 : vector<16xf32>
      %jit3A_581 = arith.constant 1.000000e+00 : f32
      %jit3A_582 = arith.constant 0.000000e+00 : f32
      %broadcast_in_dim3A_583 = vector.broadcast %jit3A_581 : f32 to vector<16xf32>
      %broadcast_in_dim3A_584 = vector.broadcast %jit3A_582 : f32 to vector<16xf32>
      %select_n3A_585 = arith.select %eq3A_454, %broadcast_in_dim3A_583, %broadcast_in_dim3A_584 : vector<16xi1>, vector<16xf32>
      %add3A_586 = arith.addf %add3A_445, %select_n3A_585 : vector<16xf32>
      %add3A_587 = arith.constant 48 : i32
      %add3A_588 = arith.addi %mul3A_170, %add3A_587 : i32
      %get3A_589 = arith.constant 0 : i32
      %get3A_590 = arith.index_cast %get3A_589 : i32 to index
      %get3A_591 = arith.index_cast %add3A_588 : i32 to index
      %get3A_592 = tpu.vector_load %arg9[%get3A_590, %get3A_591] {strides = array<i32>} : memref<2x1792xi32, #tpu.memory_space<vmem>>, vector<16xi32>,
      %eq3A_593 = arith.constant 1 : i32
      %eq3A_594 = vector.broadcast %eq3A_593 : i32 to vector<16xi32>
      %eq3A_595 = arith.cmpi eq, %get3A_592, %eq3A_594 : vector<16xi32>
      %broadcast_in_dim3A_596 = arith.constant 0.000000e+00 : f32
      %broadcast_in_dim3A_597 = vector.broadcast %broadcast_in_dim3A_596 : f32 to vector<16xf32>
      %get3A_598 = arith.constant 0 : i32
      %get3A_599 = arith.constant 0 : i32
      %get3A_600 = arith.index_cast %get3A_598 : i32 to index
      %get3A_601 = arith.index_cast %get3A_599 : i32 to index
      %get3A_602 = arith.index_cast %add3A_588 : i32 to index
      %get3A_603 = tpu.vector_load %arg7[%get3A_600, %get3A_601, %get3A_602] {strides = array<i32>} : memref<2x5x1792xf32, #tpu.memory_space<vmem>>, vector<16xf32>,
      %get3A_604 = arith.constant 0 : i32
      %get3A_605 = arith.constant 0 : i32
      %get3A_606 = arith.index_cast %get3A_604 : i32 to index
      %get3A_607 = arith.index_cast %get3A_605 : i32 to index
      %get3A_608 = arith.index_cast %add3A_588 : i32 to index
      %get3A_609 = tpu.vector_load %arg8[%get3A_606, %get3A_607, %get3A_608] {strides = array<i32>} : memref<2x5x1792xf32, #tpu.memory_space<vmem>>, vector<16xf32>,
      %sub3A_610 = arith.subf %get3A_603, %get3A_609 : vector<16xf32>
      %abs3A_611 = math.absf %sub3A_610 : vector<16xf32>
      %min3A_612 = arith.constant 1.000000e+00 : f32
      %min3A_613 = vector.broadcast %min3A_612 : f32 to vector<16xf32>
      %min3A_614 = arith.minimumf %abs3A_611, %min3A_613 : vector<16xf32>
      %mul3A_615 = arith.constant 5.000000e-01 : f32
      %mul3A_616 = vector.broadcast %mul3A_615 : f32 to vector<16xf32>
      %mul3A_617 = arith.mulf %mul3A_616, %min3A_614 : vector<16xf32>
      %mul3A_618 = arith.mulf %mul3A_617, %min3A_614 : vector<16xf32>
      %sub3A_619 = arith.subf %abs3A_611, %min3A_614 : vector<16xf32>
      %add3A_620 = arith.addf %mul3A_618, %sub3A_619 : vector<16xf32>
      %add3A_621 = arith.addf %broadcast_in_dim3A_597, %add3A_620 : vector<16xf32>
      %get3A_622 = arith.constant 0 : i32
      %get3A_623 = arith.constant 1 : i32
      %get3A_624 = arith.index_cast %get3A_622 : i32 to index
      %get3A_625 = arith.index_cast %get3A_623 : i32 to index
      %get3A_626 = arith.index_cast %add3A_588 : i32 to index
      %get3A_627 = tpu.vector_load %arg7[%get3A_624, %get3A_625, %get3A_626] {strides = array<i32>} : memref<2x5x1792xf32, #tpu.memory_space<vmem>>, vector<16xf32>,
      %get3A_628 = arith.constant 0 : i32
      %get3A_629 = arith.constant 1 : i32
      %get3A_630 = arith.index_cast %get3A_628 : i32 to index
      %get3A_631 = arith.index_cast %get3A_629 : i32 to index
      %get3A_632 = arith.index_cast %add3A_588 : i32 to index
      %get3A_633 = tpu.vector_load %arg8[%get3A_630, %get3A_631, %get3A_632] {strides = array<i32>} : memref<2x5x1792xf32, #tpu.memory_space<vmem>>, vector<16xf32>,
      %sub3A_634 = arith.subf %get3A_627, %get3A_633 : vector<16xf32>
      %abs3A_635 = math.absf %sub3A_634 : vector<16xf32>
      %min3A_636 = arith.constant 1.000000e+00 : f32
      %min3A_637 = vector.broadcast %min3A_636 : f32 to vector<16xf32>
      %min3A_638 = arith.minimumf %abs3A_635, %min3A_637 : vector<16xf32>
      %mul3A_639 = arith.constant 5.000000e-01 : f32
      %mul3A_640 = vector.broadcast %mul3A_639 : f32 to vector<16xf32>
      %mul3A_641 = arith.mulf %mul3A_640, %min3A_638 : vector<16xf32>
      %mul3A_642 = arith.mulf %mul3A_641, %min3A_638 : vector<16xf32>
      %sub3A_643 = arith.subf %abs3A_635, %min3A_638 : vector<16xf32>
      %add3A_644 = arith.addf %mul3A_642, %sub3A_643 : vector<16xf32>
      %add3A_645 = arith.addf %add3A_621, %add3A_644 : vector<16xf32>
      %get3A_646 = arith.constant 0 : i32
      %get3A_647 = arith.constant 2 : i32
      %get3A_648 = arith.index_cast %get3A_646 : i32 to index
      %get3A_649 = arith.index_cast %get3A_647 : i32 to index
      %get3A_650 = arith.index_cast %add3A_588 : i32 to index
      %get3A_651 = tpu.vector_load %arg7[%get3A_648, %get3A_649, %get3A_650] {strides = array<i32>} : memref<2x5x1792xf32, #tpu.memory_space<vmem>>, vector<16xf32>,
      %get3A_652 = arith.constant 0 : i32
      %get3A_653 = arith.constant 2 : i32
      %get3A_654 = arith.index_cast %get3A_652 : i32 to index
      %get3A_655 = arith.index_cast %get3A_653 : i32 to index
      %get3A_656 = arith.index_cast %add3A_588 : i32 to index
      %get3A_657 = tpu.vector_load %arg8[%get3A_654, %get3A_655, %get3A_656] {strides = array<i32>} : memref<2x5x1792xf32, #tpu.memory_space<vmem>>, vector<16xf32>,
      %sub3A_658 = arith.subf %get3A_651, %get3A_657 : vector<16xf32>
      %abs3A_659 = math.absf %sub3A_658 : vector<16xf32>
      %min3A_660 = arith.constant 1.000000e+00 : f32
      %min3A_661 = vector.broadcast %min3A_660 : f32 to vector<16xf32>
      %min3A_662 = arith.minimumf %abs3A_659, %min3A_661 : vector<16xf32>
      %mul3A_663 = arith.constant 5.000000e-01 : f32
      %mul3A_664 = vector.broadcast %mul3A_663 : f32 to vector<16xf32>
      %mul3A_665 = arith.mulf %mul3A_664, %min3A_662 : vector<16xf32>
      %mul3A_666 = arith.mulf %mul3A_665, %min3A_662 : vector<16xf32>
      %sub3A_667 = arith.subf %abs3A_659, %min3A_662 : vector<16xf32>
      %add3A_668 = arith.addf %mul3A_666, %sub3A_667 : vector<16xf32>
      %add3A_669 = arith.addf %add3A_645, %add3A_668 : vector<16xf32>
      %get3A_670 = arith.constant 0 : i32
      %get3A_671 = arith.constant 3 : i32
      %get3A_672 = arith.index_cast %get3A_670 : i32 to index
      %get3A_673 = arith.index_cast %get3A_671 : i32 to index
      %get3A_674 = arith.index_cast %add3A_588 : i32 to index
      %get3A_675 = tpu.vector_load %arg7[%get3A_672, %get3A_673, %get3A_674] {strides = array<i32>} : memref<2x5x1792xf32, #tpu.memory_space<vmem>>, vector<16xf32>,
      %get3A_676 = arith.constant 0 : i32
      %get3A_677 = arith.constant 3 : i32
      %get3A_678 = arith.index_cast %get3A_676 : i32 to index
      %get3A_679 = arith.index_cast %get3A_677 : i32 to index
      %get3A_680 = arith.index_cast %add3A_588 : i32 to index
      %get3A_681 = tpu.vector_load %arg8[%get3A_678, %get3A_679, %get3A_680] {strides = array<i32>} : memref<2x5x1792xf32, #tpu.memory_space<vmem>>, vector<16xf32>,
      %sub3A_682 = arith.subf %get3A_675, %get3A_681 : vector<16xf32>
      %abs3A_683 = math.absf %sub3A_682 : vector<16xf32>
      %min3A_684 = arith.constant 1.000000e+00 : f32
      %min3A_685 = vector.broadcast %min3A_684 : f32 to vector<16xf32>
      %min3A_686 = arith.minimumf %abs3A_683, %min3A_685 : vector<16xf32>
      %mul3A_687 = arith.constant 5.000000e-01 : f32
      %mul3A_688 = vector.broadcast %mul3A_687 : f32 to vector<16xf32>
      %mul3A_689 = arith.mulf %mul3A_688, %min3A_686 : vector<16xf32>
      %mul3A_690 = arith.mulf %mul3A_689, %min3A_686 : vector<16xf32>
      %sub3A_691 = arith.subf %abs3A_683, %min3A_686 : vector<16xf32>
      %add3A_692 = arith.addf %mul3A_690, %sub3A_691 : vector<16xf32>
      %add3A_693 = arith.addf %add3A_669, %add3A_692 : vector<16xf32>
      %get3A_694 = arith.constant 0 : i32
      %get3A_695 = arith.constant 4 : i32
      %get3A_696 = arith.index_cast %get3A_694 : i32 to index
      %get3A_697 = arith.index_cast %get3A_695 : i32 to index
      %get3A_698 = arith.index_cast %add3A_588 : i32 to index
      %get3A_699 = tpu.vector_load %arg7[%get3A_696, %get3A_697, %get3A_698] {strides = array<i32>} : memref<2x5x1792xf32, #tpu.memory_space<vmem>>, vector<16xf32>,
      %get3A_700 = arith.constant 0 : i32
      %get3A_701 = arith.constant 4 : i32
      %get3A_702 = arith.index_cast %get3A_700 : i32 to index
      %get3A_703 = arith.index_cast %get3A_701 : i32 to index
      %get3A_704 = arith.index_cast %add3A_588 : i32 to index
      %get3A_705 = tpu.vector_load %arg8[%get3A_702, %get3A_703, %get3A_704] {strides = array<i32>} : memref<2x5x1792xf32, #tpu.memory_space<vmem>>, vector<16xf32>,
      %sub3A_706 = arith.subf %get3A_699, %get3A_705 : vector<16xf32>
      %abs3A_707 = math.absf %sub3A_706 : vector<16xf32>
      %min3A_708 = arith.constant 1.000000e+00 : f32
      %min3A_709 = vector.broadcast %min3A_708 : f32 to vector<16xf32>
      %min3A_710 = arith.minimumf %abs3A_707, %min3A_709 : vector<16xf32>
      %mul3A_711 = arith.constant 5.000000e-01 : f32
      %mul3A_712 = vector.broadcast %mul3A_711 : f32 to vector<16xf32>
      %mul3A_713 = arith.mulf %mul3A_712, %min3A_710 : vector<16xf32>
      %mul3A_714 = arith.mulf %mul3A_713, %min3A_710 : vector<16xf32>
      %sub3A_715 = arith.subf %abs3A_707, %min3A_710 : vector<16xf32>
      %add3A_716 = arith.addf %mul3A_714, %sub3A_715 : vector<16xf32>
      %add3A_717 = arith.addf %add3A_693, %add3A_716 : vector<16xf32>
      %jit3A_718 = arith.constant 0.000000e+00 : f32
      %broadcast_in_dim3A_719 = vector.broadcast %jit3A_718 : f32 to vector<16xf32>
      %select_n3A_720 = arith.select %eq3A_595, %add3A_717, %broadcast_in_dim3A_719 : vector<16xi1>, vector<16xf32>
      %add3A_721 = arith.addf %add3A_580, %select_n3A_720 : vector<16xf32>
      %jit3A_722 = arith.constant 1.000000e+00 : f32
      %jit3A_723 = arith.constant 0.000000e+00 : f32
      %broadcast_in_dim3A_724 = vector.broadcast %jit3A_722 : f32 to vector<16xf32>
      %broadcast_in_dim3A_725 = vector.broadcast %jit3A_723 : f32 to vector<16xf32>
      %select_n3A_726 = arith.select %eq3A_595, %broadcast_in_dim3A_724, %broadcast_in_dim3A_725 : vector<16xi1>, vector<16xf32>
      %add3A_727 = arith.addf %add3A_586, %select_n3A_726 : vector<16xf32>
      scf.yield %add3A_721, %add3A_727 : vector<16xf32>, vector<16xf32>
    }
    %scan3A_119 = arith.constant 28 : i32
    %dma_wait3A_120 = arith.constant 1 : i32
    %dma_wait3A_121 = arith.constant 0 : i32
    %dma_wait3A_122 = arith.constant 0 : i32
    %dma_wait3A_123 = tpu.memref_slice %arg7[%dma_wait3A_120, %dma_wait3A_121, %dma_wait3A_122] : memref<2x5x1792xf32, #tpu.memory_space<vmem>> -> memref<1x5x1792xf32, #tpu.memory_space<vmem>>
    %dma_wait3A_124 = tpu.memref_squeeze %dma_wait3A_123 : memref<1x5x1792xf32, #tpu.memory_space<vmem>> -> memref<5x1792xf32, #tpu.memory_space<vmem>>
    %dma_wait3A_125 = arith.constant 0 : i32
    %dma_wait3A_126 = tpu.memref_slice %arg2[%dma_wait3A_125, %add3A_45] : memref<5x320000xf32, #tpu.memory_space<hbm>> -> memref<5x1792xf32, #tpu.memory_space<hbm>>
    %dma_wait3A_127 = arith.constant 0 : i32
    %dma_wait3A_128 = arith.constant 0 : i32
    %dma_wait3A_129 = tpu.memref_slice %arg7[%dma_wait3A_120, %dma_wait3A_127, %dma_wait3A_128] : memref<2x5x1792xf32, #tpu.memory_space<vmem>> -> memref<1x5x1792xf32, #tpu.memory_space<vmem>>
    %dma_wait3A_130 = tpu.memref_squeeze %dma_wait3A_129 : memref<1x5x1792xf32, #tpu.memory_space<vmem>> -> memref<5x1792xf32, #tpu.memory_space<vmem>>
    %dma_wait3A_131 = arith.constant 0 : i32
    %dma_wait3A_132 = tpu.memref_slice %arg2[%dma_wait3A_131, %add3A_45] : memref<5x320000xf32, #tpu.memory_space<hbm>> -> memref<5x1792xf32, #tpu.memory_space<hbm>>
    tpu.wait_dma2 semaphore(%arg13 : memref<!tpu.dma_semaphore, #tpu.memory_space<semaphore_mem>>) src(%dma_wait3A_132 : memref<5x1792xf32, #tpu.memory_space<hbm>>) dst(%dma_wait3A_130 : memref<5x1792xf32, #tpu.memory_space<vmem>>)
    %dma_wait3A_133 = arith.constant 1 : i32
    %dma_wait3A_134 = arith.constant 0 : i32
    %dma_wait3A_135 = arith.constant 0 : i32
    %dma_wait3A_136 = tpu.memref_slice %arg8[%dma_wait3A_133, %dma_wait3A_134, %dma_wait3A_135] : memref<2x5x1792xf32, #tpu.memory_space<vmem>> -> memref<1x5x1792xf32, #tpu.memory_space<vmem>>
    %dma_wait3A_137 = tpu.memref_squeeze %dma_wait3A_136 : memref<1x5x1792xf32, #tpu.memory_space<vmem>> -> memref<5x1792xf32, #tpu.memory_space<vmem>>
    %dma_wait3A_138 = arith.constant 0 : i32
    %dma_wait3A_139 = tpu.memref_slice %arg4[%dma_wait3A_138, %add3A_45] : memref<5x320000xf32, #tpu.memory_space<hbm>> -> memref<5x1792xf32, #tpu.memory_space<hbm>>
    %dma_wait3A_140 = arith.constant 0 : i32
    %dma_wait3A_141 = arith.constant 0 : i32
    %dma_wait3A_142 = tpu.memref_slice %arg8[%dma_wait3A_133, %dma_wait3A_140, %dma_wait3A_141] : memref<2x5x1792xf32, #tpu.memory_space<vmem>> -> memref<1x5x1792xf32, #tpu.memory_space<vmem>>
    %dma_wait3A_143 = tpu.memref_squeeze %dma_wait3A_142 : memref<1x5x1792xf32, #tpu.memory_space<vmem>> -> memref<5x1792xf32, #tpu.memory_space<vmem>>
    %dma_wait3A_144 = arith.constant 0 : i32
    %dma_wait3A_145 = tpu.memref_slice %arg4[%dma_wait3A_144, %add3A_45] : memref<5x320000xf32, #tpu.memory_space<hbm>> -> memref<5x1792xf32, #tpu.memory_space<hbm>>
    tpu.wait_dma2 semaphore(%arg13 : memref<!tpu.dma_semaphore, #tpu.memory_space<semaphore_mem>>) src(%dma_wait3A_145 : memref<5x1792xf32, #tpu.memory_space<hbm>>) dst(%dma_wait3A_143 : memref<5x1792xf32, #tpu.memory_space<vmem>>)
    %dma_wait3A_146 = arith.constant 1 : i32
    %dma_wait3A_147 = arith.constant 0 : i32
    %dma_wait3A_148 = tpu.memref_slice %arg9[%dma_wait3A_146, %dma_wait3A_147] : memref<2x1792xi32, #tpu.memory_space<vmem>> -> memref<1x1792xi32, #tpu.memory_space<vmem>>
    %dma_wait3A_149 = tpu.memref_squeeze %dma_wait3A_148 : memref<1x1792xi32, #tpu.memory_space<vmem>> -> memref<1792xi32, #tpu.memory_space<vmem>>
    %dma_wait3A_150 = tpu.memref_slice %arg3[%add3A_45] : memref<320000xi32, #tpu.memory_space<hbm>> -> memref<1792xi32, #tpu.memory_space<hbm>>
    %dma_wait3A_151 = arith.constant 0 : i32
    %dma_wait3A_152 = tpu.memref_slice %arg9[%dma_wait3A_146, %dma_wait3A_151] : memref<2x1792xi32, #tpu.memory_space<vmem>> -> memref<1x1792xi32, #tpu.memory_space<vmem>>
    %dma_wait3A_153 = tpu.memref_squeeze %dma_wait3A_152 : memref<1x1792xi32, #tpu.memory_space<vmem>> -> memref<1792xi32, #tpu.memory_space<vmem>>
    %dma_wait3A_154 = tpu.memref_slice %arg3[%add3A_45] : memref<320000xi32, #tpu.memory_space<hbm>> -> memref<1792xi32, #tpu.memory_space<hbm>>
    tpu.wait_dma2 semaphore(%arg13 : memref<!tpu.dma_semaphore, #tpu.memory_space<semaphore_mem>>) src(%dma_wait3A_154 : memref<1792xi32, #tpu.memory_space<hbm>>) dst(%dma_wait3A_153 : memref<1792xi32, #tpu.memory_space<vmem>>)
    %scan3A_155 = arith.constant 0 : i32
    %scan3A_156 = arith.constant 28 : i32
    %scan3A_157 = arith.addi %scan3A_155, %scan3A_156 : i32
    %scan3A_158 = arith.constant 1 : i32
    %scan3A_159:2 = scf.for %scan3A_166 = %scan3A_155 to %scan3A_157 step %scan3A_158 iter_args(%scan3A_167 = %scan3A_118#0, %scan3A_168 = %scan3A_118#1) -> (vector<16xf32>, vector<16xf32>)  : i32 {
      %mul3A_169 = arith.constant 64 : i32
      %mul3A_170 = arith.muli %scan3A_166, %mul3A_169 : i32
      %add3A_171 = arith.constant 0 : i32
      %add3A_172 = arith.addi %mul3A_170, %add3A_171 : i32
      %get3A = arith.constant 1 : i32
      %get3A_173 = arith.index_cast %get3A : i32 to index
      %get3A_174 = arith.index_cast %add3A_172 : i32 to index
      %get3A_175 = tpu.vector_load %arg9[%get3A_173, %get3A_174] {strides = array<i32>} : memref<2x1792xi32, #tpu.memory_space<vmem>>, vector<16xi32>,
      %eq3A = arith.constant 1 : i32
      %eq3A_176 = vector.broadcast %eq3A : i32 to vector<16xi32>
      %eq3A_177 = arith.cmpi eq, %get3A_175, %eq3A_176 : vector<16xi32>
      %broadcast_in_dim3A_178 = arith.constant 0.000000e+00 : f32
      %broadcast_in_dim3A_179 = vector.broadcast %broadcast_in_dim3A_178 : f32 to vector<16xf32>
      %get3A_180 = arith.constant 1 : i32
      %get3A_181 = arith.constant 0 : i32
      %get3A_182 = arith.index_cast %get3A_180 : i32 to index
      %get3A_183 = arith.index_cast %get3A_181 : i32 to index
      %get3A_184 = arith.index_cast %add3A_172 : i32 to index
      %get3A_185 = tpu.vector_load %arg7[%get3A_182, %get3A_183, %get3A_184] {strides = array<i32>} : memref<2x5x1792xf32, #tpu.memory_space<vmem>>, vector<16xf32>,
      %get3A_186 = arith.constant 1 : i32
      %get3A_187 = arith.constant 0 : i32
      %get3A_188 = arith.index_cast %get3A_186 : i32 to index
      %get3A_189 = arith.index_cast %get3A_187 : i32 to index
      %get3A_190 = arith.index_cast %add3A_172 : i32 to index
      %get3A_191 = tpu.vector_load %arg8[%get3A_188, %get3A_189, %get3A_190] {strides = array<i32>} : memref<2x5x1792xf32, #tpu.memory_space<vmem>>, vector<16xf32>,
      %sub3A = arith.subf %get3A_185, %get3A_191 : vector<16xf32>
      %abs3A = math.absf %sub3A : vector<16xf32>
      %min3A = arith.constant 1.000000e+00 : f32
      %min3A_192 = vector.broadcast %min3A : f32 to vector<16xf32>
      %min3A_193 = arith.minimumf %abs3A, %min3A_192 : vector<16xf32>
      %mul3A_194 = arith.constant 5.000000e-01 : f32
      %mul3A_195 = vector.broadcast %mul3A_194 : f32 to vector<16xf32>
      %mul3A_196 = arith.mulf %mul3A_195, %min3A_193 : vector<16xf32>
      %mul3A_197 = arith.mulf %mul3A_196, %min3A_193 : vector<16xf32>
      %sub3A_198 = arith.subf %abs3A, %min3A_193 : vector<16xf32>
      %add3A_199 = arith.addf %mul3A_197, %sub3A_198 : vector<16xf32>
      %add3A_200 = arith.addf %broadcast_in_dim3A_179, %add3A_199 : vector<16xf32>
      %get3A_201 = arith.constant 1 : i32
      %get3A_202 = arith.constant 1 : i32
      %get3A_203 = arith.index_cast %get3A_201 : i32 to index
      %get3A_204 = arith.index_cast %get3A_202 : i32 to index
      %get3A_205 = arith.index_cast %add3A_172 : i32 to index
      %get3A_206 = tpu.vector_load %arg7[%get3A_203, %get3A_204, %get3A_205] {strides = array<i32>} : memref<2x5x1792xf32, #tpu.memory_space<vmem>>, vector<16xf32>,
      %get3A_207 = arith.constant 1 : i32
      %get3A_208 = arith.constant 1 : i32
      %get3A_209 = arith.index_cast %get3A_207 : i32 to index
      %get3A_210 = arith.index_cast %get3A_208 : i32 to index
      %get3A_211 = arith.index_cast %add3A_172 : i32 to index
      %get3A_212 = tpu.vector_load %arg8[%get3A_209, %get3A_210, %get3A_211] {strides = array<i32>} : memref<2x5x1792xf32, #tpu.memory_space<vmem>>, vector<16xf32>,
      %sub3A_213 = arith.subf %get3A_206, %get3A_212 : vector<16xf32>
      %abs3A_214 = math.absf %sub3A_213 : vector<16xf32>
      %min3A_215 = arith.constant 1.000000e+00 : f32
      %min3A_216 = vector.broadcast %min3A_215 : f32 to vector<16xf32>
      %min3A_217 = arith.minimumf %abs3A_214, %min3A_216 : vector<16xf32>
      %mul3A_218 = arith.constant 5.000000e-01 : f32
      %mul3A_219 = vector.broadcast %mul3A_218 : f32 to vector<16xf32>
      %mul3A_220 = arith.mulf %mul3A_219, %min3A_217 : vector<16xf32>
      %mul3A_221 = arith.mulf %mul3A_220, %min3A_217 : vector<16xf32>
      %sub3A_222 = arith.subf %abs3A_214, %min3A_217 : vector<16xf32>
      %add3A_223 = arith.addf %mul3A_221, %sub3A_222 : vector<16xf32>
      %add3A_224 = arith.addf %add3A_200, %add3A_223 : vector<16xf32>
      %get3A_225 = arith.constant 1 : i32
      %get3A_226 = arith.constant 2 : i32
      %get3A_227 = arith.index_cast %get3A_225 : i32 to index
      %get3A_228 = arith.index_cast %get3A_226 : i32 to index
      %get3A_229 = arith.index_cast %add3A_172 : i32 to index
      %get3A_230 = tpu.vector_load %arg7[%get3A_227, %get3A_228, %get3A_229] {strides = array<i32>} : memref<2x5x1792xf32, #tpu.memory_space<vmem>>, vector<16xf32>,
      %get3A_231 = arith.constant 1 : i32
      %get3A_232 = arith.constant 2 : i32
      %get3A_233 = arith.index_cast %get3A_231 : i32 to index
      %get3A_234 = arith.index_cast %get3A_232 : i32 to index
      %get3A_235 = arith.index_cast %add3A_172 : i32 to index
      %get3A_236 = tpu.vector_load %arg8[%get3A_233, %get3A_234, %get3A_235] {strides = array<i32>} : memref<2x5x1792xf32, #tpu.memory_space<vmem>>, vector<16xf32>,
      %sub3A_237 = arith.subf %get3A_230, %get3A_236 : vector<16xf32>
      %abs3A_238 = math.absf %sub3A_237 : vector<16xf32>
      %min3A_239 = arith.constant 1.000000e+00 : f32
      %min3A_240 = vector.broadcast %min3A_239 : f32 to vector<16xf32>
      %min3A_241 = arith.minimumf %abs3A_238, %min3A_240 : vector<16xf32>
      %mul3A_242 = arith.constant 5.000000e-01 : f32
      %mul3A_243 = vector.broadcast %mul3A_242 : f32 to vector<16xf32>
      %mul3A_244 = arith.mulf %mul3A_243, %min3A_241 : vector<16xf32>
      %mul3A_245 = arith.mulf %mul3A_244, %min3A_241 : vector<16xf32>
      %sub3A_246 = arith.subf %abs3A_238, %min3A_241 : vector<16xf32>
      %add3A_247 = arith.addf %mul3A_245, %sub3A_246 : vector<16xf32>
      %add3A_248 = arith.addf %add3A_224, %add3A_247 : vector<16xf32>
      %get3A_249 = arith.constant 1 : i32
      %get3A_250 = arith.constant 3 : i32
      %get3A_251 = arith.index_cast %get3A_249 : i32 to index
      %get3A_252 = arith.index_cast %get3A_250 : i32 to index
      %get3A_253 = arith.index_cast %add3A_172 : i32 to index
      %get3A_254 = tpu.vector_load %arg7[%get3A_251, %get3A_252, %get3A_253] {strides = array<i32>} : memref<2x5x1792xf32, #tpu.memory_space<vmem>>, vector<16xf32>,
      %get3A_255 = arith.constant 1 : i32
      %get3A_256 = arith.constant 3 : i32
      %get3A_257 = arith.index_cast %get3A_255 : i32 to index
      %get3A_258 = arith.index_cast %get3A_256 : i32 to index
      %get3A_259 = arith.index_cast %add3A_172 : i32 to index
      %get3A_260 = tpu.vector_load %arg8[%get3A_257, %get3A_258, %get3A_259] {strides = array<i32>} : memref<2x5x1792xf32, #tpu.memory_space<vmem>>, vector<16xf32>,
      %sub3A_261 = arith.subf %get3A_254, %get3A_260 : vector<16xf32>
      %abs3A_262 = math.absf %sub3A_261 : vector<16xf32>
      %min3A_263 = arith.constant 1.000000e+00 : f32
      %min3A_264 = vector.broadcast %min3A_263 : f32 to vector<16xf32>
      %min3A_265 = arith.minimumf %abs3A_262, %min3A_264 : vector<16xf32>
      %mul3A_266 = arith.constant 5.000000e-01 : f32
      %mul3A_267 = vector.broadcast %mul3A_266 : f32 to vector<16xf32>
      %mul3A_268 = arith.mulf %mul3A_267, %min3A_265 : vector<16xf32>
      %mul3A_269 = arith.mulf %mul3A_268, %min3A_265 : vector<16xf32>
      %sub3A_270 = arith.subf %abs3A_262, %min3A_265 : vector<16xf32>
      %add3A_271 = arith.addf %mul3A_269, %sub3A_270 : vector<16xf32>
      %add3A_272 = arith.addf %add3A_248, %add3A_271 : vector<16xf32>
      %get3A_273 = arith.constant 1 : i32
      %get3A_274 = arith.constant 4 : i32
      %get3A_275 = arith.index_cast %get3A_273 : i32 to index
      %get3A_276 = arith.index_cast %get3A_274 : i32 to index
      %get3A_277 = arith.index_cast %add3A_172 : i32 to index
      %get3A_278 = tpu.vector_load %arg7[%get3A_275, %get3A_276, %get3A_277] {strides = array<i32>} : memref<2x5x1792xf32, #tpu.memory_space<vmem>>, vector<16xf32>,
      %get3A_279 = arith.constant 1 : i32
      %get3A_280 = arith.constant 4 : i32
      %get3A_281 = arith.index_cast %get3A_279 : i32 to index
      %get3A_282 = arith.index_cast %get3A_280 : i32 to index
      %get3A_283 = arith.index_cast %add3A_172 : i32 to index
      %get3A_284 = tpu.vector_load %arg8[%get3A_281, %get3A_282, %get3A_283] {strides = array<i32>} : memref<2x5x1792xf32, #tpu.memory_space<vmem>>, vector<16xf32>,
      %sub3A_285 = arith.subf %get3A_278, %get3A_284 : vector<16xf32>
      %abs3A_286 = math.absf %sub3A_285 : vector<16xf32>
      %min3A_287 = arith.constant 1.000000e+00 : f32
      %min3A_288 = vector.broadcast %min3A_287 : f32 to vector<16xf32>
      %min3A_289 = arith.minimumf %abs3A_286, %min3A_288 : vector<16xf32>
      %mul3A_290 = arith.constant 5.000000e-01 : f32
      %mul3A_291 = vector.broadcast %mul3A_290 : f32 to vector<16xf32>
      %mul3A_292 = arith.mulf %mul3A_291, %min3A_289 : vector<16xf32>
      %mul3A_293 = arith.mulf %mul3A_292, %min3A_289 : vector<16xf32>
      %sub3A_294 = arith.subf %abs3A_286, %min3A_289 : vector<16xf32>
      %add3A_295 = arith.addf %mul3A_293, %sub3A_294 : vector<16xf32>
      %add3A_296 = arith.addf %add3A_272, %add3A_295 : vector<16xf32>
      %jit3A = arith.constant 0.000000e+00 : f32
      %broadcast_in_dim3A_297 = vector.broadcast %jit3A : f32 to vector<16xf32>
      %select_n3A = arith.select %eq3A_177, %add3A_296, %broadcast_in_dim3A_297 : vector<16xi1>, vector<16xf32>
      %add3A_298 = arith.addf %scan3A_167, %select_n3A : vector<16xf32>
      %jit3A_299 = arith.constant 1.000000e+00 : f32
      %jit3A_300 = arith.constant 0.000000e+00 : f32
      %broadcast_in_dim3A_301 = vector.broadcast %jit3A_299 : f32 to vector<16xf32>
      %broadcast_in_dim3A_302 = vector.broadcast %jit3A_300 : f32 to vector<16xf32>
      %select_n3A_303 = arith.select %eq3A_177, %broadcast_in_dim3A_301, %broadcast_in_dim3A_302 : vector<16xi1>, vector<16xf32>
      %add3A_304 = arith.addf %scan3A_168, %select_n3A_303 : vector<16xf32>
      %add3A_305 = arith.constant 16 : i32
      %add3A_306 = arith.addi %mul3A_170, %add3A_305 : i32
      %get3A_307 = arith.constant 1 : i32
      %get3A_308 = arith.index_cast %get3A_307 : i32 to index
      %get3A_309 = arith.index_cast %add3A_306 : i32 to index
      %get3A_310 = tpu.vector_load %arg9[%get3A_308, %get3A_309] {strides = array<i32>} : memref<2x1792xi32, #tpu.memory_space<vmem>>, vector<16xi32>,
      %eq3A_311 = arith.constant 1 : i32
      %eq3A_312 = vector.broadcast %eq3A_311 : i32 to vector<16xi32>
      %eq3A_313 = arith.cmpi eq, %get3A_310, %eq3A_312 : vector<16xi32>
      %broadcast_in_dim3A_314 = arith.constant 0.000000e+00 : f32
      %broadcast_in_dim3A_315 = vector.broadcast %broadcast_in_dim3A_314 : f32 to vector<16xf32>
      %get3A_316 = arith.constant 1 : i32
      %get3A_317 = arith.constant 0 : i32
      %get3A_318 = arith.index_cast %get3A_316 : i32 to index
      %get3A_319 = arith.index_cast %get3A_317 : i32 to index
      %get3A_320 = arith.index_cast %add3A_306 : i32 to index
      %get3A_321 = tpu.vector_load %arg7[%get3A_318, %get3A_319, %get3A_320] {strides = array<i32>} : memref<2x5x1792xf32, #tpu.memory_space<vmem>>, vector<16xf32>,
      %get3A_322 = arith.constant 1 : i32
      %get3A_323 = arith.constant 0 : i32
      %get3A_324 = arith.index_cast %get3A_322 : i32 to index
      %get3A_325 = arith.index_cast %get3A_323 : i32 to index
      %get3A_326 = arith.index_cast %add3A_306 : i32 to index
      %get3A_327 = tpu.vector_load %arg8[%get3A_324, %get3A_325, %get3A_326] {strides = array<i32>} : memref<2x5x1792xf32, #tpu.memory_space<vmem>>, vector<16xf32>,
      %sub3A_328 = arith.subf %get3A_321, %get3A_327 : vector<16xf32>
      %abs3A_329 = math.absf %sub3A_328 : vector<16xf32>
      %min3A_330 = arith.constant 1.000000e+00 : f32
      %min3A_331 = vector.broadcast %min3A_330 : f32 to vector<16xf32>
      %min3A_332 = arith.minimumf %abs3A_329, %min3A_331 : vector<16xf32>
      %mul3A_333 = arith.constant 5.000000e-01 : f32
      %mul3A_334 = vector.broadcast %mul3A_333 : f32 to vector<16xf32>
      %mul3A_335 = arith.mulf %mul3A_334, %min3A_332 : vector<16xf32>
      %mul3A_336 = arith.mulf %mul3A_335, %min3A_332 : vector<16xf32>
      %sub3A_337 = arith.subf %abs3A_329, %min3A_332 : vector<16xf32>
      %add3A_338 = arith.addf %mul3A_336, %sub3A_337 : vector<16xf32>
      %add3A_339 = arith.addf %broadcast_in_dim3A_315, %add3A_338 : vector<16xf32>
      %get3A_340 = arith.constant 1 : i32
      %get3A_341 = arith.constant 1 : i32
      %get3A_342 = arith.index_cast %get3A_340 : i32 to index
      %get3A_343 = arith.index_cast %get3A_341 : i32 to index
      %get3A_344 = arith.index_cast %add3A_306 : i32 to index
      %get3A_345 = tpu.vector_load %arg7[%get3A_342, %get3A_343, %get3A_344] {strides = array<i32>} : memref<2x5x1792xf32, #tpu.memory_space<vmem>>, vector<16xf32>,
      %get3A_346 = arith.constant 1 : i32
      %get3A_347 = arith.constant 1 : i32
      %get3A_348 = arith.index_cast %get3A_346 : i32 to index
      %get3A_349 = arith.index_cast %get3A_347 : i32 to index
      %get3A_350 = arith.index_cast %add3A_306 : i32 to index
      %get3A_351 = tpu.vector_load %arg8[%get3A_348, %get3A_349, %get3A_350] {strides = array<i32>} : memref<2x5x1792xf32, #tpu.memory_space<vmem>>, vector<16xf32>,
      %sub3A_352 = arith.subf %get3A_345, %get3A_351 : vector<16xf32>
      %abs3A_353 = math.absf %sub3A_352 : vector<16xf32>
      %min3A_354 = arith.constant 1.000000e+00 : f32
      %min3A_355 = vector.broadcast %min3A_354 : f32 to vector<16xf32>
      %min3A_356 = arith.minimumf %abs3A_353, %min3A_355 : vector<16xf32>
      %mul3A_357 = arith.constant 5.000000e-01 : f32
      %mul3A_358 = vector.broadcast %mul3A_357 : f32 to vector<16xf32>
      %mul3A_359 = arith.mulf %mul3A_358, %min3A_356 : vector<16xf32>
      %mul3A_360 = arith.mulf %mul3A_359, %min3A_356 : vector<16xf32>
      %sub3A_361 = arith.subf %abs3A_353, %min3A_356 : vector<16xf32>
      %add3A_362 = arith.addf %mul3A_360, %sub3A_361 : vector<16xf32>
      %add3A_363 = arith.addf %add3A_339, %add3A_362 : vector<16xf32>
      %get3A_364 = arith.constant 1 : i32
      %get3A_365 = arith.constant 2 : i32
      %get3A_366 = arith.index_cast %get3A_364 : i32 to index
      %get3A_367 = arith.index_cast %get3A_365 : i32 to index
      %get3A_368 = arith.index_cast %add3A_306 : i32 to index
      %get3A_369 = tpu.vector_load %arg7[%get3A_366, %get3A_367, %get3A_368] {strides = array<i32>} : memref<2x5x1792xf32, #tpu.memory_space<vmem>>, vector<16xf32>,
      %get3A_370 = arith.constant 1 : i32
      %get3A_371 = arith.constant 2 : i32
      %get3A_372 = arith.index_cast %get3A_370 : i32 to index
      %get3A_373 = arith.index_cast %get3A_371 : i32 to index
      %get3A_374 = arith.index_cast %add3A_306 : i32 to index
      %get3A_375 = tpu.vector_load %arg8[%get3A_372, %get3A_373, %get3A_374] {strides = array<i32>} : memref<2x5x1792xf32, #tpu.memory_space<vmem>>, vector<16xf32>,
      %sub3A_376 = arith.subf %get3A_369, %get3A_375 : vector<16xf32>
      %abs3A_377 = math.absf %sub3A_376 : vector<16xf32>
      %min3A_378 = arith.constant 1.000000e+00 : f32
      %min3A_379 = vector.broadcast %min3A_378 : f32 to vector<16xf32>
      %min3A_380 = arith.minimumf %abs3A_377, %min3A_379 : vector<16xf32>
      %mul3A_381 = arith.constant 5.000000e-01 : f32
      %mul3A_382 = vector.broadcast %mul3A_381 : f32 to vector<16xf32>
      %mul3A_383 = arith.mulf %mul3A_382, %min3A_380 : vector<16xf32>
      %mul3A_384 = arith.mulf %mul3A_383, %min3A_380 : vector<16xf32>
      %sub3A_385 = arith.subf %abs3A_377, %min3A_380 : vector<16xf32>
      %add3A_386 = arith.addf %mul3A_384, %sub3A_385 : vector<16xf32>
      %add3A_387 = arith.addf %add3A_363, %add3A_386 : vector<16xf32>
      %get3A_388 = arith.constant 1 : i32
      %get3A_389 = arith.constant 3 : i32
      %get3A_390 = arith.index_cast %get3A_388 : i32 to index
      %get3A_391 = arith.index_cast %get3A_389 : i32 to index
      %get3A_392 = arith.index_cast %add3A_306 : i32 to index
      %get3A_393 = tpu.vector_load %arg7[%get3A_390, %get3A_391, %get3A_392] {strides = array<i32>} : memref<2x5x1792xf32, #tpu.memory_space<vmem>>, vector<16xf32>,
      %get3A_394 = arith.constant 1 : i32
      %get3A_395 = arith.constant 3 : i32
      %get3A_396 = arith.index_cast %get3A_394 : i32 to index
      %get3A_397 = arith.index_cast %get3A_395 : i32 to index
      %get3A_398 = arith.index_cast %add3A_306 : i32 to index
      %get3A_399 = tpu.vector_load %arg8[%get3A_396, %get3A_397, %get3A_398] {strides = array<i32>} : memref<2x5x1792xf32, #tpu.memory_space<vmem>>, vector<16xf32>,
      %sub3A_400 = arith.subf %get3A_393, %get3A_399 : vector<16xf32>
      %abs3A_401 = math.absf %sub3A_400 : vector<16xf32>
      %min3A_402 = arith.constant 1.000000e+00 : f32
      %min3A_403 = vector.broadcast %min3A_402 : f32 to vector<16xf32>
      %min3A_404 = arith.minimumf %abs3A_401, %min3A_403 : vector<16xf32>
      %mul3A_405 = arith.constant 5.000000e-01 : f32
      %mul3A_406 = vector.broadcast %mul3A_405 : f32 to vector<16xf32>
      %mul3A_407 = arith.mulf %mul3A_406, %min3A_404 : vector<16xf32>
      %mul3A_408 = arith.mulf %mul3A_407, %min3A_404 : vector<16xf32>
      %sub3A_409 = arith.subf %abs3A_401, %min3A_404 : vector<16xf32>
      %add3A_410 = arith.addf %mul3A_408, %sub3A_409 : vector<16xf32>
      %add3A_411 = arith.addf %add3A_387, %add3A_410 : vector<16xf32>
      %get3A_412 = arith.constant 1 : i32
      %get3A_413 = arith.constant 4 : i32
      %get3A_414 = arith.index_cast %get3A_412 : i32 to index
      %get3A_415 = arith.index_cast %get3A_413 : i32 to index
      %get3A_416 = arith.index_cast %add3A_306 : i32 to index
      %get3A_417 = tpu.vector_load %arg7[%get3A_414, %get3A_415, %get3A_416] {strides = array<i32>} : memref<2x5x1792xf32, #tpu.memory_space<vmem>>, vector<16xf32>,
      %get3A_418 = arith.constant 1 : i32
      %get3A_419 = arith.constant 4 : i32
      %get3A_420 = arith.index_cast %get3A_418 : i32 to index
      %get3A_421 = arith.index_cast %get3A_419 : i32 to index
      %get3A_422 = arith.index_cast %add3A_306 : i32 to index
      %get3A_423 = tpu.vector_load %arg8[%get3A_420, %get3A_421, %get3A_422] {strides = array<i32>} : memref<2x5x1792xf32, #tpu.memory_space<vmem>>, vector<16xf32>,
      %sub3A_424 = arith.subf %get3A_417, %get3A_423 : vector<16xf32>
      %abs3A_425 = math.absf %sub3A_424 : vector<16xf32>
      %min3A_426 = arith.constant 1.000000e+00 : f32
      %min3A_427 = vector.broadcast %min3A_426 : f32 to vector<16xf32>
      %min3A_428 = arith.minimumf %abs3A_425, %min3A_427 : vector<16xf32>
      %mul3A_429 = arith.constant 5.000000e-01 : f32
      %mul3A_430 = vector.broadcast %mul3A_429 : f32 to vector<16xf32>
      %mul3A_431 = arith.mulf %mul3A_430, %min3A_428 : vector<16xf32>
      %mul3A_432 = arith.mulf %mul3A_431, %min3A_428 : vector<16xf32>
      %sub3A_433 = arith.subf %abs3A_425, %min3A_428 : vector<16xf32>
      %add3A_434 = arith.addf %mul3A_432, %sub3A_433 : vector<16xf32>
      %add3A_435 = arith.addf %add3A_411, %add3A_434 : vector<16xf32>
      %jit3A_436 = arith.constant 0.000000e+00 : f32
      %broadcast_in_dim3A_437 = vector.broadcast %jit3A_436 : f32 to vector<16xf32>
      %select_n3A_438 = arith.select %eq3A_313, %add3A_435, %broadcast_in_dim3A_437 : vector<16xi1>, vector<16xf32>
      %add3A_439 = arith.addf %add3A_298, %select_n3A_438 : vector<16xf32>
      %jit3A_440 = arith.constant 1.000000e+00 : f32
      %jit3A_441 = arith.constant 0.000000e+00 : f32
      %broadcast_in_dim3A_442 = vector.broadcast %jit3A_440 : f32 to vector<16xf32>
      %broadcast_in_dim3A_443 = vector.broadcast %jit3A_441 : f32 to vector<16xf32>
      %select_n3A_444 = arith.select %eq3A_313, %broadcast_in_dim3A_442, %broadcast_in_dim3A_443 : vector<16xi1>, vector<16xf32>
      %add3A_445 = arith.addf %add3A_304, %select_n3A_444 : vector<16xf32>
      %add3A_446 = arith.constant 32 : i32
      %add3A_447 = arith.addi %mul3A_170, %add3A_446 : i32
      %get3A_448 = arith.constant 1 : i32
      %get3A_449 = arith.index_cast %get3A_448 : i32 to index
      %get3A_450 = arith.index_cast %add3A_447 : i32 to index
      %get3A_451 = tpu.vector_load %arg9[%get3A_449, %get3A_450] {strides = array<i32>} : memref<2x1792xi32, #tpu.memory_space<vmem>>, vector<16xi32>,
      %eq3A_452 = arith.constant 1 : i32
      %eq3A_453 = vector.broadcast %eq3A_452 : i32 to vector<16xi32>
      %eq3A_454 = arith.cmpi eq, %get3A_451, %eq3A_453 : vector<16xi32>
      %broadcast_in_dim3A_455 = arith.constant 0.000000e+00 : f32
      %broadcast_in_dim3A_456 = vector.broadcast %broadcast_in_dim3A_455 : f32 to vector<16xf32>
      %get3A_457 = arith.constant 1 : i32
      %get3A_458 = arith.constant 0 : i32
      %get3A_459 = arith.index_cast %get3A_457 : i32 to index
      %get3A_460 = arith.index_cast %get3A_458 : i32 to index
      %get3A_461 = arith.index_cast %add3A_447 : i32 to index
      %get3A_462 = tpu.vector_load %arg7[%get3A_459, %get3A_460, %get3A_461] {strides = array<i32>} : memref<2x5x1792xf32, #tpu.memory_space<vmem>>, vector<16xf32>,
      %get3A_463 = arith.constant 1 : i32
      %get3A_464 = arith.constant 0 : i32
      %get3A_465 = arith.index_cast %get3A_463 : i32 to index
      %get3A_466 = arith.index_cast %get3A_464 : i32 to index
      %get3A_467 = arith.index_cast %add3A_447 : i32 to index
      %get3A_468 = tpu.vector_load %arg8[%get3A_465, %get3A_466, %get3A_467] {strides = array<i32>} : memref<2x5x1792xf32, #tpu.memory_space<vmem>>, vector<16xf32>,
      %sub3A_469 = arith.subf %get3A_462, %get3A_468 : vector<16xf32>
      %abs3A_470 = math.absf %sub3A_469 : vector<16xf32>
      %min3A_471 = arith.constant 1.000000e+00 : f32
      %min3A_472 = vector.broadcast %min3A_471 : f32 to vector<16xf32>
      %min3A_473 = arith.minimumf %abs3A_470, %min3A_472 : vector<16xf32>
      %mul3A_474 = arith.constant 5.000000e-01 : f32
      %mul3A_475 = vector.broadcast %mul3A_474 : f32 to vector<16xf32>
      %mul3A_476 = arith.mulf %mul3A_475, %min3A_473 : vector<16xf32>
      %mul3A_477 = arith.mulf %mul3A_476, %min3A_473 : vector<16xf32>
      %sub3A_478 = arith.subf %abs3A_470, %min3A_473 : vector<16xf32>
      %add3A_479 = arith.addf %mul3A_477, %sub3A_478 : vector<16xf32>
      %add3A_480 = arith.addf %broadcast_in_dim3A_456, %add3A_479 : vector<16xf32>
      %get3A_481 = arith.constant 1 : i32
      %get3A_482 = arith.constant 1 : i32
      %get3A_483 = arith.index_cast %get3A_481 : i32 to index
      %get3A_484 = arith.index_cast %get3A_482 : i32 to index
      %get3A_485 = arith.index_cast %add3A_447 : i32 to index
      %get3A_486 = tpu.vector_load %arg7[%get3A_483, %get3A_484, %get3A_485] {strides = array<i32>} : memref<2x5x1792xf32, #tpu.memory_space<vmem>>, vector<16xf32>,
      %get3A_487 = arith.constant 1 : i32
      %get3A_488 = arith.constant 1 : i32
      %get3A_489 = arith.index_cast %get3A_487 : i32 to index
      %get3A_490 = arith.index_cast %get3A_488 : i32 to index
      %get3A_491 = arith.index_cast %add3A_447 : i32 to index
      %get3A_492 = tpu.vector_load %arg8[%get3A_489, %get3A_490, %get3A_491] {strides = array<i32>} : memref<2x5x1792xf32, #tpu.memory_space<vmem>>, vector<16xf32>,
      %sub3A_493 = arith.subf %get3A_486, %get3A_492 : vector<16xf32>
      %abs3A_494 = math.absf %sub3A_493 : vector<16xf32>
      %min3A_495 = arith.constant 1.000000e+00 : f32
      %min3A_496 = vector.broadcast %min3A_495 : f32 to vector<16xf32>
      %min3A_497 = arith.minimumf %abs3A_494, %min3A_496 : vector<16xf32>
      %mul3A_498 = arith.constant 5.000000e-01 : f32
      %mul3A_499 = vector.broadcast %mul3A_498 : f32 to vector<16xf32>
      %mul3A_500 = arith.mulf %mul3A_499, %min3A_497 : vector<16xf32>
      %mul3A_501 = arith.mulf %mul3A_500, %min3A_497 : vector<16xf32>
      %sub3A_502 = arith.subf %abs3A_494, %min3A_497 : vector<16xf32>
      %add3A_503 = arith.addf %mul3A_501, %sub3A_502 : vector<16xf32>
      %add3A_504 = arith.addf %add3A_480, %add3A_503 : vector<16xf32>
      %get3A_505 = arith.constant 1 : i32
      %get3A_506 = arith.constant 2 : i32
      %get3A_507 = arith.index_cast %get3A_505 : i32 to index
      %get3A_508 = arith.index_cast %get3A_506 : i32 to index
      %get3A_509 = arith.index_cast %add3A_447 : i32 to index
      %get3A_510 = tpu.vector_load %arg7[%get3A_507, %get3A_508, %get3A_509] {strides = array<i32>} : memref<2x5x1792xf32, #tpu.memory_space<vmem>>, vector<16xf32>,
      %get3A_511 = arith.constant 1 : i32
      %get3A_512 = arith.constant 2 : i32
      %get3A_513 = arith.index_cast %get3A_511 : i32 to index
      %get3A_514 = arith.index_cast %get3A_512 : i32 to index
      %get3A_515 = arith.index_cast %add3A_447 : i32 to index
      %get3A_516 = tpu.vector_load %arg8[%get3A_513, %get3A_514, %get3A_515] {strides = array<i32>} : memref<2x5x1792xf32, #tpu.memory_space<vmem>>, vector<16xf32>,
      %sub3A_517 = arith.subf %get3A_510, %get3A_516 : vector<16xf32>
      %abs3A_518 = math.absf %sub3A_517 : vector<16xf32>
      %min3A_519 = arith.constant 1.000000e+00 : f32
      %min3A_520 = vector.broadcast %min3A_519 : f32 to vector<16xf32>
      %min3A_521 = arith.minimumf %abs3A_518, %min3A_520 : vector<16xf32>
      %mul3A_522 = arith.constant 5.000000e-01 : f32
      %mul3A_523 = vector.broadcast %mul3A_522 : f32 to vector<16xf32>
      %mul3A_524 = arith.mulf %mul3A_523, %min3A_521 : vector<16xf32>
      %mul3A_525 = arith.mulf %mul3A_524, %min3A_521 : vector<16xf32>
      %sub3A_526 = arith.subf %abs3A_518, %min3A_521 : vector<16xf32>
      %add3A_527 = arith.addf %mul3A_525, %sub3A_526 : vector<16xf32>
      %add3A_528 = arith.addf %add3A_504, %add3A_527 : vector<16xf32>
      %get3A_529 = arith.constant 1 : i32
      %get3A_530 = arith.constant 3 : i32
      %get3A_531 = arith.index_cast %get3A_529 : i32 to index
      %get3A_532 = arith.index_cast %get3A_530 : i32 to index
      %get3A_533 = arith.index_cast %add3A_447 : i32 to index
      %get3A_534 = tpu.vector_load %arg7[%get3A_531, %get3A_532, %get3A_533] {strides = array<i32>} : memref<2x5x1792xf32, #tpu.memory_space<vmem>>, vector<16xf32>,
      %get3A_535 = arith.constant 1 : i32
      %get3A_536 = arith.constant 3 : i32
      %get3A_537 = arith.index_cast %get3A_535 : i32 to index
      %get3A_538 = arith.index_cast %get3A_536 : i32 to index
      %get3A_539 = arith.index_cast %add3A_447 : i32 to index
      %get3A_540 = tpu.vector_load %arg8[%get3A_537, %get3A_538, %get3A_539] {strides = array<i32>} : memref<2x5x1792xf32, #tpu.memory_space<vmem>>, vector<16xf32>,
      %sub3A_541 = arith.subf %get3A_534, %get3A_540 : vector<16xf32>
      %abs3A_542 = math.absf %sub3A_541 : vector<16xf32>
      %min3A_543 = arith.constant 1.000000e+00 : f32
      %min3A_544 = vector.broadcast %min3A_543 : f32 to vector<16xf32>
      %min3A_545 = arith.minimumf %abs3A_542, %min3A_544 : vector<16xf32>
      %mul3A_546 = arith.constant 5.000000e-01 : f32
      %mul3A_547 = vector.broadcast %mul3A_546 : f32 to vector<16xf32>
      %mul3A_548 = arith.mulf %mul3A_547, %min3A_545 : vector<16xf32>
      %mul3A_549 = arith.mulf %mul3A_548, %min3A_545 : vector<16xf32>
      %sub3A_550 = arith.subf %abs3A_542, %min3A_545 : vector<16xf32>
      %add3A_551 = arith.addf %mul3A_549, %sub3A_550 : vector<16xf32>
      %add3A_552 = arith.addf %add3A_528, %add3A_551 : vector<16xf32>
      %get3A_553 = arith.constant 1 : i32
      %get3A_554 = arith.constant 4 : i32
      %get3A_555 = arith.index_cast %get3A_553 : i32 to index
      %get3A_556 = arith.index_cast %get3A_554 : i32 to index
      %get3A_557 = arith.index_cast %add3A_447 : i32 to index
      %get3A_558 = tpu.vector_load %arg7[%get3A_555, %get3A_556, %get3A_557] {strides = array<i32>} : memref<2x5x1792xf32, #tpu.memory_space<vmem>>, vector<16xf32>,
      %get3A_559 = arith.constant 1 : i32
      %get3A_560 = arith.constant 4 : i32
      %get3A_561 = arith.index_cast %get3A_559 : i32 to index
      %get3A_562 = arith.index_cast %get3A_560 : i32 to index
      %get3A_563 = arith.index_cast %add3A_447 : i32 to index
      %get3A_564 = tpu.vector_load %arg8[%get3A_561, %get3A_562, %get3A_563] {strides = array<i32>} : memref<2x5x1792xf32, #tpu.memory_space<vmem>>, vector<16xf32>,
      %sub3A_565 = arith.subf %get3A_558, %get3A_564 : vector<16xf32>
      %abs3A_566 = math.absf %sub3A_565 : vector<16xf32>
      %min3A_567 = arith.constant 1.000000e+00 : f32
      %min3A_568 = vector.broadcast %min3A_567 : f32 to vector<16xf32>
      %min3A_569 = arith.minimumf %abs3A_566, %min3A_568 : vector<16xf32>
      %mul3A_570 = arith.constant 5.000000e-01 : f32
      %mul3A_571 = vector.broadcast %mul3A_570 : f32 to vector<16xf32>
      %mul3A_572 = arith.mulf %mul3A_571, %min3A_569 : vector<16xf32>
      %mul3A_573 = arith.mulf %mul3A_572, %min3A_569 : vector<16xf32>
      %sub3A_574 = arith.subf %abs3A_566, %min3A_569 : vector<16xf32>
      %add3A_575 = arith.addf %mul3A_573, %sub3A_574 : vector<16xf32>
      %add3A_576 = arith.addf %add3A_552, %add3A_575 : vector<16xf32>
      %jit3A_577 = arith.constant 0.000000e+00 : f32
      %broadcast_in_dim3A_578 = vector.broadcast %jit3A_577 : f32 to vector<16xf32>
      %select_n3A_579 = arith.select %eq3A_454, %add3A_576, %broadcast_in_dim3A_578 : vector<16xi1>, vector<16xf32>
      %add3A_580 = arith.addf %add3A_439, %select_n3A_579 : vector<16xf32>
      %jit3A_581 = arith.constant 1.000000e+00 : f32
      %jit3A_582 = arith.constant 0.000000e+00 : f32
      %broadcast_in_dim3A_583 = vector.broadcast %jit3A_581 : f32 to vector<16xf32>
      %broadcast_in_dim3A_584 = vector.broadcast %jit3A_582 : f32 to vector<16xf32>
      %select_n3A_585 = arith.select %eq3A_454, %broadcast_in_dim3A_583, %broadcast_in_dim3A_584 : vector<16xi1>, vector<16xf32>
      %add3A_586 = arith.addf %add3A_445, %select_n3A_585 : vector<16xf32>
      %add3A_587 = arith.constant 48 : i32
      %add3A_588 = arith.addi %mul3A_170, %add3A_587 : i32
      %get3A_589 = arith.constant 1 : i32
      %get3A_590 = arith.index_cast %get3A_589 : i32 to index
      %get3A_591 = arith.index_cast %add3A_588 : i32 to index
      %get3A_592 = tpu.vector_load %arg9[%get3A_590, %get3A_591] {strides = array<i32>} : memref<2x1792xi32, #tpu.memory_space<vmem>>, vector<16xi32>,
      %eq3A_593 = arith.constant 1 : i32
      %eq3A_594 = vector.broadcast %eq3A_593 : i32 to vector<16xi32>
      %eq3A_595 = arith.cmpi eq, %get3A_592, %eq3A_594 : vector<16xi32>
      %broadcast_in_dim3A_596 = arith.constant 0.000000e+00 : f32
      %broadcast_in_dim3A_597 = vector.broadcast %broadcast_in_dim3A_596 : f32 to vector<16xf32>
      %get3A_598 = arith.constant 1 : i32
      %get3A_599 = arith.constant 0 : i32
      %get3A_600 = arith.index_cast %get3A_598 : i32 to index
      %get3A_601 = arith.index_cast %get3A_599 : i32 to index
      %get3A_602 = arith.index_cast %add3A_588 : i32 to index
      %get3A_603 = tpu.vector_load %arg7[%get3A_600, %get3A_601, %get3A_602] {strides = array<i32>} : memref<2x5x1792xf32, #tpu.memory_space<vmem>>, vector<16xf32>,
      %get3A_604 = arith.constant 1 : i32
      %get3A_605 = arith.constant 0 : i32
      %get3A_606 = arith.index_cast %get3A_604 : i32 to index
      %get3A_607 = arith.index_cast %get3A_605 : i32 to index
      %get3A_608 = arith.index_cast %add3A_588 : i32 to index
      %get3A_609 = tpu.vector_load %arg8[%get3A_606, %get3A_607, %get3A_608] {strides = array<i32>} : memref<2x5x1792xf32, #tpu.memory_space<vmem>>, vector<16xf32>,
      %sub3A_610 = arith.subf %get3A_603, %get3A_609 : vector<16xf32>
      %abs3A_611 = math.absf %sub3A_610 : vector<16xf32>
      %min3A_612 = arith.constant 1.000000e+00 : f32
      %min3A_613 = vector.broadcast %min3A_612 : f32 to vector<16xf32>
      %min3A_614 = arith.minimumf %abs3A_611, %min3A_613 : vector<16xf32>
      %mul3A_615 = arith.constant 5.000000e-01 : f32
      %mul3A_616 = vector.broadcast %mul3A_615 : f32 to vector<16xf32>
      %mul3A_617 = arith.mulf %mul3A_616, %min3A_614 : vector<16xf32>
      %mul3A_618 = arith.mulf %mul3A_617, %min3A_614 : vector<16xf32>
      %sub3A_619 = arith.subf %abs3A_611, %min3A_614 : vector<16xf32>
      %add3A_620 = arith.addf %mul3A_618, %sub3A_619 : vector<16xf32>
      %add3A_621 = arith.addf %broadcast_in_dim3A_597, %add3A_620 : vector<16xf32>
      %get3A_622 = arith.constant 1 : i32
      %get3A_623 = arith.constant 1 : i32
      %get3A_624 = arith.index_cast %get3A_622 : i32 to index
      %get3A_625 = arith.index_cast %get3A_623 : i32 to index
      %get3A_626 = arith.index_cast %add3A_588 : i32 to index
      %get3A_627 = tpu.vector_load %arg7[%get3A_624, %get3A_625, %get3A_626] {strides = array<i32>} : memref<2x5x1792xf32, #tpu.memory_space<vmem>>, vector<16xf32>,
      %get3A_628 = arith.constant 1 : i32
      %get3A_629 = arith.constant 1 : i32
      %get3A_630 = arith.index_cast %get3A_628 : i32 to index
      %get3A_631 = arith.index_cast %get3A_629 : i32 to index
      %get3A_632 = arith.index_cast %add3A_588 : i32 to index
      %get3A_633 = tpu.vector_load %arg8[%get3A_630, %get3A_631, %get3A_632] {strides = array<i32>} : memref<2x5x1792xf32, #tpu.memory_space<vmem>>, vector<16xf32>,
      %sub3A_634 = arith.subf %get3A_627, %get3A_633 : vector<16xf32>
      %abs3A_635 = math.absf %sub3A_634 : vector<16xf32>
      %min3A_636 = arith.constant 1.000000e+00 : f32
      %min3A_637 = vector.broadcast %min3A_636 : f32 to vector<16xf32>
      %min3A_638 = arith.minimumf %abs3A_635, %min3A_637 : vector<16xf32>
      %mul3A_639 = arith.constant 5.000000e-01 : f32
      %mul3A_640 = vector.broadcast %mul3A_639 : f32 to vector<16xf32>
      %mul3A_641 = arith.mulf %mul3A_640, %min3A_638 : vector<16xf32>
      %mul3A_642 = arith.mulf %mul3A_641, %min3A_638 : vector<16xf32>
      %sub3A_643 = arith.subf %abs3A_635, %min3A_638 : vector<16xf32>
      %add3A_644 = arith.addf %mul3A_642, %sub3A_643 : vector<16xf32>
      %add3A_645 = arith.addf %add3A_621, %add3A_644 : vector<16xf32>
      %get3A_646 = arith.constant 1 : i32
      %get3A_647 = arith.constant 2 : i32
      %get3A_648 = arith.index_cast %get3A_646 : i32 to index
      %get3A_649 = arith.index_cast %get3A_647 : i32 to index
      %get3A_650 = arith.index_cast %add3A_588 : i32 to index
      %get3A_651 = tpu.vector_load %arg7[%get3A_648, %get3A_649, %get3A_650] {strides = array<i32>} : memref<2x5x1792xf32, #tpu.memory_space<vmem>>, vector<16xf32>,
      %get3A_652 = arith.constant 1 : i32
      %get3A_653 = arith.constant 2 : i32
      %get3A_654 = arith.index_cast %get3A_652 : i32 to index
      %get3A_655 = arith.index_cast %get3A_653 : i32 to index
      %get3A_656 = arith.index_cast %add3A_588 : i32 to index
      %get3A_657 = tpu.vector_load %arg8[%get3A_654, %get3A_655, %get3A_656] {strides = array<i32>} : memref<2x5x1792xf32, #tpu.memory_space<vmem>>, vector<16xf32>,
      %sub3A_658 = arith.subf %get3A_651, %get3A_657 : vector<16xf32>
      %abs3A_659 = math.absf %sub3A_658 : vector<16xf32>
      %min3A_660 = arith.constant 1.000000e+00 : f32
      %min3A_661 = vector.broadcast %min3A_660 : f32 to vector<16xf32>
      %min3A_662 = arith.minimumf %abs3A_659, %min3A_661 : vector<16xf32>
      %mul3A_663 = arith.constant 5.000000e-01 : f32
      %mul3A_664 = vector.broadcast %mul3A_663 : f32 to vector<16xf32>
      %mul3A_665 = arith.mulf %mul3A_664, %min3A_662 : vector<16xf32>
      %mul3A_666 = arith.mulf %mul3A_665, %min3A_662 : vector<16xf32>
      %sub3A_667 = arith.subf %abs3A_659, %min3A_662 : vector<16xf32>
      %add3A_668 = arith.addf %mul3A_666, %sub3A_667 : vector<16xf32>
      %add3A_669 = arith.addf %add3A_645, %add3A_668 : vector<16xf32>
      %get3A_670 = arith.constant 1 : i32
      %get3A_671 = arith.constant 3 : i32
      %get3A_672 = arith.index_cast %get3A_670 : i32 to index
      %get3A_673 = arith.index_cast %get3A_671 : i32 to index
      %get3A_674 = arith.index_cast %add3A_588 : i32 to index
      %get3A_675 = tpu.vector_load %arg7[%get3A_672, %get3A_673, %get3A_674] {strides = array<i32>} : memref<2x5x1792xf32, #tpu.memory_space<vmem>>, vector<16xf32>,
      %get3A_676 = arith.constant 1 : i32
      %get3A_677 = arith.constant 3 : i32
      %get3A_678 = arith.index_cast %get3A_676 : i32 to index
      %get3A_679 = arith.index_cast %get3A_677 : i32 to index
      %get3A_680 = arith.index_cast %add3A_588 : i32 to index
      %get3A_681 = tpu.vector_load %arg8[%get3A_678, %get3A_679, %get3A_680] {strides = array<i32>} : memref<2x5x1792xf32, #tpu.memory_space<vmem>>, vector<16xf32>,
      %sub3A_682 = arith.subf %get3A_675, %get3A_681 : vector<16xf32>
      %abs3A_683 = math.absf %sub3A_682 : vector<16xf32>
      %min3A_684 = arith.constant 1.000000e+00 : f32
      %min3A_685 = vector.broadcast %min3A_684 : f32 to vector<16xf32>
      %min3A_686 = arith.minimumf %abs3A_683, %min3A_685 : vector<16xf32>
      %mul3A_687 = arith.constant 5.000000e-01 : f32
      %mul3A_688 = vector.broadcast %mul3A_687 : f32 to vector<16xf32>
      %mul3A_689 = arith.mulf %mul3A_688, %min3A_686 : vector<16xf32>
      %mul3A_690 = arith.mulf %mul3A_689, %min3A_686 : vector<16xf32>
      %sub3A_691 = arith.subf %abs3A_683, %min3A_686 : vector<16xf32>
      %add3A_692 = arith.addf %mul3A_690, %sub3A_691 : vector<16xf32>
      %add3A_693 = arith.addf %add3A_669, %add3A_692 : vector<16xf32>
      %get3A_694 = arith.constant 1 : i32
      %get3A_695 = arith.constant 4 : i32
      %get3A_696 = arith.index_cast %get3A_694 : i32 to index
      %get3A_697 = arith.index_cast %get3A_695 : i32 to index
      %get3A_698 = arith.index_cast %add3A_588 : i32 to index
      %get3A_699 = tpu.vector_load %arg7[%get3A_696, %get3A_697, %get3A_698] {strides = array<i32>} : memref<2x5x1792xf32, #tpu.memory_space<vmem>>, vector<16xf32>,
      %get3A_700 = arith.constant 1 : i32
      %get3A_701 = arith.constant 4 : i32
      %get3A_702 = arith.index_cast %get3A_700 : i32 to index
      %get3A_703 = arith.index_cast %get3A_701 : i32 to index
      %get3A_704 = arith.index_cast %add3A_588 : i32 to index
      %get3A_705 = tpu.vector_load %arg8[%get3A_702, %get3A_703, %get3A_704] {strides = array<i32>} : memref<2x5x1792xf32, #tpu.memory_space<vmem>>, vector<16xf32>,
      %sub3A_706 = arith.subf %get3A_699, %get3A_705 : vector<16xf32>
      %abs3A_707 = math.absf %sub3A_706 : vector<16xf32>
      %min3A_708 = arith.constant 1.000000e+00 : f32
      %min3A_709 = vector.broadcast %min3A_708 : f32 to vector<16xf32>
      %min3A_710 = arith.minimumf %abs3A_707, %min3A_709 : vector<16xf32>
      %mul3A_711 = arith.constant 5.000000e-01 : f32
      %mul3A_712 = vector.broadcast %mul3A_711 : f32 to vector<16xf32>
      %mul3A_713 = arith.mulf %mul3A_712, %min3A_710 : vector<16xf32>
      %mul3A_714 = arith.mulf %mul3A_713, %min3A_710 : vector<16xf32>
      %sub3A_715 = arith.subf %abs3A_707, %min3A_710 : vector<16xf32>
      %add3A_716 = arith.addf %mul3A_714, %sub3A_715 : vector<16xf32>
      %add3A_717 = arith.addf %add3A_693, %add3A_716 : vector<16xf32>
      %jit3A_718 = arith.constant 0.000000e+00 : f32
      %broadcast_in_dim3A_719 = vector.broadcast %jit3A_718 : f32 to vector<16xf32>
      %select_n3A_720 = arith.select %eq3A_595, %add3A_717, %broadcast_in_dim3A_719 : vector<16xi1>, vector<16xf32>
      %add3A_721 = arith.addf %add3A_580, %select_n3A_720 : vector<16xf32>
      %jit3A_722 = arith.constant 1.000000e+00 : f32
      %jit3A_723 = arith.constant 0.000000e+00 : f32
      %broadcast_in_dim3A_724 = vector.broadcast %jit3A_722 : f32 to vector<16xf32>
      %broadcast_in_dim3A_725 = vector.broadcast %jit3A_723 : f32 to vector<16xf32>
      %select_n3A_726 = arith.select %eq3A_595, %broadcast_in_dim3A_724, %broadcast_in_dim3A_725 : vector<16xi1>, vector<16xf32>
      %add3A_727 = arith.addf %add3A_586, %select_n3A_726 : vector<16xf32>
      scf.yield %add3A_721, %add3A_727 : vector<16xf32>, vector<16xf32>
    }
    %scan3A_160 = arith.constant 28 : i32
    %swap3A = arith.constant 0 : index
    %swap3A_161 = tpu.vector_load %arg10[%swap3A] {strides = array<i32>} : memref<16xf32, #tpu.memory_space<vmem>>, vector<16xf32>,
    tpu.vector_store %arg10[%swap3A], %scan3A_159#0 {strides = array<i32>} : memref<16xf32, #tpu.memory_space<vmem>>, vector<16xf32>,
    %swap3A_162 = arith.constant 0 : index
    %swap3A_163 = tpu.vector_load %arg11[%swap3A_162] {strides = array<i32>} : memref<16xf32, #tpu.memory_space<vmem>>, vector<16xf32>,
    tpu.vector_store %arg11[%swap3A_162], %scan3A_159#1 {strides = array<i32>} : memref<16xf32, #tpu.memory_space<vmem>>, vector<16xf32>,
    %lt3A = arith.constant 4 : i32
    %lt3A_164 = arith.cmpi slt, %add3A, %lt3A : i32
    %convert_element_type3A = arith.extui %lt3A_164 : i1 to i32
    %cond3A = arith.constant 0 : i32
    %cond3A_165 = arith.cmpi ne, %convert_element_type3A, %cond3A : i32
    scf.if %cond3A_165 {
      %mul3A_166 = arith.constant 128 : i32
      %mul3A_167 = arith.muli %add3A, %mul3A_166 : i32
      %add3A_168 = arith.constant 319488 : i32
      %add3A_169 = arith.addi %add3A_168, %mul3A_167 : i32
      %dma_start3A_170 = arith.constant 0 : i32
      %dma_start3A_171 = arith.constant 0 : i32
      %dma_start3A_172 = arith.constant 0 : i32
      %dma_start3A_173 = tpu.memref_slice %arg7[%dma_start3A_170, %dma_start3A_171, %dma_start3A_172] : memref<2x5x1792xf32, #tpu.memory_space<vmem>> -> memref<1x5x128xf32, #tpu.memory_space<vmem>>
      %dma_start3A_174 = tpu.memref_squeeze %dma_start3A_173 : memref<1x5x128xf32, #tpu.memory_space<vmem>> -> memref<5x128xf32, #tpu.memory_space<vmem>>
      %dma_start3A_175 = arith.constant 0 : i32
      %dma_start3A_176 = tpu.memref_slice %arg2[%dma_start3A_175, %add3A_169] : memref<5x320000xf32, #tpu.memory_space<hbm>> -> memref<5x128xf32, #tpu.memory_space<hbm>>
      %dma_start3A_177 = arith.constant 0 : i32
      %dma_start3A_178 = arith.constant 0 : i32
      %dma_start3A_179 = tpu.memref_slice %arg7[%dma_start3A_170, %dma_start3A_177, %dma_start3A_178] : memref<2x5x1792xf32, #tpu.memory_space<vmem>> -> memref<1x5x128xf32, #tpu.memory_space<vmem>>
      %dma_start3A_180 = tpu.memref_squeeze %dma_start3A_179 : memref<1x5x128xf32, #tpu.memory_space<vmem>> -> memref<5x128xf32, #tpu.memory_space<vmem>>
      %dma_start3A_181 = arith.constant 0 : i32
      %dma_start3A_182 = tpu.memref_slice %arg2[%dma_start3A_181, %add3A_169] : memref<5x320000xf32, #tpu.memory_space<hbm>> -> memref<5x128xf32, #tpu.memory_space<hbm>>
      tpu.enqueue_dma source(%dma_start3A_182 : memref<5x128xf32, #tpu.memory_space<hbm>>) target(%dma_start3A_180 : memref<5x128xf32, #tpu.memory_space<vmem>>) target_semaphore(%arg12 : memref<!tpu.dma_semaphore, #tpu.memory_space<semaphore_mem>>)
      %dma_start3A_183 = arith.constant 0 : i32
      %dma_start3A_184 = arith.constant 0 : i32
      %dma_start3A_185 = arith.constant 0 : i32
      %dma_start3A_186 = tpu.memref_slice %arg8[%dma_start3A_183, %dma_start3A_184, %dma_start3A_185] : memref<2x5x1792xf32, #tpu.memory_space<vmem>> -> memref<1x5x128xf32, #tpu.memory_space<vmem>>
      %dma_start3A_187 = tpu.memref_squeeze %dma_start3A_186 : memref<1x5x128xf32, #tpu.memory_space<vmem>> -> memref<5x128xf32, #tpu.memory_space<vmem>>
      %dma_start3A_188 = arith.constant 0 : i32
      %dma_start3A_189 = tpu.memref_slice %arg4[%dma_start3A_188, %add3A_169] : memref<5x320000xf32, #tpu.memory_space<hbm>> -> memref<5x128xf32, #tpu.memory_space<hbm>>
      %dma_start3A_190 = arith.constant 0 : i32
      %dma_start3A_191 = arith.constant 0 : i32
      %dma_start3A_192 = tpu.memref_slice %arg8[%dma_start3A_183, %dma_start3A_190, %dma_start3A_191] : memref<2x5x1792xf32, #tpu.memory_space<vmem>> -> memref<1x5x128xf32, #tpu.memory_space<vmem>>
      %dma_start3A_193 = tpu.memref_squeeze %dma_start3A_192 : memref<1x5x128xf32, #tpu.memory_space<vmem>> -> memref<5x128xf32, #tpu.memory_space<vmem>>
      %dma_start3A_194 = arith.constant 0 : i32
      %dma_start3A_195 = tpu.memref_slice %arg4[%dma_start3A_194, %add3A_169] : memref<5x320000xf32, #tpu.memory_space<hbm>> -> memref<5x128xf32, #tpu.memory_space<hbm>>
      tpu.enqueue_dma source(%dma_start3A_195 : memref<5x128xf32, #tpu.memory_space<hbm>>) target(%dma_start3A_193 : memref<5x128xf32, #tpu.memory_space<vmem>>) target_semaphore(%arg12 : memref<!tpu.dma_semaphore, #tpu.memory_space<semaphore_mem>>)
      %dma_start3A_196 = arith.constant 0 : i32
      %dma_start3A_197 = arith.constant 0 : i32
      %dma_start3A_198 = tpu.memref_slice %arg9[%dma_start3A_196, %dma_start3A_197] : memref<2x1792xi32, #tpu.memory_space<vmem>> -> memref<1x128xi32, #tpu.memory_space<vmem>>
      %dma_start3A_199 = tpu.memref_squeeze %dma_start3A_198 : memref<1x128xi32, #tpu.memory_space<vmem>> -> memref<128xi32, #tpu.memory_space<vmem>>
      %dma_start3A_200 = tpu.memref_slice %arg3[%add3A_169] : memref<320000xi32, #tpu.memory_space<hbm>> -> memref<128xi32, #tpu.memory_space<hbm>>
      %dma_start3A_201 = arith.constant 0 : i32
      %dma_start3A_202 = tpu.memref_slice %arg9[%dma_start3A_196, %dma_start3A_201] : memref<2x1792xi32, #tpu.memory_space<vmem>> -> memref<1x128xi32, #tpu.memory_space<vmem>>
      %dma_start3A_203 = tpu.memref_squeeze %dma_start3A_202 : memref<1x128xi32, #tpu.memory_space<vmem>> -> memref<128xi32, #tpu.memory_space<vmem>>
      %dma_start3A_204 = tpu.memref_slice %arg3[%add3A_169] : memref<320000xi32, #tpu.memory_space<hbm>> -> memref<128xi32, #tpu.memory_space<hbm>>
      tpu.enqueue_dma source(%dma_start3A_204 : memref<128xi32, #tpu.memory_space<hbm>>) target(%dma_start3A_203 : memref<128xi32, #tpu.memory_space<vmem>>) target_semaphore(%arg12 : memref<!tpu.dma_semaphore, #tpu.memory_space<semaphore_mem>>)
      %dma_wait3A_205 = arith.constant 0 : i32
      %dma_wait3A_206 = arith.constant 0 : i32
      %dma_wait3A_207 = arith.constant 0 : i32
      %dma_wait3A_208 = tpu.memref_slice %arg7[%dma_wait3A_205, %dma_wait3A_206, %dma_wait3A_207] : memref<2x5x1792xf32, #tpu.memory_space<vmem>> -> memref<1x5x128xf32, #tpu.memory_space<vmem>>
      %dma_wait3A_209 = tpu.memref_squeeze %dma_wait3A_208 : memref<1x5x128xf32, #tpu.memory_space<vmem>> -> memref<5x128xf32, #tpu.memory_space<vmem>>
      %dma_wait3A_210 = arith.constant 0 : i32
      %dma_wait3A_211 = tpu.memref_slice %arg2[%dma_wait3A_210, %add3A_169] : memref<5x320000xf32, #tpu.memory_space<hbm>> -> memref<5x128xf32, #tpu.memory_space<hbm>>
      %dma_wait3A_212 = arith.constant 0 : i32
      %dma_wait3A_213 = arith.constant 0 : i32
      %dma_wait3A_214 = tpu.memref_slice %arg7[%dma_wait3A_205, %dma_wait3A_212, %dma_wait3A_213] : memref<2x5x1792xf32, #tpu.memory_space<vmem>> -> memref<1x5x128xf32, #tpu.memory_space<vmem>>
      %dma_wait3A_215 = tpu.memref_squeeze %dma_wait3A_214 : memref<1x5x128xf32, #tpu.memory_space<vmem>> -> memref<5x128xf32, #tpu.memory_space<vmem>>
      %dma_wait3A_216 = arith.constant 0 : i32
      %dma_wait3A_217 = tpu.memref_slice %arg2[%dma_wait3A_216, %add3A_169] : memref<5x320000xf32, #tpu.memory_space<hbm>> -> memref<5x128xf32, #tpu.memory_space<hbm>>
      tpu.wait_dma2 semaphore(%arg12 : memref<!tpu.dma_semaphore, #tpu.memory_space<semaphore_mem>>) src(%dma_wait3A_217 : memref<5x128xf32, #tpu.memory_space<hbm>>) dst(%dma_wait3A_215 : memref<5x128xf32, #tpu.memory_space<vmem>>)
      %dma_wait3A_218 = arith.constant 0 : i32
      %dma_wait3A_219 = arith.constant 0 : i32
      %dma_wait3A_220 = arith.constant 0 : i32
      %dma_wait3A_221 = tpu.memref_slice %arg8[%dma_wait3A_218, %dma_wait3A_219, %dma_wait3A_220] : memref<2x5x1792xf32, #tpu.memory_space<vmem>> -> memref<1x5x128xf32, #tpu.memory_space<vmem>>
      %dma_wait3A_222 = tpu.memref_squeeze %dma_wait3A_221 : memref<1x5x128xf32, #tpu.memory_space<vmem>> -> memref<5x128xf32, #tpu.memory_space<vmem>>
      %dma_wait3A_223 = arith.constant 0 : i32
      %dma_wait3A_224 = tpu.memref_slice %arg4[%dma_wait3A_223, %add3A_169] : memref<5x320000xf32, #tpu.memory_space<hbm>> -> memref<5x128xf32, #tpu.memory_space<hbm>>
      %dma_wait3A_225 = arith.constant 0 : i32
      %dma_wait3A_226 = arith.constant 0 : i32
      %dma_wait3A_227 = tpu.memref_slice %arg8[%dma_wait3A_218, %dma_wait3A_225, %dma_wait3A_226] : memref<2x5x1792xf32, #tpu.memory_space<vmem>> -> memref<1x5x128xf32, #tpu.memory_space<vmem>>
      %dma_wait3A_228 = tpu.memref_squeeze %dma_wait3A_227 : memref<1x5x128xf32, #tpu.memory_space<vmem>> -> memref<5x128xf32, #tpu.memory_space<vmem>>
      %dma_wait3A_229 = arith.constant 0 : i32
      %dma_wait3A_230 = tpu.memref_slice %arg4[%dma_wait3A_229, %add3A_169] : memref<5x320000xf32, #tpu.memory_space<hbm>> -> memref<5x128xf32, #tpu.memory_space<hbm>>
      tpu.wait_dma2 semaphore(%arg12 : memref<!tpu.dma_semaphore, #tpu.memory_space<semaphore_mem>>) src(%dma_wait3A_230 : memref<5x128xf32, #tpu.memory_space<hbm>>) dst(%dma_wait3A_228 : memref<5x128xf32, #tpu.memory_space<vmem>>)
      %dma_wait3A_231 = arith.constant 0 : i32
      %dma_wait3A_232 = arith.constant 0 : i32
      %dma_wait3A_233 = tpu.memref_slice %arg9[%dma_wait3A_231, %dma_wait3A_232] : memref<2x1792xi32, #tpu.memory_space<vmem>> -> memref<1x128xi32, #tpu.memory_space<vmem>>
      %dma_wait3A_234 = tpu.memref_squeeze %dma_wait3A_233 : memref<1x128xi32, #tpu.memory_space<vmem>> -> memref<128xi32, #tpu.memory_space<vmem>>
      %dma_wait3A_235 = tpu.memref_slice %arg3[%add3A_169] : memref<320000xi32, #tpu.memory_space<hbm>> -> memref<128xi32, #tpu.memory_space<hbm>>
      %dma_wait3A_236 = arith.constant 0 : i32
      %dma_wait3A_237 = tpu.memref_slice %arg9[%dma_wait3A_231, %dma_wait3A_236] : memref<2x1792xi32, #tpu.memory_space<vmem>> -> memref<1x128xi32, #tpu.memory_space<vmem>>
      %dma_wait3A_238 = tpu.memref_squeeze %dma_wait3A_237 : memref<1x128xi32, #tpu.memory_space<vmem>> -> memref<128xi32, #tpu.memory_space<vmem>>
      %dma_wait3A_239 = tpu.memref_slice %arg3[%add3A_169] : memref<320000xi32, #tpu.memory_space<hbm>> -> memref<128xi32, #tpu.memory_space<hbm>>
      tpu.wait_dma2 semaphore(%arg12 : memref<!tpu.dma_semaphore, #tpu.memory_space<semaphore_mem>>) src(%dma_wait3A_239 : memref<128xi32, #tpu.memory_space<hbm>>) dst(%dma_wait3A_238 : memref<128xi32, #tpu.memory_space<vmem>>)
      %get3A = arith.constant 0 : index
      %get3A_240 = tpu.vector_load %arg10[%get3A] {strides = array<i32>} : memref<16xf32, #tpu.memory_space<vmem>>, vector<16xf32>,
      %get3A_241 = arith.constant 0 : index
      %get3A_242 = tpu.vector_load %arg11[%get3A_241] {strides = array<i32>} : memref<16xf32, #tpu.memory_space<vmem>>, vector<16xf32>,
      %scan3A_243 = arith.constant 0 : i32
      %scan3A_244 = arith.constant 2 : i32
      %scan3A_245 = arith.addi %scan3A_243, %scan3A_244 : i32
      %scan3A_246 = arith.constant 1 : i32
      %scan3A_247:2 = scf.for %scan3A_253 = %scan3A_243 to %scan3A_245 step %scan3A_246 iter_args(%scan3A_254 = %get3A_240, %scan3A_255 = %get3A_242) -> (vector<16xf32>, vector<16xf32>)  : i32 {
        %mul3A_256 = arith.constant 64 : i32
        %mul3A_257 = arith.muli %scan3A_253, %mul3A_256 : i32
        %add3A_258 = arith.constant 0 : i32
        %add3A_259 = arith.addi %mul3A_257, %add3A_258 : i32
        %get3A_260 = arith.constant 0 : i32
        %get3A_261 = arith.index_cast %get3A_260 : i32 to index
        %get3A_262 = arith.index_cast %add3A_259 : i32 to index
        %get3A_263 = tpu.vector_load %arg9[%get3A_261, %get3A_262] {strides = array<i32>} : memref<2x1792xi32, #tpu.memory_space<vmem>>, vector<16xi32>,
        %eq3A = arith.constant 1 : i32
        %eq3A_264 = vector.broadcast %eq3A : i32 to vector<16xi32>
        %eq3A_265 = arith.cmpi eq, %get3A_263, %eq3A_264 : vector<16xi32>
        %broadcast_in_dim3A_266 = arith.constant 0.000000e+00 : f32
        %broadcast_in_dim3A_267 = vector.broadcast %broadcast_in_dim3A_266 : f32 to vector<16xf32>
        %get3A_268 = arith.constant 0 : i32
        %get3A_269 = arith.constant 0 : i32
        %get3A_270 = arith.index_cast %get3A_268 : i32 to index
        %get3A_271 = arith.index_cast %get3A_269 : i32 to index
        %get3A_272 = arith.index_cast %add3A_259 : i32 to index
        %get3A_273 = tpu.vector_load %arg7[%get3A_270, %get3A_271, %get3A_272] {strides = array<i32>} : memref<2x5x1792xf32, #tpu.memory_space<vmem>>, vector<16xf32>,
        %get3A_274 = arith.constant 0 : i32
        %get3A_275 = arith.constant 0 : i32
        %get3A_276 = arith.index_cast %get3A_274 : i32 to index
        %get3A_277 = arith.index_cast %get3A_275 : i32 to index
        %get3A_278 = arith.index_cast %add3A_259 : i32 to index
        %get3A_279 = tpu.vector_load %arg8[%get3A_276, %get3A_277, %get3A_278] {strides = array<i32>} : memref<2x5x1792xf32, #tpu.memory_space<vmem>>, vector<16xf32>,
        %sub3A = arith.subf %get3A_273, %get3A_279 : vector<16xf32>
        %abs3A = math.absf %sub3A : vector<16xf32>
        %min3A = arith.constant 1.000000e+00 : f32
        %min3A_280 = vector.broadcast %min3A : f32 to vector<16xf32>
        %min3A_281 = arith.minimumf %abs3A, %min3A_280 : vector<16xf32>
        %mul3A_282 = arith.constant 5.000000e-01 : f32
        %mul3A_283 = vector.broadcast %mul3A_282 : f32 to vector<16xf32>
        %mul3A_284 = arith.mulf %mul3A_283, %min3A_281 : vector<16xf32>
        %mul3A_285 = arith.mulf %mul3A_284, %min3A_281 : vector<16xf32>
        %sub3A_286 = arith.subf %abs3A, %min3A_281 : vector<16xf32>
        %add3A_287 = arith.addf %mul3A_285, %sub3A_286 : vector<16xf32>
        %add3A_288 = arith.addf %broadcast_in_dim3A_267, %add3A_287 : vector<16xf32>
        %get3A_289 = arith.constant 0 : i32
        %get3A_290 = arith.constant 1 : i32
        %get3A_291 = arith.index_cast %get3A_289 : i32 to index
        %get3A_292 = arith.index_cast %get3A_290 : i32 to index
        %get3A_293 = arith.index_cast %add3A_259 : i32 to index
        %get3A_294 = tpu.vector_load %arg7[%get3A_291, %get3A_292, %get3A_293] {strides = array<i32>} : memref<2x5x1792xf32, #tpu.memory_space<vmem>>, vector<16xf32>,
        %get3A_295 = arith.constant 0 : i32
        %get3A_296 = arith.constant 1 : i32
        %get3A_297 = arith.index_cast %get3A_295 : i32 to index
        %get3A_298 = arith.index_cast %get3A_296 : i32 to index
        %get3A_299 = arith.index_cast %add3A_259 : i32 to index
        %get3A_300 = tpu.vector_load %arg8[%get3A_297, %get3A_298, %get3A_299] {strides = array<i32>} : memref<2x5x1792xf32, #tpu.memory_space<vmem>>, vector<16xf32>,
        %sub3A_301 = arith.subf %get3A_294, %get3A_300 : vector<16xf32>
        %abs3A_302 = math.absf %sub3A_301 : vector<16xf32>
        %min3A_303 = arith.constant 1.000000e+00 : f32
        %min3A_304 = vector.broadcast %min3A_303 : f32 to vector<16xf32>
        %min3A_305 = arith.minimumf %abs3A_302, %min3A_304 : vector<16xf32>
        %mul3A_306 = arith.constant 5.000000e-01 : f32
        %mul3A_307 = vector.broadcast %mul3A_306 : f32 to vector<16xf32>
        %mul3A_308 = arith.mulf %mul3A_307, %min3A_305 : vector<16xf32>
        %mul3A_309 = arith.mulf %mul3A_308, %min3A_305 : vector<16xf32>
        %sub3A_310 = arith.subf %abs3A_302, %min3A_305 : vector<16xf32>
        %add3A_311 = arith.addf %mul3A_309, %sub3A_310 : vector<16xf32>
        %add3A_312 = arith.addf %add3A_288, %add3A_311 : vector<16xf32>
        %get3A_313 = arith.constant 0 : i32
        %get3A_314 = arith.constant 2 : i32
        %get3A_315 = arith.index_cast %get3A_313 : i32 to index
        %get3A_316 = arith.index_cast %get3A_314 : i32 to index
        %get3A_317 = arith.index_cast %add3A_259 : i32 to index
        %get3A_318 = tpu.vector_load %arg7[%get3A_315, %get3A_316, %get3A_317] {strides = array<i32>} : memref<2x5x1792xf32, #tpu.memory_space<vmem>>, vector<16xf32>,
        %get3A_319 = arith.constant 0 : i32
        %get3A_320 = arith.constant 2 : i32
        %get3A_321 = arith.index_cast %get3A_319 : i32 to index
        %get3A_322 = arith.index_cast %get3A_320 : i32 to index
        %get3A_323 = arith.index_cast %add3A_259 : i32 to index
        %get3A_324 = tpu.vector_load %arg8[%get3A_321, %get3A_322, %get3A_323] {strides = array<i32>} : memref<2x5x1792xf32, #tpu.memory_space<vmem>>, vector<16xf32>,
        %sub3A_325 = arith.subf %get3A_318, %get3A_324 : vector<16xf32>
        %abs3A_326 = math.absf %sub3A_325 : vector<16xf32>
        %min3A_327 = arith.constant 1.000000e+00 : f32
        %min3A_328 = vector.broadcast %min3A_327 : f32 to vector<16xf32>
        %min3A_329 = arith.minimumf %abs3A_326, %min3A_328 : vector<16xf32>
        %mul3A_330 = arith.constant 5.000000e-01 : f32
        %mul3A_331 = vector.broadcast %mul3A_330 : f32 to vector<16xf32>
        %mul3A_332 = arith.mulf %mul3A_331, %min3A_329 : vector<16xf32>
        %mul3A_333 = arith.mulf %mul3A_332, %min3A_329 : vector<16xf32>
        %sub3A_334 = arith.subf %abs3A_326, %min3A_329 : vector<16xf32>
        %add3A_335 = arith.addf %mul3A_333, %sub3A_334 : vector<16xf32>
        %add3A_336 = arith.addf %add3A_312, %add3A_335 : vector<16xf32>
        %get3A_337 = arith.constant 0 : i32
        %get3A_338 = arith.constant 3 : i32
        %get3A_339 = arith.index_cast %get3A_337 : i32 to index
        %get3A_340 = arith.index_cast %get3A_338 : i32 to index
        %get3A_341 = arith.index_cast %add3A_259 : i32 to index
        %get3A_342 = tpu.vector_load %arg7[%get3A_339, %get3A_340, %get3A_341] {strides = array<i32>} : memref<2x5x1792xf32, #tpu.memory_space<vmem>>, vector<16xf32>,
        %get3A_343 = arith.constant 0 : i32
        %get3A_344 = arith.constant 3 : i32
        %get3A_345 = arith.index_cast %get3A_343 : i32 to index
        %get3A_346 = arith.index_cast %get3A_344 : i32 to index
        %get3A_347 = arith.index_cast %add3A_259 : i32 to index
        %get3A_348 = tpu.vector_load %arg8[%get3A_345, %get3A_346, %get3A_347] {strides = array<i32>} : memref<2x5x1792xf32, #tpu.memory_space<vmem>>, vector<16xf32>,
        %sub3A_349 = arith.subf %get3A_342, %get3A_348 : vector<16xf32>
        %abs3A_350 = math.absf %sub3A_349 : vector<16xf32>
        %min3A_351 = arith.constant 1.000000e+00 : f32
        %min3A_352 = vector.broadcast %min3A_351 : f32 to vector<16xf32>
        %min3A_353 = arith.minimumf %abs3A_350, %min3A_352 : vector<16xf32>
        %mul3A_354 = arith.constant 5.000000e-01 : f32
        %mul3A_355 = vector.broadcast %mul3A_354 : f32 to vector<16xf32>
        %mul3A_356 = arith.mulf %mul3A_355, %min3A_353 : vector<16xf32>
        %mul3A_357 = arith.mulf %mul3A_356, %min3A_353 : vector<16xf32>
        %sub3A_358 = arith.subf %abs3A_350, %min3A_353 : vector<16xf32>
        %add3A_359 = arith.addf %mul3A_357, %sub3A_358 : vector<16xf32>
        %add3A_360 = arith.addf %add3A_336, %add3A_359 : vector<16xf32>
        %get3A_361 = arith.constant 0 : i32
        %get3A_362 = arith.constant 4 : i32
        %get3A_363 = arith.index_cast %get3A_361 : i32 to index
        %get3A_364 = arith.index_cast %get3A_362 : i32 to index
        %get3A_365 = arith.index_cast %add3A_259 : i32 to index
        %get3A_366 = tpu.vector_load %arg7[%get3A_363, %get3A_364, %get3A_365] {strides = array<i32>} : memref<2x5x1792xf32, #tpu.memory_space<vmem>>, vector<16xf32>,
        %get3A_367 = arith.constant 0 : i32
        %get3A_368 = arith.constant 4 : i32
        %get3A_369 = arith.index_cast %get3A_367 : i32 to index
        %get3A_370 = arith.index_cast %get3A_368 : i32 to index
        %get3A_371 = arith.index_cast %add3A_259 : i32 to index
        %get3A_372 = tpu.vector_load %arg8[%get3A_369, %get3A_370, %get3A_371] {strides = array<i32>} : memref<2x5x1792xf32, #tpu.memory_space<vmem>>, vector<16xf32>,
        %sub3A_373 = arith.subf %get3A_366, %get3A_372 : vector<16xf32>
        %abs3A_374 = math.absf %sub3A_373 : vector<16xf32>
        %min3A_375 = arith.constant 1.000000e+00 : f32
        %min3A_376 = vector.broadcast %min3A_375 : f32 to vector<16xf32>
        %min3A_377 = arith.minimumf %abs3A_374, %min3A_376 : vector<16xf32>
        %mul3A_378 = arith.constant 5.000000e-01 : f32
        %mul3A_379 = vector.broadcast %mul3A_378 : f32 to vector<16xf32>
        %mul3A_380 = arith.mulf %mul3A_379, %min3A_377 : vector<16xf32>
        %mul3A_381 = arith.mulf %mul3A_380, %min3A_377 : vector<16xf32>
        %sub3A_382 = arith.subf %abs3A_374, %min3A_377 : vector<16xf32>
        %add3A_383 = arith.addf %mul3A_381, %sub3A_382 : vector<16xf32>
        %add3A_384 = arith.addf %add3A_360, %add3A_383 : vector<16xf32>
        %jit3A = arith.constant 0.000000e+00 : f32
        %broadcast_in_dim3A_385 = vector.broadcast %jit3A : f32 to vector<16xf32>
        %select_n3A = arith.select %eq3A_265, %add3A_384, %broadcast_in_dim3A_385 : vector<16xi1>, vector<16xf32>
        %add3A_386 = arith.addf %scan3A_254, %select_n3A : vector<16xf32>
        %jit3A_387 = arith.constant 1.000000e+00 : f32
        %jit3A_388 = arith.constant 0.000000e+00 : f32
        %broadcast_in_dim3A_389 = vector.broadcast %jit3A_387 : f32 to vector<16xf32>
        %broadcast_in_dim3A_390 = vector.broadcast %jit3A_388 : f32 to vector<16xf32>
        %select_n3A_391 = arith.select %eq3A_265, %broadcast_in_dim3A_389, %broadcast_in_dim3A_390 : vector<16xi1>, vector<16xf32>
        %add3A_392 = arith.addf %scan3A_255, %select_n3A_391 : vector<16xf32>
        %add3A_393 = arith.constant 16 : i32
        %add3A_394 = arith.addi %mul3A_257, %add3A_393 : i32
        %get3A_395 = arith.constant 0 : i32
        %get3A_396 = arith.index_cast %get3A_395 : i32 to index
        %get3A_397 = arith.index_cast %add3A_394 : i32 to index
        %get3A_398 = tpu.vector_load %arg9[%get3A_396, %get3A_397] {strides = array<i32>} : memref<2x1792xi32, #tpu.memory_space<vmem>>, vector<16xi32>,
        %eq3A_399 = arith.constant 1 : i32
        %eq3A_400 = vector.broadcast %eq3A_399 : i32 to vector<16xi32>
        %eq3A_401 = arith.cmpi eq, %get3A_398, %eq3A_400 : vector<16xi32>
        %broadcast_in_dim3A_402 = arith.constant 0.000000e+00 : f32
        %broadcast_in_dim3A_403 = vector.broadcast %broadcast_in_dim3A_402 : f32 to vector<16xf32>
        %get3A_404 = arith.constant 0 : i32
        %get3A_405 = arith.constant 0 : i32
        %get3A_406 = arith.index_cast %get3A_404 : i32 to index
        %get3A_407 = arith.index_cast %get3A_405 : i32 to index
        %get3A_408 = arith.index_cast %add3A_394 : i32 to index
        %get3A_409 = tpu.vector_load %arg7[%get3A_406, %get3A_407, %get3A_408] {strides = array<i32>} : memref<2x5x1792xf32, #tpu.memory_space<vmem>>, vector<16xf32>,
        %get3A_410 = arith.constant 0 : i32
        %get3A_411 = arith.constant 0 : i32
        %get3A_412 = arith.index_cast %get3A_410 : i32 to index
        %get3A_413 = arith.index_cast %get3A_411 : i32 to index
        %get3A_414 = arith.index_cast %add3A_394 : i32 to index
        %get3A_415 = tpu.vector_load %arg8[%get3A_412, %get3A_413, %get3A_414] {strides = array<i32>} : memref<2x5x1792xf32, #tpu.memory_space<vmem>>, vector<16xf32>,
        %sub3A_416 = arith.subf %get3A_409, %get3A_415 : vector<16xf32>
        %abs3A_417 = math.absf %sub3A_416 : vector<16xf32>
        %min3A_418 = arith.constant 1.000000e+00 : f32
        %min3A_419 = vector.broadcast %min3A_418 : f32 to vector<16xf32>
        %min3A_420 = arith.minimumf %abs3A_417, %min3A_419 : vector<16xf32>
        %mul3A_421 = arith.constant 5.000000e-01 : f32
        %mul3A_422 = vector.broadcast %mul3A_421 : f32 to vector<16xf32>
        %mul3A_423 = arith.mulf %mul3A_422, %min3A_420 : vector<16xf32>
        %mul3A_424 = arith.mulf %mul3A_423, %min3A_420 : vector<16xf32>
        %sub3A_425 = arith.subf %abs3A_417, %min3A_420 : vector<16xf32>
        %add3A_426 = arith.addf %mul3A_424, %sub3A_425 : vector<16xf32>
        %add3A_427 = arith.addf %broadcast_in_dim3A_403, %add3A_426 : vector<16xf32>
        %get3A_428 = arith.constant 0 : i32
        %get3A_429 = arith.constant 1 : i32
        %get3A_430 = arith.index_cast %get3A_428 : i32 to index
        %get3A_431 = arith.index_cast %get3A_429 : i32 to index
        %get3A_432 = arith.index_cast %add3A_394 : i32 to index
        %get3A_433 = tpu.vector_load %arg7[%get3A_430, %get3A_431, %get3A_432] {strides = array<i32>} : memref<2x5x1792xf32, #tpu.memory_space<vmem>>, vector<16xf32>,
        %get3A_434 = arith.constant 0 : i32
        %get3A_435 = arith.constant 1 : i32
        %get3A_436 = arith.index_cast %get3A_434 : i32 to index
        %get3A_437 = arith.index_cast %get3A_435 : i32 to index
        %get3A_438 = arith.index_cast %add3A_394 : i32 to index
        %get3A_439 = tpu.vector_load %arg8[%get3A_436, %get3A_437, %get3A_438] {strides = array<i32>} : memref<2x5x1792xf32, #tpu.memory_space<vmem>>, vector<16xf32>,
        %sub3A_440 = arith.subf %get3A_433, %get3A_439 : vector<16xf32>
        %abs3A_441 = math.absf %sub3A_440 : vector<16xf32>
        %min3A_442 = arith.constant 1.000000e+00 : f32
        %min3A_443 = vector.broadcast %min3A_442 : f32 to vector<16xf32>
        %min3A_444 = arith.minimumf %abs3A_441, %min3A_443 : vector<16xf32>
        %mul3A_445 = arith.constant 5.000000e-01 : f32
        %mul3A_446 = vector.broadcast %mul3A_445 : f32 to vector<16xf32>
        %mul3A_447 = arith.mulf %mul3A_446, %min3A_444 : vector<16xf32>
        %mul3A_448 = arith.mulf %mul3A_447, %min3A_444 : vector<16xf32>
        %sub3A_449 = arith.subf %abs3A_441, %min3A_444 : vector<16xf32>
        %add3A_450 = arith.addf %mul3A_448, %sub3A_449 : vector<16xf32>
        %add3A_451 = arith.addf %add3A_427, %add3A_450 : vector<16xf32>
        %get3A_452 = arith.constant 0 : i32
        %get3A_453 = arith.constant 2 : i32
        %get3A_454 = arith.index_cast %get3A_452 : i32 to index
        %get3A_455 = arith.index_cast %get3A_453 : i32 to index
        %get3A_456 = arith.index_cast %add3A_394 : i32 to index
        %get3A_457 = tpu.vector_load %arg7[%get3A_454, %get3A_455, %get3A_456] {strides = array<i32>} : memref<2x5x1792xf32, #tpu.memory_space<vmem>>, vector<16xf32>,
        %get3A_458 = arith.constant 0 : i32
        %get3A_459 = arith.constant 2 : i32
        %get3A_460 = arith.index_cast %get3A_458 : i32 to index
        %get3A_461 = arith.index_cast %get3A_459 : i32 to index
        %get3A_462 = arith.index_cast %add3A_394 : i32 to index
        %get3A_463 = tpu.vector_load %arg8[%get3A_460, %get3A_461, %get3A_462] {strides = array<i32>} : memref<2x5x1792xf32, #tpu.memory_space<vmem>>, vector<16xf32>,
        %sub3A_464 = arith.subf %get3A_457, %get3A_463 : vector<16xf32>
        %abs3A_465 = math.absf %sub3A_464 : vector<16xf32>
        %min3A_466 = arith.constant 1.000000e+00 : f32
        %min3A_467 = vector.broadcast %min3A_466 : f32 to vector<16xf32>
        %min3A_468 = arith.minimumf %abs3A_465, %min3A_467 : vector<16xf32>
        %mul3A_469 = arith.constant 5.000000e-01 : f32
        %mul3A_470 = vector.broadcast %mul3A_469 : f32 to vector<16xf32>
        %mul3A_471 = arith.mulf %mul3A_470, %min3A_468 : vector<16xf32>
        %mul3A_472 = arith.mulf %mul3A_471, %min3A_468 : vector<16xf32>
        %sub3A_473 = arith.subf %abs3A_465, %min3A_468 : vector<16xf32>
        %add3A_474 = arith.addf %mul3A_472, %sub3A_473 : vector<16xf32>
        %add3A_475 = arith.addf %add3A_451, %add3A_474 : vector<16xf32>
        %get3A_476 = arith.constant 0 : i32
        %get3A_477 = arith.constant 3 : i32
        %get3A_478 = arith.index_cast %get3A_476 : i32 to index
        %get3A_479 = arith.index_cast %get3A_477 : i32 to index
        %get3A_480 = arith.index_cast %add3A_394 : i32 to index
        %get3A_481 = tpu.vector_load %arg7[%get3A_478, %get3A_479, %get3A_480] {strides = array<i32>} : memref<2x5x1792xf32, #tpu.memory_space<vmem>>, vector<16xf32>,
        %get3A_482 = arith.constant 0 : i32
        %get3A_483 = arith.constant 3 : i32
        %get3A_484 = arith.index_cast %get3A_482 : i32 to index
        %get3A_485 = arith.index_cast %get3A_483 : i32 to index
        %get3A_486 = arith.index_cast %add3A_394 : i32 to index
        %get3A_487 = tpu.vector_load %arg8[%get3A_484, %get3A_485, %get3A_486] {strides = array<i32>} : memref<2x5x1792xf32, #tpu.memory_space<vmem>>, vector<16xf32>,
        %sub3A_488 = arith.subf %get3A_481, %get3A_487 : vector<16xf32>
        %abs3A_489 = math.absf %sub3A_488 : vector<16xf32>
        %min3A_490 = arith.constant 1.000000e+00 : f32
        %min3A_491 = vector.broadcast %min3A_490 : f32 to vector<16xf32>
        %min3A_492 = arith.minimumf %abs3A_489, %min3A_491 : vector<16xf32>
        %mul3A_493 = arith.constant 5.000000e-01 : f32
        %mul3A_494 = vector.broadcast %mul3A_493 : f32 to vector<16xf32>
        %mul3A_495 = arith.mulf %mul3A_494, %min3A_492 : vector<16xf32>
        %mul3A_496 = arith.mulf %mul3A_495, %min3A_492 : vector<16xf32>
        %sub3A_497 = arith.subf %abs3A_489, %min3A_492 : vector<16xf32>
        %add3A_498 = arith.addf %mul3A_496, %sub3A_497 : vector<16xf32>
        %add3A_499 = arith.addf %add3A_475, %add3A_498 : vector<16xf32>
        %get3A_500 = arith.constant 0 : i32
        %get3A_501 = arith.constant 4 : i32
        %get3A_502 = arith.index_cast %get3A_500 : i32 to index
        %get3A_503 = arith.index_cast %get3A_501 : i32 to index
        %get3A_504 = arith.index_cast %add3A_394 : i32 to index
        %get3A_505 = tpu.vector_load %arg7[%get3A_502, %get3A_503, %get3A_504] {strides = array<i32>} : memref<2x5x1792xf32, #tpu.memory_space<vmem>>, vector<16xf32>,
        %get3A_506 = arith.constant 0 : i32
        %get3A_507 = arith.constant 4 : i32
        %get3A_508 = arith.index_cast %get3A_506 : i32 to index
        %get3A_509 = arith.index_cast %get3A_507 : i32 to index
        %get3A_510 = arith.index_cast %add3A_394 : i32 to index
        %get3A_511 = tpu.vector_load %arg8[%get3A_508, %get3A_509, %get3A_510] {strides = array<i32>} : memref<2x5x1792xf32, #tpu.memory_space<vmem>>, vector<16xf32>,
        %sub3A_512 = arith.subf %get3A_505, %get3A_511 : vector<16xf32>
        %abs3A_513 = math.absf %sub3A_512 : vector<16xf32>
        %min3A_514 = arith.constant 1.000000e+00 : f32
        %min3A_515 = vector.broadcast %min3A_514 : f32 to vector<16xf32>
        %min3A_516 = arith.minimumf %abs3A_513, %min3A_515 : vector<16xf32>
        %mul3A_517 = arith.constant 5.000000e-01 : f32
        %mul3A_518 = vector.broadcast %mul3A_517 : f32 to vector<16xf32>
        %mul3A_519 = arith.mulf %mul3A_518, %min3A_516 : vector<16xf32>
        %mul3A_520 = arith.mulf %mul3A_519, %min3A_516 : vector<16xf32>
        %sub3A_521 = arith.subf %abs3A_513, %min3A_516 : vector<16xf32>
        %add3A_522 = arith.addf %mul3A_520, %sub3A_521 : vector<16xf32>
        %add3A_523 = arith.addf %add3A_499, %add3A_522 : vector<16xf32>
        %jit3A_524 = arith.constant 0.000000e+00 : f32
        %broadcast_in_dim3A_525 = vector.broadcast %jit3A_524 : f32 to vector<16xf32>
        %select_n3A_526 = arith.select %eq3A_401, %add3A_523, %broadcast_in_dim3A_525 : vector<16xi1>, vector<16xf32>
        %add3A_527 = arith.addf %add3A_386, %select_n3A_526 : vector<16xf32>
        %jit3A_528 = arith.constant 1.000000e+00 : f32
        %jit3A_529 = arith.constant 0.000000e+00 : f32
        %broadcast_in_dim3A_530 = vector.broadcast %jit3A_528 : f32 to vector<16xf32>
        %broadcast_in_dim3A_531 = vector.broadcast %jit3A_529 : f32 to vector<16xf32>
        %select_n3A_532 = arith.select %eq3A_401, %broadcast_in_dim3A_530, %broadcast_in_dim3A_531 : vector<16xi1>, vector<16xf32>
        %add3A_533 = arith.addf %add3A_392, %select_n3A_532 : vector<16xf32>
        %add3A_534 = arith.constant 32 : i32
        %add3A_535 = arith.addi %mul3A_257, %add3A_534 : i32
        %get3A_536 = arith.constant 0 : i32
        %get3A_537 = arith.index_cast %get3A_536 : i32 to index
        %get3A_538 = arith.index_cast %add3A_535 : i32 to index
        %get3A_539 = tpu.vector_load %arg9[%get3A_537, %get3A_538] {strides = array<i32>} : memref<2x1792xi32, #tpu.memory_space<vmem>>, vector<16xi32>,
        %eq3A_540 = arith.constant 1 : i32
        %eq3A_541 = vector.broadcast %eq3A_540 : i32 to vector<16xi32>
        %eq3A_542 = arith.cmpi eq, %get3A_539, %eq3A_541 : vector<16xi32>
        %broadcast_in_dim3A_543 = arith.constant 0.000000e+00 : f32
        %broadcast_in_dim3A_544 = vector.broadcast %broadcast_in_dim3A_543 : f32 to vector<16xf32>
        %get3A_545 = arith.constant 0 : i32
        %get3A_546 = arith.constant 0 : i32
        %get3A_547 = arith.index_cast %get3A_545 : i32 to index
        %get3A_548 = arith.index_cast %get3A_546 : i32 to index
        %get3A_549 = arith.index_cast %add3A_535 : i32 to index
        %get3A_550 = tpu.vector_load %arg7[%get3A_547, %get3A_548, %get3A_549] {strides = array<i32>} : memref<2x5x1792xf32, #tpu.memory_space<vmem>>, vector<16xf32>,
        %get3A_551 = arith.constant 0 : i32
        %get3A_552 = arith.constant 0 : i32
        %get3A_553 = arith.index_cast %get3A_551 : i32 to index
        %get3A_554 = arith.index_cast %get3A_552 : i32 to index
        %get3A_555 = arith.index_cast %add3A_535 : i32 to index
        %get3A_556 = tpu.vector_load %arg8[%get3A_553, %get3A_554, %get3A_555] {strides = array<i32>} : memref<2x5x1792xf32, #tpu.memory_space<vmem>>, vector<16xf32>,
        %sub3A_557 = arith.subf %get3A_550, %get3A_556 : vector<16xf32>
        %abs3A_558 = math.absf %sub3A_557 : vector<16xf32>
        %min3A_559 = arith.constant 1.000000e+00 : f32
        %min3A_560 = vector.broadcast %min3A_559 : f32 to vector<16xf32>
        %min3A_561 = arith.minimumf %abs3A_558, %min3A_560 : vector<16xf32>
        %mul3A_562 = arith.constant 5.000000e-01 : f32
        %mul3A_563 = vector.broadcast %mul3A_562 : f32 to vector<16xf32>
        %mul3A_564 = arith.mulf %mul3A_563, %min3A_561 : vector<16xf32>
        %mul3A_565 = arith.mulf %mul3A_564, %min3A_561 : vector<16xf32>
        %sub3A_566 = arith.subf %abs3A_558, %min3A_561 : vector<16xf32>
        %add3A_567 = arith.addf %mul3A_565, %sub3A_566 : vector<16xf32>
        %add3A_568 = arith.addf %broadcast_in_dim3A_544, %add3A_567 : vector<16xf32>
        %get3A_569 = arith.constant 0 : i32
        %get3A_570 = arith.constant 1 : i32
        %get3A_571 = arith.index_cast %get3A_569 : i32 to index
        %get3A_572 = arith.index_cast %get3A_570 : i32 to index
        %get3A_573 = arith.index_cast %add3A_535 : i32 to index
        %get3A_574 = tpu.vector_load %arg7[%get3A_571, %get3A_572, %get3A_573] {strides = array<i32>} : memref<2x5x1792xf32, #tpu.memory_space<vmem>>, vector<16xf32>,
        %get3A_575 = arith.constant 0 : i32
        %get3A_576 = arith.constant 1 : i32
        %get3A_577 = arith.index_cast %get3A_575 : i32 to index
        %get3A_578 = arith.index_cast %get3A_576 : i32 to index
        %get3A_579 = arith.index_cast %add3A_535 : i32 to index
        %get3A_580 = tpu.vector_load %arg8[%get3A_577, %get3A_578, %get3A_579] {strides = array<i32>} : memref<2x5x1792xf32, #tpu.memory_space<vmem>>, vector<16xf32>,
        %sub3A_581 = arith.subf %get3A_574, %get3A_580 : vector<16xf32>
        %abs3A_582 = math.absf %sub3A_581 : vector<16xf32>
        %min3A_583 = arith.constant 1.000000e+00 : f32
        %min3A_584 = vector.broadcast %min3A_583 : f32 to vector<16xf32>
        %min3A_585 = arith.minimumf %abs3A_582, %min3A_584 : vector<16xf32>
        %mul3A_586 = arith.constant 5.000000e-01 : f32
        %mul3A_587 = vector.broadcast %mul3A_586 : f32 to vector<16xf32>
        %mul3A_588 = arith.mulf %mul3A_587, %min3A_585 : vector<16xf32>
        %mul3A_589 = arith.mulf %mul3A_588, %min3A_585 : vector<16xf32>
        %sub3A_590 = arith.subf %abs3A_582, %min3A_585 : vector<16xf32>
        %add3A_591 = arith.addf %mul3A_589, %sub3A_590 : vector<16xf32>
        %add3A_592 = arith.addf %add3A_568, %add3A_591 : vector<16xf32>
        %get3A_593 = arith.constant 0 : i32
        %get3A_594 = arith.constant 2 : i32
        %get3A_595 = arith.index_cast %get3A_593 : i32 to index
        %get3A_596 = arith.index_cast %get3A_594 : i32 to index
        %get3A_597 = arith.index_cast %add3A_535 : i32 to index
        %get3A_598 = tpu.vector_load %arg7[%get3A_595, %get3A_596, %get3A_597] {strides = array<i32>} : memref<2x5x1792xf32, #tpu.memory_space<vmem>>, vector<16xf32>,
        %get3A_599 = arith.constant 0 : i32
        %get3A_600 = arith.constant 2 : i32
        %get3A_601 = arith.index_cast %get3A_599 : i32 to index
        %get3A_602 = arith.index_cast %get3A_600 : i32 to index
        %get3A_603 = arith.index_cast %add3A_535 : i32 to index
        %get3A_604 = tpu.vector_load %arg8[%get3A_601, %get3A_602, %get3A_603] {strides = array<i32>} : memref<2x5x1792xf32, #tpu.memory_space<vmem>>, vector<16xf32>,
        %sub3A_605 = arith.subf %get3A_598, %get3A_604 : vector<16xf32>
        %abs3A_606 = math.absf %sub3A_605 : vector<16xf32>
        %min3A_607 = arith.constant 1.000000e+00 : f32
        %min3A_608 = vector.broadcast %min3A_607 : f32 to vector<16xf32>
        %min3A_609 = arith.minimumf %abs3A_606, %min3A_608 : vector<16xf32>
        %mul3A_610 = arith.constant 5.000000e-01 : f32
        %mul3A_611 = vector.broadcast %mul3A_610 : f32 to vector<16xf32>
        %mul3A_612 = arith.mulf %mul3A_611, %min3A_609 : vector<16xf32>
        %mul3A_613 = arith.mulf %mul3A_612, %min3A_609 : vector<16xf32>
        %sub3A_614 = arith.subf %abs3A_606, %min3A_609 : vector<16xf32>
        %add3A_615 = arith.addf %mul3A_613, %sub3A_614 : vector<16xf32>
        %add3A_616 = arith.addf %add3A_592, %add3A_615 : vector<16xf32>
        %get3A_617 = arith.constant 0 : i32
        %get3A_618 = arith.constant 3 : i32
        %get3A_619 = arith.index_cast %get3A_617 : i32 to index
        %get3A_620 = arith.index_cast %get3A_618 : i32 to index
        %get3A_621 = arith.index_cast %add3A_535 : i32 to index
        %get3A_622 = tpu.vector_load %arg7[%get3A_619, %get3A_620, %get3A_621] {strides = array<i32>} : memref<2x5x1792xf32, #tpu.memory_space<vmem>>, vector<16xf32>,
        %get3A_623 = arith.constant 0 : i32
        %get3A_624 = arith.constant 3 : i32
        %get3A_625 = arith.index_cast %get3A_623 : i32 to index
        %get3A_626 = arith.index_cast %get3A_624 : i32 to index
        %get3A_627 = arith.index_cast %add3A_535 : i32 to index
        %get3A_628 = tpu.vector_load %arg8[%get3A_625, %get3A_626, %get3A_627] {strides = array<i32>} : memref<2x5x1792xf32, #tpu.memory_space<vmem>>, vector<16xf32>,
        %sub3A_629 = arith.subf %get3A_622, %get3A_628 : vector<16xf32>
        %abs3A_630 = math.absf %sub3A_629 : vector<16xf32>
        %min3A_631 = arith.constant 1.000000e+00 : f32
        %min3A_632 = vector.broadcast %min3A_631 : f32 to vector<16xf32>
        %min3A_633 = arith.minimumf %abs3A_630, %min3A_632 : vector<16xf32>
        %mul3A_634 = arith.constant 5.000000e-01 : f32
        %mul3A_635 = vector.broadcast %mul3A_634 : f32 to vector<16xf32>
        %mul3A_636 = arith.mulf %mul3A_635, %min3A_633 : vector<16xf32>
        %mul3A_637 = arith.mulf %mul3A_636, %min3A_633 : vector<16xf32>
        %sub3A_638 = arith.subf %abs3A_630, %min3A_633 : vector<16xf32>
        %add3A_639 = arith.addf %mul3A_637, %sub3A_638 : vector<16xf32>
        %add3A_640 = arith.addf %add3A_616, %add3A_639 : vector<16xf32>
        %get3A_641 = arith.constant 0 : i32
        %get3A_642 = arith.constant 4 : i32
        %get3A_643 = arith.index_cast %get3A_641 : i32 to index
        %get3A_644 = arith.index_cast %get3A_642 : i32 to index
        %get3A_645 = arith.index_cast %add3A_535 : i32 to index
        %get3A_646 = tpu.vector_load %arg7[%get3A_643, %get3A_644, %get3A_645] {strides = array<i32>} : memref<2x5x1792xf32, #tpu.memory_space<vmem>>, vector<16xf32>,
        %get3A_647 = arith.constant 0 : i32
        %get3A_648 = arith.constant 4 : i32
        %get3A_649 = arith.index_cast %get3A_647 : i32 to index
        %get3A_650 = arith.index_cast %get3A_648 : i32 to index
        %get3A_651 = arith.index_cast %add3A_535 : i32 to index
        %get3A_652 = tpu.vector_load %arg8[%get3A_649, %get3A_650, %get3A_651] {strides = array<i32>} : memref<2x5x1792xf32, #tpu.memory_space<vmem>>, vector<16xf32>,
        %sub3A_653 = arith.subf %get3A_646, %get3A_652 : vector<16xf32>
        %abs3A_654 = math.absf %sub3A_653 : vector<16xf32>
        %min3A_655 = arith.constant 1.000000e+00 : f32
        %min3A_656 = vector.broadcast %min3A_655 : f32 to vector<16xf32>
        %min3A_657 = arith.minimumf %abs3A_654, %min3A_656 : vector<16xf32>
        %mul3A_658 = arith.constant 5.000000e-01 : f32
        %mul3A_659 = vector.broadcast %mul3A_658 : f32 to vector<16xf32>
        %mul3A_660 = arith.mulf %mul3A_659, %min3A_657 : vector<16xf32>
        %mul3A_661 = arith.mulf %mul3A_660, %min3A_657 : vector<16xf32>
        %sub3A_662 = arith.subf %abs3A_654, %min3A_657 : vector<16xf32>
        %add3A_663 = arith.addf %mul3A_661, %sub3A_662 : vector<16xf32>
        %add3A_664 = arith.addf %add3A_640, %add3A_663 : vector<16xf32>
        %jit3A_665 = arith.constant 0.000000e+00 : f32
        %broadcast_in_dim3A_666 = vector.broadcast %jit3A_665 : f32 to vector<16xf32>
        %select_n3A_667 = arith.select %eq3A_542, %add3A_664, %broadcast_in_dim3A_666 : vector<16xi1>, vector<16xf32>
        %add3A_668 = arith.addf %add3A_527, %select_n3A_667 : vector<16xf32>
        %jit3A_669 = arith.constant 1.000000e+00 : f32
        %jit3A_670 = arith.constant 0.000000e+00 : f32
        %broadcast_in_dim3A_671 = vector.broadcast %jit3A_669 : f32 to vector<16xf32>
        %broadcast_in_dim3A_672 = vector.broadcast %jit3A_670 : f32 to vector<16xf32>
        %select_n3A_673 = arith.select %eq3A_542, %broadcast_in_dim3A_671, %broadcast_in_dim3A_672 : vector<16xi1>, vector<16xf32>
        %add3A_674 = arith.addf %add3A_533, %select_n3A_673 : vector<16xf32>
        %add3A_675 = arith.constant 48 : i32
        %add3A_676 = arith.addi %mul3A_257, %add3A_675 : i32
        %get3A_677 = arith.constant 0 : i32
        %get3A_678 = arith.index_cast %get3A_677 : i32 to index
        %get3A_679 = arith.index_cast %add3A_676 : i32 to index
        %get3A_680 = tpu.vector_load %arg9[%get3A_678, %get3A_679] {strides = array<i32>} : memref<2x1792xi32, #tpu.memory_space<vmem>>, vector<16xi32>,
        %eq3A_681 = arith.constant 1 : i32
        %eq3A_682 = vector.broadcast %eq3A_681 : i32 to vector<16xi32>
        %eq3A_683 = arith.cmpi eq, %get3A_680, %eq3A_682 : vector<16xi32>
        %broadcast_in_dim3A_684 = arith.constant 0.000000e+00 : f32
        %broadcast_in_dim3A_685 = vector.broadcast %broadcast_in_dim3A_684 : f32 to vector<16xf32>
        %get3A_686 = arith.constant 0 : i32
        %get3A_687 = arith.constant 0 : i32
        %get3A_688 = arith.index_cast %get3A_686 : i32 to index
        %get3A_689 = arith.index_cast %get3A_687 : i32 to index
        %get3A_690 = arith.index_cast %add3A_676 : i32 to index
        %get3A_691 = tpu.vector_load %arg7[%get3A_688, %get3A_689, %get3A_690] {strides = array<i32>} : memref<2x5x1792xf32, #tpu.memory_space<vmem>>, vector<16xf32>,
        %get3A_692 = arith.constant 0 : i32
        %get3A_693 = arith.constant 0 : i32
        %get3A_694 = arith.index_cast %get3A_692 : i32 to index
        %get3A_695 = arith.index_cast %get3A_693 : i32 to index
        %get3A_696 = arith.index_cast %add3A_676 : i32 to index
        %get3A_697 = tpu.vector_load %arg8[%get3A_694, %get3A_695, %get3A_696] {strides = array<i32>} : memref<2x5x1792xf32, #tpu.memory_space<vmem>>, vector<16xf32>,
        %sub3A_698 = arith.subf %get3A_691, %get3A_697 : vector<16xf32>
        %abs3A_699 = math.absf %sub3A_698 : vector<16xf32>
        %min3A_700 = arith.constant 1.000000e+00 : f32
        %min3A_701 = vector.broadcast %min3A_700 : f32 to vector<16xf32>
        %min3A_702 = arith.minimumf %abs3A_699, %min3A_701 : vector<16xf32>
        %mul3A_703 = arith.constant 5.000000e-01 : f32
        %mul3A_704 = vector.broadcast %mul3A_703 : f32 to vector<16xf32>
        %mul3A_705 = arith.mulf %mul3A_704, %min3A_702 : vector<16xf32>
        %mul3A_706 = arith.mulf %mul3A_705, %min3A_702 : vector<16xf32>
        %sub3A_707 = arith.subf %abs3A_699, %min3A_702 : vector<16xf32>
        %add3A_708 = arith.addf %mul3A_706, %sub3A_707 : vector<16xf32>
        %add3A_709 = arith.addf %broadcast_in_dim3A_685, %add3A_708 : vector<16xf32>
        %get3A_710 = arith.constant 0 : i32
        %get3A_711 = arith.constant 1 : i32
        %get3A_712 = arith.index_cast %get3A_710 : i32 to index
        %get3A_713 = arith.index_cast %get3A_711 : i32 to index
        %get3A_714 = arith.index_cast %add3A_676 : i32 to index
        %get3A_715 = tpu.vector_load %arg7[%get3A_712, %get3A_713, %get3A_714] {strides = array<i32>} : memref<2x5x1792xf32, #tpu.memory_space<vmem>>, vector<16xf32>,
        %get3A_716 = arith.constant 0 : i32
        %get3A_717 = arith.constant 1 : i32
        %get3A_718 = arith.index_cast %get3A_716 : i32 to index
        %get3A_719 = arith.index_cast %get3A_717 : i32 to index
        %get3A_720 = arith.index_cast %add3A_676 : i32 to index
        %get3A_721 = tpu.vector_load %arg8[%get3A_718, %get3A_719, %get3A_720] {strides = array<i32>} : memref<2x5x1792xf32, #tpu.memory_space<vmem>>, vector<16xf32>,
        %sub3A_722 = arith.subf %get3A_715, %get3A_721 : vector<16xf32>
        %abs3A_723 = math.absf %sub3A_722 : vector<16xf32>
        %min3A_724 = arith.constant 1.000000e+00 : f32
        %min3A_725 = vector.broadcast %min3A_724 : f32 to vector<16xf32>
        %min3A_726 = arith.minimumf %abs3A_723, %min3A_725 : vector<16xf32>
        %mul3A_727 = arith.constant 5.000000e-01 : f32
        %mul3A_728 = vector.broadcast %mul3A_727 : f32 to vector<16xf32>
        %mul3A_729 = arith.mulf %mul3A_728, %min3A_726 : vector<16xf32>
        %mul3A_730 = arith.mulf %mul3A_729, %min3A_726 : vector<16xf32>
        %sub3A_731 = arith.subf %abs3A_723, %min3A_726 : vector<16xf32>
        %add3A_732 = arith.addf %mul3A_730, %sub3A_731 : vector<16xf32>
        %add3A_733 = arith.addf %add3A_709, %add3A_732 : vector<16xf32>
        %get3A_734 = arith.constant 0 : i32
        %get3A_735 = arith.constant 2 : i32
        %get3A_736 = arith.index_cast %get3A_734 : i32 to index
        %get3A_737 = arith.index_cast %get3A_735 : i32 to index
        %get3A_738 = arith.index_cast %add3A_676 : i32 to index
        %get3A_739 = tpu.vector_load %arg7[%get3A_736, %get3A_737, %get3A_738] {strides = array<i32>} : memref<2x5x1792xf32, #tpu.memory_space<vmem>>, vector<16xf32>,
        %get3A_740 = arith.constant 0 : i32
        %get3A_741 = arith.constant 2 : i32
        %get3A_742 = arith.index_cast %get3A_740 : i32 to index
        %get3A_743 = arith.index_cast %get3A_741 : i32 to index
        %get3A_744 = arith.index_cast %add3A_676 : i32 to index
        %get3A_745 = tpu.vector_load %arg8[%get3A_742, %get3A_743, %get3A_744] {strides = array<i32>} : memref<2x5x1792xf32, #tpu.memory_space<vmem>>, vector<16xf32>,
        %sub3A_746 = arith.subf %get3A_739, %get3A_745 : vector<16xf32>
        %abs3A_747 = math.absf %sub3A_746 : vector<16xf32>
        %min3A_748 = arith.constant 1.000000e+00 : f32
        %min3A_749 = vector.broadcast %min3A_748 : f32 to vector<16xf32>
        %min3A_750 = arith.minimumf %abs3A_747, %min3A_749 : vector<16xf32>
        %mul3A_751 = arith.constant 5.000000e-01 : f32
        %mul3A_752 = vector.broadcast %mul3A_751 : f32 to vector<16xf32>
        %mul3A_753 = arith.mulf %mul3A_752, %min3A_750 : vector<16xf32>
        %mul3A_754 = arith.mulf %mul3A_753, %min3A_750 : vector<16xf32>
        %sub3A_755 = arith.subf %abs3A_747, %min3A_750 : vector<16xf32>
        %add3A_756 = arith.addf %mul3A_754, %sub3A_755 : vector<16xf32>
        %add3A_757 = arith.addf %add3A_733, %add3A_756 : vector<16xf32>
        %get3A_758 = arith.constant 0 : i32
        %get3A_759 = arith.constant 3 : i32
        %get3A_760 = arith.index_cast %get3A_758 : i32 to index
        %get3A_761 = arith.index_cast %get3A_759 : i32 to index
        %get3A_762 = arith.index_cast %add3A_676 : i32 to index
        %get3A_763 = tpu.vector_load %arg7[%get3A_760, %get3A_761, %get3A_762] {strides = array<i32>} : memref<2x5x1792xf32, #tpu.memory_space<vmem>>, vector<16xf32>,
        %get3A_764 = arith.constant 0 : i32
        %get3A_765 = arith.constant 3 : i32
        %get3A_766 = arith.index_cast %get3A_764 : i32 to index
        %get3A_767 = arith.index_cast %get3A_765 : i32 to index
        %get3A_768 = arith.index_cast %add3A_676 : i32 to index
        %get3A_769 = tpu.vector_load %arg8[%get3A_766, %get3A_767, %get3A_768] {strides = array<i32>} : memref<2x5x1792xf32, #tpu.memory_space<vmem>>, vector<16xf32>,
        %sub3A_770 = arith.subf %get3A_763, %get3A_769 : vector<16xf32>
        %abs3A_771 = math.absf %sub3A_770 : vector<16xf32>
        %min3A_772 = arith.constant 1.000000e+00 : f32
        %min3A_773 = vector.broadcast %min3A_772 : f32 to vector<16xf32>
        %min3A_774 = arith.minimumf %abs3A_771, %min3A_773 : vector<16xf32>
        %mul3A_775 = arith.constant 5.000000e-01 : f32
        %mul3A_776 = vector.broadcast %mul3A_775 : f32 to vector<16xf32>
        %mul3A_777 = arith.mulf %mul3A_776, %min3A_774 : vector<16xf32>
        %mul3A_778 = arith.mulf %mul3A_777, %min3A_774 : vector<16xf32>
        %sub3A_779 = arith.subf %abs3A_771, %min3A_774 : vector<16xf32>
        %add3A_780 = arith.addf %mul3A_778, %sub3A_779 : vector<16xf32>
        %add3A_781 = arith.addf %add3A_757, %add3A_780 : vector<16xf32>
        %get3A_782 = arith.constant 0 : i32
        %get3A_783 = arith.constant 4 : i32
        %get3A_784 = arith.index_cast %get3A_782 : i32 to index
        %get3A_785 = arith.index_cast %get3A_783 : i32 to index
        %get3A_786 = arith.index_cast %add3A_676 : i32 to index
        %get3A_787 = tpu.vector_load %arg7[%get3A_784, %get3A_785, %get3A_786] {strides = array<i32>} : memref<2x5x1792xf32, #tpu.memory_space<vmem>>, vector<16xf32>,
        %get3A_788 = arith.constant 0 : i32
        %get3A_789 = arith.constant 4 : i32
        %get3A_790 = arith.index_cast %get3A_788 : i32 to index
        %get3A_791 = arith.index_cast %get3A_789 : i32 to index
        %get3A_792 = arith.index_cast %add3A_676 : i32 to index
        %get3A_793 = tpu.vector_load %arg8[%get3A_790, %get3A_791, %get3A_792] {strides = array<i32>} : memref<2x5x1792xf32, #tpu.memory_space<vmem>>, vector<16xf32>,
        %sub3A_794 = arith.subf %get3A_787, %get3A_793 : vector<16xf32>
        %abs3A_795 = math.absf %sub3A_794 : vector<16xf32>
        %min3A_796 = arith.constant 1.000000e+00 : f32
        %min3A_797 = vector.broadcast %min3A_796 : f32 to vector<16xf32>
        %min3A_798 = arith.minimumf %abs3A_795, %min3A_797 : vector<16xf32>
        %mul3A_799 = arith.constant 5.000000e-01 : f32
        %mul3A_800 = vector.broadcast %mul3A_799 : f32 to vector<16xf32>
        %mul3A_801 = arith.mulf %mul3A_800, %min3A_798 : vector<16xf32>
        %mul3A_802 = arith.mulf %mul3A_801, %min3A_798 : vector<16xf32>
        %sub3A_803 = arith.subf %abs3A_795, %min3A_798 : vector<16xf32>
        %add3A_804 = arith.addf %mul3A_802, %sub3A_803 : vector<16xf32>
        %add3A_805 = arith.addf %add3A_781, %add3A_804 : vector<16xf32>
        %jit3A_806 = arith.constant 0.000000e+00 : f32
        %broadcast_in_dim3A_807 = vector.broadcast %jit3A_806 : f32 to vector<16xf32>
        %select_n3A_808 = arith.select %eq3A_683, %add3A_805, %broadcast_in_dim3A_807 : vector<16xi1>, vector<16xf32>
        %add3A_809 = arith.addf %add3A_668, %select_n3A_808 : vector<16xf32>
        %jit3A_810 = arith.constant 1.000000e+00 : f32
        %jit3A_811 = arith.constant 0.000000e+00 : f32
        %broadcast_in_dim3A_812 = vector.broadcast %jit3A_810 : f32 to vector<16xf32>
        %broadcast_in_dim3A_813 = vector.broadcast %jit3A_811 : f32 to vector<16xf32>
        %select_n3A_814 = arith.select %eq3A_683, %broadcast_in_dim3A_812, %broadcast_in_dim3A_813 : vector<16xi1>, vector<16xf32>
        %add3A_815 = arith.addf %add3A_674, %select_n3A_814 : vector<16xf32>
        scf.yield %add3A_809, %add3A_815 : vector<16xf32>, vector<16xf32>
      }
      %scan3A_248 = arith.constant 2 : i32
      %swap3A_249 = arith.constant 0 : index
      %swap3A_250 = tpu.vector_load %arg10[%swap3A_249] {strides = array<i32>} : memref<16xf32, #tpu.memory_space<vmem>>, vector<16xf32>,
      tpu.vector_store %arg10[%swap3A_249], %scan3A_247#0 {strides = array<i32>} : memref<16xf32, #tpu.memory_space<vmem>>, vector<16xf32>,
      %swap3A_251 = arith.constant 0 : index
      %swap3A_252 = tpu.vector_load %arg11[%swap3A_251] {strides = array<i32>} : memref<16xf32, #tpu.memory_space<vmem>>, vector<16xf32>,
      tpu.vector_store %arg11[%swap3A_251], %scan3A_247#1 {strides = array<i32>} : memref<16xf32, #tpu.memory_space<vmem>>, vector<16xf32>,
    } else {
    }
    "tpu.region"() ({
      %run_scoped3A = tpu.sem_alloc : memref<!tpu.dma_semaphore, #tpu.memory_space<semaphore_mem>>
      %dma_start3A_166 = arith.constant 0 : i32
      %dma_start3A_167 = tpu.memref_slice %arg5[%add3A, %dma_start3A_166] : memref<32x16xf32, #tpu.memory_space<hbm>> -> memref<1x16xf32, #tpu.memory_space<hbm>>
      %dma_start3A_168 = tpu.memref_squeeze %dma_start3A_167 : memref<1x16xf32, #tpu.memory_space<hbm>> -> memref<16xf32, #tpu.memory_space<hbm>>
      %dma_start3A_169 = arith.constant 0 : i32
      %dma_start3A_170 = tpu.memref_slice %arg5[%add3A, %dma_start3A_169] : memref<32x16xf32, #tpu.memory_space<hbm>> -> memref<1x16xf32, #tpu.memory_space<hbm>>
      %dma_start3A_171 = tpu.memref_squeeze %dma_start3A_170 : memref<1x16xf32, #tpu.memory_space<hbm>> -> memref<16xf32, #tpu.memory_space<hbm>>
      tpu.enqueue_dma source(%arg10 : memref<16xf32, #tpu.memory_space<vmem>>) target(%dma_start3A_171 : memref<16xf32, #tpu.memory_space<hbm>>) target_semaphore(%run_scoped3A : memref<!tpu.dma_semaphore, #tpu.memory_space<semaphore_mem>>)
      %dma_wait3A_172 = arith.constant 0 : i32
      %dma_wait3A_173 = tpu.memref_slice %arg5[%add3A, %dma_wait3A_172] : memref<32x16xf32, #tpu.memory_space<hbm>> -> memref<1x16xf32, #tpu.memory_space<hbm>>
      %dma_wait3A_174 = tpu.memref_squeeze %dma_wait3A_173 : memref<1x16xf32, #tpu.memory_space<hbm>> -> memref<16xf32, #tpu.memory_space<hbm>>
      %dma_wait3A_175 = arith.constant 0 : i32
      %dma_wait3A_176 = tpu.memref_slice %arg5[%add3A, %dma_wait3A_175] : memref<32x16xf32, #tpu.memory_space<hbm>> -> memref<1x16xf32, #tpu.memory_space<hbm>>
      %dma_wait3A_177 = tpu.memref_squeeze %dma_wait3A_176 : memref<1x16xf32, #tpu.memory_space<hbm>> -> memref<16xf32, #tpu.memory_space<hbm>>
      tpu.wait_dma2 semaphore(%run_scoped3A : memref<!tpu.dma_semaphore, #tpu.memory_space<semaphore_mem>>) src(%arg10 : memref<16xf32, #tpu.memory_space<vmem>>) dst(%dma_wait3A_177 : memref<16xf32, #tpu.memory_space<hbm>>)
      tpu.yield
    }) : () -> ()
    "tpu.region"() ({
      %run_scoped3A = tpu.sem_alloc : memref<!tpu.dma_semaphore, #tpu.memory_space<semaphore_mem>>
      %dma_start3A_166 = arith.constant 0 : i32
      %dma_start3A_167 = tpu.memref_slice %arg6[%add3A, %dma_start3A_166] : memref<32x16xf32, #tpu.memory_space<hbm>> -> memref<1x16xf32, #tpu.memory_space<hbm>>
      %dma_start3A_168 = tpu.memref_squeeze %dma_start3A_167 : memref<1x16xf32, #tpu.memory_space<hbm>> -> memref<16xf32, #tpu.memory_space<hbm>>
      %dma_start3A_169 = arith.constant 0 : i32
      %dma_start3A_170 = tpu.memref_slice %arg6[%add3A, %dma_start3A_169] : memref<32x16xf32, #tpu.memory_space<hbm>> -> memref<1x16xf32, #tpu.memory_space<hbm>>
      %dma_start3A_171 = tpu.memref_squeeze %dma_start3A_170 : memref<1x16xf32, #tpu.memory_space<hbm>> -> memref<16xf32, #tpu.memory_space<hbm>>
      tpu.enqueue_dma source(%arg11 : memref<16xf32, #tpu.memory_space<vmem>>) target(%dma_start3A_171 : memref<16xf32, #tpu.memory_space<hbm>>) target_semaphore(%run_scoped3A : memref<!tpu.dma_semaphore, #tpu.memory_space<semaphore_mem>>)
      %dma_wait3A_172 = arith.constant 0 : i32
      %dma_wait3A_173 = tpu.memref_slice %arg6[%add3A, %dma_wait3A_172] : memref<32x16xf32, #tpu.memory_space<hbm>> -> memref<1x16xf32, #tpu.memory_space<hbm>>
      %dma_wait3A_174 = tpu.memref_squeeze %dma_wait3A_173 : memref<1x16xf32, #tpu.memory_space<hbm>> -> memref<16xf32, #tpu.memory_space<hbm>>
      %dma_wait3A_175 = arith.constant 0 : i32
      %dma_wait3A_176 = tpu.memref_slice %arg6[%add3A, %dma_wait3A_175] : memref<32x16xf32, #tpu.memory_space<hbm>> -> memref<1x16xf32, #tpu.memory_space<hbm>>
      %dma_wait3A_177 = tpu.memref_squeeze %dma_wait3A_176 : memref<1x16xf32, #tpu.memory_space<hbm>> -> memref<16xf32, #tpu.memory_space<hbm>>
      tpu.wait_dma2 semaphore(%run_scoped3A : memref<!tpu.dma_semaphore, #tpu.memory_space<semaphore_mem>>) src(%arg11 : memref<16xf32, #tpu.memory_space<vmem>>) dst(%dma_wait3A_177 : memref<16xf32, #tpu.memory_space<hbm>>)
      tpu.yield
    }) : () -> ()
    return
  }
}

module attributes {stable_mosaic.version = 14 : i64} {
  func.func @_fin_body(%arg0: memref<32x16xf32, #tpu.memory_space<vmem>>, %arg1: memref<32x16xf32, #tpu.memory_space<vmem>>, %arg2: memref<2xf32, #tpu.memory_space<smem>>, %arg3: memref<1xf32, #tpu.memory_space<smem>>) attributes {dimension_semantics = [], scalar_prefetch = 0 : i64, scratch_operands = 0 : i64, tpu.core_type = #tpu.core_type<tc>} {
    %get3A = arith.constant 0 : index
    %get3A_0 = memref.load %arg2[%get3A] : memref<2xf32, #tpu.memory_space<smem>>
    %get3A_1 = arith.constant 0 : index
    %get3A_2 = arith.constant 0 : index
    %get3A_3 = vector.load %arg0[%get3A_1, %get3A_2] : memref<32x16xf32, #tpu.memory_space<vmem>>, vector<32x16xf32>
    %reduce_sum3A = vector.shape_cast %get3A_3 : vector<32x16xf32> to vector<1x32x16xf32>
    %reduce_sum3A_4 = arith.constant dense<0.000000e+00> : vector<1xf32>
    %reduce_sum3A_5 = vector.multi_reduction <add>, %reduce_sum3A, %reduce_sum3A_4 [1, 2] : vector<1x32x16xf32> to vector<1xf32>
    %reduce_sum3A_6 = vector.shape_cast %reduce_sum3A_5 : vector<1xf32> to vector<1x1x1xf32>
    %reduce_sum3A_7 = vector.extract %reduce_sum3A_6[0, 0, 0] : f32 from vector<1x1x1xf32>
    %add3A = arith.addf %get3A_0, %reduce_sum3A_7 : f32
    %get3A_8 = arith.constant 1 : index
    %get3A_9 = memref.load %arg2[%get3A_8] : memref<2xf32, #tpu.memory_space<smem>>
    %get3A_10 = arith.constant 0 : index
    %get3A_11 = arith.constant 0 : index
    %get3A_12 = vector.load %arg1[%get3A_10, %get3A_11] : memref<32x16xf32, #tpu.memory_space<vmem>>, vector<32x16xf32>
    %reduce_sum3A_13 = vector.shape_cast %get3A_12 : vector<32x16xf32> to vector<1x32x16xf32>
    %reduce_sum3A_14 = arith.constant dense<0.000000e+00> : vector<1xf32>
    %reduce_sum3A_15 = vector.multi_reduction <add>, %reduce_sum3A_13, %reduce_sum3A_14 [1, 2] : vector<1x32x16xf32> to vector<1xf32>
    %reduce_sum3A_16 = vector.shape_cast %reduce_sum3A_15 : vector<1xf32> to vector<1x1x1xf32>
    %reduce_sum3A_17 = vector.extract %reduce_sum3A_16[0, 0, 0] : f32 from vector<1x1x1xf32>
    %add3A_18 = arith.addf %get3A_9, %reduce_sum3A_17 : f32
    %max3A = arith.constant 1.000000e+00 : f32
    %max3A_19 = arith.maximumf %add3A_18, %max3A : f32
    %mul3A = arith.constant 5.000000e+00 : f32
    %mul3A_20 = arith.mulf %mul3A, %max3A_19 : f32
    %div3A = arith.divf %add3A, %mul3A_20 : f32
    %swap3A = arith.constant 0 : index
    %swap3A_21 = memref.load %arg3[%swap3A] : memref<1xf32, #tpu.memory_space<smem>>
    memref.store %div3A, %arg3[%swap3A] : memref<1xf32, #tpu.memory_space<smem>>
    return
  }
}

module attributes {stable_mosaic.version = 14 : i64} {
  func.func @_tc_body(%arg0: i32, %arg1: memref<5x40960xf32, #tpu.memory_space<vmem>>, %arg2: memref<40960xi32, #tpu.memory_space<vmem>>, %arg3: memref<5x40960xf32, #tpu.memory_space<vmem>>, %arg4: memref<2xf32, #tpu.memory_space<smem>>, %arg5: memref<2xf32, #tpu.memory_space<smem>>) attributes {dimension_semantics = [#tpu.dimension_semantics<arbitrary>], iteration_bounds = array<i64: 5>, scalar_prefetch = 0 : i64, scratch_operands = 1 : i64, tpu.core_type = #tpu.core_type<tc>, window_params = [{transform_indices = @transform_0, window_bounds = array<i64: 5, 40960>}, {transform_indices = @transform_1, window_bounds = array<i64: 40960>}, {transform_indices = @transform_2, window_bounds = array<i64: 5, 40960>}, {transform_indices = @transform_3, window_bounds = array<i64: 2>}]} {
    %eq3A = arith.constant 0 : i32
    %eq3A_0 = arith.cmpi eq, %arg0, %eq3A : i32
    %convert_element_type3A = arith.extui %eq3A_0 : i1 to i32
    %cond3A = arith.constant 0 : i32
    %cond3A_1 = arith.cmpi ne, %convert_element_type3A, %cond3A : i32
    scf.if %cond3A_1 {
      %swap3A_49 = arith.constant 0.000000e+00 : f32
      %swap3A_50 = arith.constant 0 : index
      %swap3A_51 = memref.load %arg5[%swap3A_50] : memref<2xf32, #tpu.memory_space<smem>>
      memref.store %swap3A_49, %arg5[%swap3A_50] : memref<2xf32, #tpu.memory_space<smem>>
      %swap3A_52 = arith.constant 0.000000e+00 : f32
      %swap3A_53 = arith.constant 1 : index
      %swap3A_54 = memref.load %arg5[%swap3A_53] : memref<2xf32, #tpu.memory_space<smem>>
      memref.store %swap3A_52, %arg5[%swap3A_53] : memref<2xf32, #tpu.memory_space<smem>>
    } else {
    }
    %get3A = arith.constant 0 : index
    %get3A_2 = arith.constant 0 : index
    %get3A_3 = vector.load %arg1[%get3A, %get3A_2] : memref<5x40960xf32, #tpu.memory_space<vmem>>, vector<5x40960xf32>
    %get3A_4 = arith.constant 0 : index
    %get3A_5 = arith.constant 0 : index
    %get3A_6 = vector.load %arg3[%get3A_4, %get3A_5] : memref<5x40960xf32, #tpu.memory_space<vmem>>, vector<5x40960xf32>
    %sub3A = arith.subf %get3A_3, %get3A_6 : vector<5x40960xf32>
    %abs3A = math.absf %sub3A : vector<5x40960xf32>
    %min3A = arith.constant 1.000000e+00 : f32
    %min3A_7 = vector.broadcast %min3A : f32 to vector<5x40960xf32>
    %min3A_8 = arith.minimumf %abs3A, %min3A_7 : vector<5x40960xf32>
    %mul3A = arith.constant 5.000000e-01 : f32
    %mul3A_9 = vector.broadcast %mul3A : f32 to vector<5x40960xf32>
    %mul3A_10 = arith.mulf %mul3A_9, %min3A_8 : vector<5x40960xf32>
    %mul3A_11 = arith.mulf %mul3A_10, %min3A_8 : vector<5x40960xf32>
    %sub3A_12 = arith.subf %abs3A, %min3A_8 : vector<5x40960xf32>
    %add3A = arith.addf %mul3A_11, %sub3A_12 : vector<5x40960xf32>
    %get3A_13 = arith.constant 0 : index
    %get3A_14 = vector.load %arg2[%get3A_13] : memref<40960xi32, #tpu.memory_space<vmem>>, vector<40960xi32>
    %eq3A_15 = arith.constant 1 : i32
    %eq3A_16 = vector.broadcast %eq3A_15 : i32 to vector<40960xi32>
    %eq3A_17 = arith.cmpi eq, %get3A_14, %eq3A_16 : vector<40960xi32>
    %broadcast_in_dim3A = vector.shape_cast %eq3A_17 : vector<40960xi1> to vector<1x40960xi1>
    %broadcast_in_dim3A_18 = vector.shape_cast %broadcast_in_dim3A : vector<1x40960xi1> to vector<1x40960xi1>
    %broadcast_in_dim3A_19 = vector.broadcast %broadcast_in_dim3A_18 : vector<1x40960xi1> to vector<5x40960xi1>
    %jit3A = arith.constant 0.000000e+00 : f32
    %broadcast_in_dim3A_20 = vector.broadcast %jit3A : f32 to vector<5x40960xf32>
    %select_n3A = arith.select %broadcast_in_dim3A_19, %add3A, %broadcast_in_dim3A_20 : vector<5x40960xi1>, vector<5x40960xf32>
    %get3A_21 = arith.constant 0 : index
    %get3A_22 = memref.load %arg5[%get3A_21] : memref<2xf32, #tpu.memory_space<smem>>
    %reduce_sum3A = vector.shape_cast %select_n3A : vector<5x40960xf32> to vector<1x5x40960xf32>
    %reduce_sum3A_23 = arith.constant dense<0.000000e+00> : vector<1xf32>
    %reduce_sum3A_24 = vector.multi_reduction <add>, %reduce_sum3A, %reduce_sum3A_23 [1, 2] : vector<1x5x40960xf32> to vector<1xf32>
    %reduce_sum3A_25 = vector.shape_cast %reduce_sum3A_24 : vector<1xf32> to vector<1x1x1xf32>
    %reduce_sum3A_26 = vector.extract %reduce_sum3A_25[0, 0, 0] : f32 from vector<1x1x1xf32>
    %add3A_27 = arith.addf %get3A_22, %reduce_sum3A_26 : f32
    %swap3A = arith.constant 0 : index
    %swap3A_28 = memref.load %arg5[%swap3A] : memref<2xf32, #tpu.memory_space<smem>>
    memref.store %add3A_27, %arg5[%swap3A] : memref<2xf32, #tpu.memory_space<smem>>
    %get3A_29 = arith.constant 1 : index
    %get3A_30 = memref.load %arg5[%get3A_29] : memref<2xf32, #tpu.memory_space<smem>>
    %jit3A_31 = arith.constant 1.000000e+00 : f32
    %jit3A_32 = arith.constant 0.000000e+00 : f32
    %broadcast_in_dim3A_33 = vector.broadcast %jit3A_31 : f32 to vector<40960xf32>
    %broadcast_in_dim3A_34 = vector.broadcast %jit3A_32 : f32 to vector<40960xf32>
    %select_n3A_35 = arith.select %eq3A_17, %broadcast_in_dim3A_33, %broadcast_in_dim3A_34 : vector<40960xi1>, vector<40960xf32>
    %reduce_sum3A_36 = vector.shape_cast %select_n3A_35 : vector<40960xf32> to vector<1x40960xf32>
    %reduce_sum3A_37 = arith.constant dense<0.000000e+00> : vector<1xf32>
    %reduce_sum3A_38 = vector.multi_reduction <add>, %reduce_sum3A_36, %reduce_sum3A_37 [1] : vector<1x40960xf32> to vector<1xf32>
    %reduce_sum3A_39 = vector.shape_cast %reduce_sum3A_38 : vector<1xf32> to vector<1x1xf32>
    %reduce_sum3A_40 = vector.extract %reduce_sum3A_39[0, 0] : f32 from vector<1x1xf32>
    %add3A_41 = arith.addf %get3A_30, %reduce_sum3A_40 : f32
    %swap3A_42 = arith.constant 1 : index
    %swap3A_43 = memref.load %arg5[%swap3A_42] : memref<2xf32, #tpu.memory_space<smem>>
    memref.store %add3A_41, %arg5[%swap3A_42] : memref<2xf32, #tpu.memory_space<smem>>
    %eq3A_44 = arith.constant 4 : i32
    %eq3A_45 = arith.cmpi eq, %arg0, %eq3A_44 : i32
    %convert_element_type3A_46 = arith.extui %eq3A_45 : i1 to i32
    %cond3A_47 = arith.constant 0 : i32
    %cond3A_48 = arith.cmpi ne, %convert_element_type3A_46, %cond3A_47 : i32
    scf.if %cond3A_48 {
      %get3A_49 = arith.constant 0 : index
      %get3A_50 = memref.load %arg5[%get3A_49] : memref<2xf32, #tpu.memory_space<smem>>
      %swap3A_51 = arith.constant 0 : index
      %swap3A_52 = memref.load %arg4[%swap3A_51] : memref<2xf32, #tpu.memory_space<smem>>
      memref.store %get3A_50, %arg4[%swap3A_51] : memref<2xf32, #tpu.memory_space<smem>>
      %get3A_53 = arith.constant 1 : index
      %get3A_54 = memref.load %arg5[%get3A_53] : memref<2xf32, #tpu.memory_space<smem>>
      %swap3A_55 = arith.constant 1 : index
      %swap3A_56 = memref.load %arg4[%swap3A_55] : memref<2xf32, #tpu.memory_space<smem>>
      memref.store %get3A_54, %arg4[%swap3A_55] : memref<2xf32, #tpu.memory_space<smem>>
    } else {
    }
    return
  }
  func.func @transform_0(%arg0: i32) -> (i32, i32) {
    %c0_i32 = arith.constant 0 : i32
    %c0_i32_0 = arith.constant 0 : i32
    return %c0_i32, %arg0 : i32, i32
  }
  func.func @transform_1(%arg0: i32) -> i32 {
    %c0_i32 = arith.constant 0 : i32
    return %arg0 : i32
  }
  func.func @transform_2(%arg0: i32) -> (i32, i32) {
    %c0_i32 = arith.constant 0 : i32
    %c0_i32_0 = arith.constant 0 : i32
    return %c0_i32, %arg0 : i32, i32
  }
  func.func @transform_3(%arg0: i32) -> i32 {
    %c0_i32 = arith.constant 0 : i32
    %c0_i32_0 = arith.constant 0 : i32
    return %c0_i32 : i32
  }
}

</mosaic_0001>

<sc_bundles>
// kernel: kernel.5.cloned.1.call-start
scs
__scs_entry_jumppad:
0x0: {  	(pc) =	sbr.rel $0x88, $3  }
0x1: {  	(tag) =	ssettag $0x0;
	lr =	simm.s32 $0x1  }
0x2: {  	[smem:$0x3F9E] =	sst lr;
	_ =	strace $0xD0000000  }
0x3: {  	_ = 	snop  }
0x4: {  	_ = 	snop  }
0x5: {  	_ = 	snop  }
0x6: {  	_ = 	snop  }
0x7: {  	_ = 	snop  }
__scs_overlays_trampoline_lowered:
0x8: {  	[smem:$0x3FAD] =	sst s0  }
0x9: {  	[smem:$0x3FAE] =	sst s1  }
0xa: {  	[smem:$0x3FAF] =	sst s2  }
0xb: {  	[smem:$0x3FB0] =	sst s3  }
0xc: {  	[smem:$0x3FB1] =	sst s4  }
0xd: {  	[smem:$0x3FB2] =	sst s5  }
0xe: {  	[smem:$0x3FB3] =	sst s6  }
0xf: {  	[smem:$0x3FB4] =	sst s7  }
0x10: {  	[smem:$0x3FB5] =	sst s8  }
0x11: {  	[smem:$0x3FB6] =	sst s9;
	s0 =	simm.s32 @!p0 $0x0  }
0x12: {  	s1 =	sld [smem:$0x3F9C];
	s0 =	simm.s32 @p0 $0x1  }
0x13: {  	[smem:$0x3FB7] =	sst s0;
	s0 =	simm.s32 @!p1 $0x0  }
0x14: {  	s2 =	sld [smem:$0x3F9B];
	s0 =	simm.s32 @p1 $0x1  }
0x15: {  	[smem:$0x3FB8] =	sst s0;
	s0 =	simm.s32 @!p2 $0x0  }
0x16: {  	s3 =	sld [smem:$0x3FDB];
	s0 =	simm.s32 @p2 $0x1  }
0x17: {  	s4 =	simm.s32 $0x1BF5;
	[smem:$0x3FBA] =	sst s0  }
0x18: {  	s0 =	sld [smem:$0x3F9D];
	_ =	swait.ge [sflag:s4], $0x0  }
0x19: {  	s7 =	sld [smem:$0x3F9E]  }
0x1a: {  	s8 =	sadd.s32 $0xFFFFE003, lr  }
0x1b: {  	s9 =	sadd.s32 $0xFFFFFEF7, lr;
	s5 =	simm.s32 $0xFFFFFFFF;
	p2 =	slt.u32 s8, $0xFFFFF086  }
0x1c: {  	p1 =	slt.u32 s9, $0xF7A;
	s5 =	simm.s32 @!p2 $0x0  }
0x1d: {  	s5 =	simm.s32 @p1 $0x1;
	p0 =	seq.s32 s7, s2  }
0x1e: {  	s7 =	smul.u32 @!p0 $0xF7A, s2;
	p2 =	seq.s32 @!p0 s5, $0x0  }
0x1f: {  	s9 =	smul.u32 $0xF7A, s1;
	s8 =	simm.s32 @!p0 $0x1BF5;
	p2 =	por !p2, p0  }
0x20: {  	[sflag:s8] =	ssyncset.s32 @!p0 $0xFFFFF086;
	s6 =	sadd.s32 @!p0 s3, s7;
	s7 =	simm.s32 @!p0 $0x108  }
0x21: {  	s3 =	sadd.s32 s3, s9;
	s6 =	sadd.s32 @!p0 $0x88, s6;
	s7 =	simm.s32 @p2 $0x1082  }
0x22: {  	[simem:s7], [sflag:s8] =	dma.local @!p0 [hbm:s6], $0xF7A  }
0x23: {  	s9 =	sor.u32 $0xD0000000, s2;
	s6 =	simm.s32 $0x108;
	_ =	swait.ge @!p0 [sflag:s8], $0x0  }
0x24: {  	s3 =	sadd.s32 $0x88, s3;
	s6 =	simm.s32 @!p1 $0x1082;
	[sflag:s4] =	ssyncset.s32 $0xFFFFF086  }
0x25: {  	[simem:s6], [sflag:s4] =	dma.local [hbm:s3], $0xF7A  }
0x26: {  	[smem:$0x3F9E] =	sst s1;
	(tag) =	ssettag s2;
	_ =	strace s9  }
0x27: {  	s1 =	sld [smem:$0x3FAE]  }
0x28: {  	s2 =	sld [smem:$0x3FAF]  }
0x29: {  	s4 =	sld [smem:$0x3FB1]  }
0x2a: {  	p0 =	seq.s32 s5, $0x0;
	s5 =	sld [smem:$0x3FB2]  }
0x2b: {  	s6 =	sld [smem:$0x3FB3]  }
0x2c: {  	s7 =	sld [smem:$0x3FB4]  }
0x2d: {  	s3 =	simm.s32 $0x108;
	s8 =	sld [smem:$0x3FB5]  }
0x2e: {  	s3 =	simm.s32 @!p0 $0x1082;
	s9 =	sld [smem:$0x3FB6]  }
0x2f: {  	lr =	sadd.s32 s0, s3;
	s0 =	sld [smem:$0x3FAD]  }
0x30: {  	s3 =	sld [smem:$0x3FB0]  }
0x31: {  	[smem:$0x3FB9] =	sst s10  }
0x32: {  	s10 =	sld [smem:$0x3FB7];
	_ =	sdelay $0x3  }
0x33: {  	p0 =	seq.s32 s10, $0x1;
	s10 =	sld [smem:$0x3FB9];
	_ =	sdelay $0x3  }
0x34: {  	[smem:$0x3FB9] =	sst s10  }
0x35: {  	s10 =	sld [smem:$0x3FB8];
	_ =	sdelay $0x3  }
0x36: {  	p1 =	seq.s32 s10, $0x1;
	s10 =	sld [smem:$0x3FB9];
	_ =	sdelay $0x3  }
0x37: {  	[smem:$0x3FB9] =	sst s10  }
0x38: {  	s10 =	sld [smem:$0x3FBA]  }
0x39: {  	_ = 	snop;
	(pc) =	sbr.ind lr, $3  }
0x3a: {  	_ = 	snop  }
0x3b: {  	_ = 	snop  }
0x3c: {  	p2 =	seq.s32 s10, $0x1;
	s10 =	sld [smem:$0x3FB9]  }
0x3d: {  	_ =	shalt  }
0x3e: {  	_ =	shalt  }
0x3f: {  	_ =	shalt  }
0x40: {  	_ =	shalt  }
0x41: {  	_ =	shalt  }
0x42: {  	_ =	shalt  }
0x43: {  	_ =	shalt  }
0x44: {  	_ =	shalt  }
0x45: {  	_ =	shalt  }
0x46: {  	_ =	shalt  }
0x47: {  	_ =	shalt  }
0x48: {  	_ =	shalt  }
0x49: {  	_ =	shalt  }
0x4a: {  	_ =	shalt  }
0x4b: {  	_ =	shalt  }
0x4c: {  	_ =	shalt  }
0x4d: {  	_ =	shalt  }
0x4e: {  	_ =	shalt  }
0x4f: {  	_ =	shalt  }
0x50: {  	_ =	shalt  }
0x51: {  	_ =	shalt  }
0x52: {  	_ =	shalt  }
0x53: {  	_ =	shalt  }
0x54: {  	_ =	shalt  }
0x55: {  	_ =	shalt  }
0x56: {  	_ =	shalt  }
0x57: {  	_ =	shalt  }
0x58: {  	_ =	shalt  }
0x59: {  	_ =	shalt  }
0x5a: {  	_ =	shalt  }
0x5b: {  	_ =	shalt  }
0x5c: {  	_ =	shalt  }
0x5d: {  	_ =	shalt  }
0x5e: {  	_ =	shalt  }
0x5f: {  	_ =	shalt  }
0x60: {  	_ =	shalt  }
0x61: {  	_ =	shalt  }
0x62: {  	_ =	shalt  }
0x63: {  	_ =	shalt  }
0x64: {  	_ =	shalt  }
0x65: {  	_ =	shalt  }
0x66: {  	_ =	shalt  }
0x67: {  	_ =	shalt  }
0x68: {  	_ =	shalt  }
0x69: {  	_ =	shalt  }
0x6a: {  	_ =	shalt  }
0x6b: {  	_ =	shalt  }
0x6c: {  	_ =	shalt  }
0x6d: {  	_ =	shalt  }
0x6e: {  	_ =	shalt  }
0x6f: {  	_ =	shalt  }
0x70: {  	_ =	shalt  }
0x71: {  	_ =	shalt  }
0x72: {  	_ =	shalt  }
0x73: {  	_ =	shalt  }
0x74: {  	_ =	shalt  }
0x75: {  	_ =	shalt  }
0x76: {  	_ =	shalt  }
0x77: {  	_ =	shalt  }
0x78: {  	_ =	shalt  }
0x79: {  	_ =	shalt  }
0x7a: {  	_ =	shalt  }
0x7b: {  	_ =	shalt  }
0x7c: {  	_ =	shalt  }
0x7d: {  	_ =	shalt  }
0x7e: {  	_ =	shalt  }
0x7f: {  	_ =	shalt  }
0x80: {  	_ =	shalt  }
0x81: {  	_ =	shalt  }
0x82: {  	_ =	shalt  }
0x83: {  	_ =	shalt  }
0x84: {  	_ =	shalt  }
0x85: {  	_ =	shalt  }
0x86: {  	_ =	shalt  }
0x87: {  	_ =	shalt  }
.Lfunc_end0:
.L_simem_size_0:
called_computation_lowered:
.L_overlay_start_0:
0x88: {  	s2 =	sld [smem:$0x3FD9]  }
0x89: {  	s3 =	sld [smem:$0x3FFE];
	_ =	sdelay $0x1  }
0x8a: {  	s1 =	srdreg.scid  }
0x8b: {  	s0 =	sand.u32 $0x1, s1  }
0x8c: {  	s17 =	sshll.u32 s0, $0xA;
	s2 =	sadd.s32 s3, s2  }
0x8d: {  	s2 =	sadd.s32 s2, s17  }
0x8e: {  	[smem:$0x3FC5] =	sst s2  }
0x8f: {  	_ = 	snop  }
0x90: {  	s2 =	sld [smem:$0x3FC9]  }
0x91: {  	s18 =	sld [smem:$0x3FC8]  }
0x92: {  	s4 =	sld [smem:$0x3FC7];
	(tm) =	ssettm $0x1  }
0x93: {  	s5 =	sld [smem:$0x3FFB];
	_ =	sdelay $0x3  }
0x94: {  	_ =	strace s5  }
0x95: {  	s5 =	sld [smem:$0x3FFC];
	_ =	sdelay $0x3  }
0x96: {  	_ =	strace s5  }
0x97: {  	s5 =	sld [smem:$0x3FFD];
	_ =	sdelay $0x3  }
0x98: {  	_ =	strace s5  }
0x99: {  	_ =	strace $0x8FFFFFFF  }
0x9a: {  	s19 =	sld [smem:$0x3FDB];
	_ =	sdelay $0x1  }
0x9b: {  	s6 =	simm.s32 $_scs_section_size  }
0x9c: {  	s7 =	simm.s32 $_size__tile_overlayer_lowered;
	s8 =	simm.s32 $_tile_overlayer_lowered  }
0x9d: {  	s22 =	simm.s32 $0x1BFF;
	s21 =	sshll.u32 s8, $0x1;
	s5 =	sadd.s32 s6, s19  }
0x9e: {  	s9 =	simm.s32 $0x0;
	s20 =	sshll.u32 s7, $0x1;
	s7 =	sadd.s32 s21, s5  }
0x9f: {  	[timem:s9], [sflag:s22] =	dma.local [hbm:s7], s20  }
0xa0: {  	_ =	swait.ge [sflag:s22], s20  }
0xa1: {  	s6 =	ssub.s32 $0x0, s20;
	[sflag:s22] =	ssyncset.done $0x0  }
0xa2: {  	[sflag:s22] =	ssyncadd.s32 s6;
	_ =	sdelay $0x1  }
0xa3: {  	s23 =	simm.s32 $0x1B8B  }
0xa4: {  	_ =	swait.ge [sflag:s23], $0x1  }
0xa5: {  	[sflag:s23] =	ssyncset.done $0x0  }
0xa6: {  	s25 =	simm.s32 $0x1B8E;
	s24 =	sld [smem:$0x3FFE];
	[sflag:s23] =	ssyncadd.s32 $0xFFFFFFFF  }
0xa7: {  	s26 =	simm.s32 $execute0_lowered;
	[smem:$0x3FD2] =	sst s25  }
0xa8: {  	s7 =	sshll.u32 s26, $0x1;
	_ =	strace $0x80000046;
	[dreg:$0x1] =	wrdreg $0xFFFFFFFF  }
0xa9: {  	s28 =	simm.s32 $_size_execute0_lowered;
	s5 =	sadd.s32 s5, s7;
	[dreg:$0x0] =	wrdreg $0x0  }
0xaa: {  	s7 =	sshll.u32 s28, $0x1;
	[dreg:$0x2] =	wrdreg s5  }
0xab: {  	[dreg:$0x3] =	wrdreg s7  }
0xac: {  	[dreg:$0x4] =	wrdreg $0xC0  }
0xad: {  	_ =	task [dreg:s9], $0x5FFFF  }
0xae: {  	[dreg:$0x1] =	wrdreg $0xFFFFFFFF  }
0xaf: {  	[dreg:$0x0] =	wrdreg $0x60  }
0xb0: {  	[dreg:$0x2] =	wrdreg s2  }
0xb1: {  	[dreg:$0x3] =	wrdreg s18  }
0xb2: {  	[dreg:$0x4] =	wrdreg s4  }
0xb3: {  	[dreg:$0x5] =	wrdreg s24  }
0xb4: {  	[dreg:$0x6] =	wrdreg $0x9  }
0xb5: {  	_ =	task.clear_ibuf [dreg:s9], $0x7FFFF;
	_ =	strace $0x90000046  }
0xb6: {  	s29 =	simm.s32 $0x9;
	_ =	strace $0x80000048  }
0xb7: {  	_ =	swait.ge [sflag:s29], $0x1  }
0xb8: {  	[sflag:s29] =	ssyncadd.s32 $0xFFFFFFFF  }
0xb9: {  	_ =	strace $0x90000048  }
0xba: {  	_ =	sfence  }
0xbb: {  	s30 =	sld [smem:$0x0];
	_ =	sdelay $0x2  }
0xbc: {  	s31 =	sshll.u32 s1, $0xD;
	s1 =	sshrl.u32 s1, $0x2  }
0xbd: {  	s3 =	sand.u32 $0x4000, s31;
	s1 =	sadd.s32 s1, s30  }
0xbe: {  	s0 =	sor.u32 s3, s0;
	s1 =	sshll.u32 s1, $0x11  }
0xbf: {  	s0 =	sor.u32 s1, s0  }
0xc0: {  	s0 =	sadd.s32 $0x8F2B, s0  }
0xc1: {  	[sflag:s0] =	ssyncadd.remote.s32 $0x1  }
0xc2: {  	_ =	sfence.sel $0xFFFF  }
0xc3: {  	[dreg:$0x0] =	wrdreg $0xFFFFFFFF;
	(pc) =	sbr.abs _section_cstart, $3  }
0xc4: {  	[dreg:$0x1] =	wrdreg $0xFFFFFFFF  }
0xc5: {  	_ =	task.clear_ibuf [dreg:s9], $0x2FFFF;
	_ =	strace $0x9FFFFFFF  }
0xc6: {  	(tm) =	ssettm $0x7FFFFFFF  }
0xc7: {  	_ =	shalt  }
tec
execute0_lowered:
.L_overlay_start_1:
0x0: {  	(tag) =	ssettag $0x1  }
0x1: {  	s0 =	rddreg [dreg:$0x0]  }
0x2: {  	s1 =	rddreg [dreg:$0x1]  }
0x3: {  	s2 =	srdreg.scid;
	s11 =	stileid.u32  }
0x4: {  	s3 =	rddreg [dreg:$0x2];
	s5 =	sand.u32 $0x1, s2;
	s6 =	sshll.u32 s11, $0x1  }
0x5: {  	s2 =	simm.s32 $0x0;
	s6 =	sor.u32 s5, s6;
	s5 =	ssub.s32 $0x2, s5  }
0x6: {  	[smem:$0x7FF] =	sst s2;
	s7 =	smul.u32 $0xE00, s6;
	s9 =	sshrl.u32 s5, $0x1  }
0x7: {  	s4 =	rddreg [dreg:$0x3];
	_ =	strace $0x80000047;
	s9 =	ssub.s32 s5, s9  }
0x8: {  	s8 =	sshll.u32 s6, $0x4;
	s10 =	sadd.s32 $0x32000, s7;
	s12 =	smax.u32 s9, $0x1  }
0x9: {  	s6 =	sor.u32 $0x9C0, s6;
	s25 =	sadd.s32 s0, s10;
	[dreg:$0xe] =	wrdreg s12  }
0xa: {  	s7 =	sadd.s32 $0x32700, s7;
	s26 =	sadd.s32 s3, s10;
	[dreg:$0x5] =	wrdreg s25  }
0xb: {  	s4 =	sadd.s32 s8, s4;
	s29 =	sadd.s32 s0, s7;
	[dreg:$0x6] =	wrdreg s26  }
0xc: {  	s31 =	sshll.u32 s6, $0x7;
	s30 =	sadd.s32 s3, s7;
	[dreg:$0x7] =	wrdreg s29  }
0xd: {  	s6 =	sshll.u32 s6, $0x4;
	s0 =	sadd.s32 s0, s31;
	[dreg:$0x8] =	wrdreg s30  }
0xe: {  	s28 =	sshrl.u32 s10, $0x3;
	s3 =	sadd.s32 s3, s31;
	[dreg:$0x9] =	wrdreg s0  }
0xf: {  	s7 =	sshrl.u32 s7, $0x3;
	s10 =	sadd.s32 $0x1400, s4;
	[dreg:$0xa] =	wrdreg s3  }
0x10: {  	s5 =	sadd.s32 s1, s28;
	s0 =	sadd.s32 s1, s6;
	[dreg:$0xd] =	wrdreg s10  }
0x11: {  	s8 =	sadd.s32 s1, s7;
	s7 =	sadd.s32 $0x1200, s4;
	[dreg:$0xb] =	wrdreg s0  }
0x12: {  	[dreg:$0xc] =	wrdreg s7;
	s13 =	sadd.s32 $0x10, s5  }
0x13: {  	s14 =	sadd.s32 $0x20, s5;
	[dreg:$0xf] =	wrdreg s13  }
0x14: {  	s15 =	sadd.s32 $0x30, s5;
	[dreg:$0x10] =	wrdreg s14  }
0x15: {  	s16 =	sadd.s32 $0x40, s5;
	[dreg:$0x11] =	wrdreg s15  }
0x16: {  	s17 =	sadd.s32 $0x50, s5;
	[dreg:$0x12] =	wrdreg s16  }
0x17: {  	s18 =	sadd.s32 $0x60, s5;
	[dreg:$0x13] =	wrdreg s17  }
0x18: {  	s19 =	sadd.s32 $0x70, s5;
	[dreg:$0x14] =	wrdreg s18  }
0x19: {  	s20 =	sadd.s32 $0x80, s5;
	[dreg:$0x15] =	wrdreg s19  }
0x1a: {  	s21 =	sadd.s32 $0x90, s5;
	[dreg:$0x16] =	wrdreg s20  }
0x1b: {  	p0 =	sgt.u32 s11, $0x1;
	s22 =	sadd.s32 $0xA0, s5;
	[dreg:$0x17] =	wrdreg s21  }
0x1c: {  	s23 =	sadd.s32 $0xB0, s5;
	s24 =	sadd.s32 $0xC0, s5;
	[dreg:$0x18] =	wrdreg s22  }
0x1d: {  	s25 =	sadd.s32 $0xD0, s5;
	s26 =	sadd.s32 $0x10, s8;
	[dreg:$0x19] =	wrdreg s23  }
0x1e: {  	s28 =	sadd.s32 $0x20, s8;
	s29 =	sadd.s32 $0x30, s8;
	[dreg:$0x1a] =	wrdreg s24  }
0x1f: {  	s30 =	sadd.s32 $0x40, s8;
	s31 =	sadd.s32 $0x50, s8;
	[dreg:$0x1b] =	wrdreg s25  }
0x20: {  	s9 =	sadd.s32 $0x60, s8;
	s10 =	sadd.s32 $0x70, s8;
	[dreg:$0x1c] =	wrdreg s26  }
.Ltmp0:
0x21: {  	s11 =	sadd.s32 $0x80, s8;
	[dreg:$0x1d] =	wrdreg s28;
	(pc) =	sbr.rel .LBB2_1-.Ltmp0, $4  }
0x22: {  	s3 =	sadd.s32 $0x90, s8;
	s4 =	sadd.s32 $0xA0, s8;
	[dreg:$0x1e] =	wrdreg s29  }
0x23: {  	s6 =	sadd.s32 $0xB0, s8;
	s7 =	sadd.s32 $0xC0, s8;
	[dreg:$0x1f] =	wrdreg s30  }
0x24: {  	s12 =	sadd.s32 $0xD0, s8;
	[smem:$0x7FD] =	sst s31;
	s13 =	simm.s32 $0x1  }
0x25: {  	v0 =	vimm.f32 $0.0e+00;
	s14 =	simm.s32 $0x2;
	s15 =	simm.s32 $0x3;
	s16 =	simm.s32 $0x0  }
.LBB2_9:
0x26: {  	s0 =	rddreg [dreg:$0xc];
	s1 =	simm.s32 $0xEE00  }
0x27: {  	[hbm4b:s0+s2] =	stream.linear.scatter [tilespmem:s1], [sflag:$0x3], $0x80, $0x38;
	[tilespmem:$0xEF00] =	vst v63  }
0x28: {  	_ =	swait.ge [sflag:s15], $0x80  }
0x29: {  	[sflag:s15] =	ssyncset.done $0x0  }
0x2a: {  	s30 =	simm.s32 $0xEE80;
	s29 =	rddreg [dreg:$0xd];
	[sflag:s15] =	ssyncadd.s32 $0xFFFFFF80  }
0x2b: {  	[hbm4b:s29+s2] =	stream.linear.scatter [tilespmem:s30], [sflag:$0x3], $0x80, $0x38;
	[tilespmem:$0xEF00] =	vst v63  }
0x2c: {  	_ =	swait.ge [sflag:s15], $0x80  }
0x2d: {  	s16 =	sadd.s32 $0x1, s16;
	s31 =	rddreg [dreg:$0xe]  }
0x2e: {  	p1 =	sne.s32 s16, s31  }
.Ltmp1:
0x2f: {  	_ = 	snop;
	(pc) =	sbr.rel @!p1 .LBB2_10-.Ltmp1, $3  }
0x30: {  	_ =	sdelay $0x1  }
0x31: {  	[sflag:s15] =	ssyncset.done $0x0  }
0x32: {  	[sflag:s15] =	ssyncadd.s32 $0xFFFFFF80  }
.LBB2_1:
0x33: {  	s0 =	rddreg [dreg:$0x5]  }
0x34: {  	[tilespmem:s2], [sflag:$0x1] =	stream.linear.gather [hbm4b:s0+s2], $0x3800, $0x38;
	[tilespmem:$0xEF00] =	vst v63  }
0x35: {  	s23 =	rddreg [dreg:$0x6];
	s1 =	simm.s32 $0x7000  }
0x36: {  	[tilespmem:s1], [sflag:$0x1] =	stream.linear.gather [hbm4b:s23+s2], $0x3800, $0x38;
	[tilespmem:$0xEF00] =	vst v63  }
0x37: {  	s24 =	simm.s32 $0xE000  }
0x38: {  	[tilespmem:s24], [sflag:$0x1] =	stream.linear.gather [hbm4b:s5+s2], $0x80, $0x38;
	[tilespmem:$0xEF00] =	vst v63  }
0x39: {  	s25 =	rddreg [dreg:$0xf];
	s26 =	simm.s32 $0xE100  }
0x3a: {  	[tilespmem:s26], [sflag:$0x1] =	stream.linear.gather [hbm4b:s25+s2], $0x80, $0x38;
	[tilespmem:$0xEF00] =	vst v63  }
0x3b: {  	s28 =	rddreg [dreg:$0x10];
	s29 =	simm.s32 $0xE200  }
0x3c: {  	[tilespmem:s29], [sflag:$0x1] =	stream.linear.gather [hbm4b:s28+s2], $0x80, $0x38;
	[tilespmem:$0xEF00] =	vst v63  }
0x3d: {  	s30 =	rddreg [dreg:$0x11];
	s31 =	simm.s32 $0xE300  }
0x3e: {  	[tilespmem:s31], [sflag:$0x1] =	stream.linear.gather [hbm4b:s30+s2], $0x80, $0x38;
	[tilespmem:$0xEF00] =	vst v63  }
0x3f: {  	s17 =	rddreg [dreg:$0x12];
	s18 =	simm.s32 $0xE400  }
0x40: {  	[tilespmem:s18], [sflag:$0x1] =	stream.linear.gather [hbm4b:s17+s2], $0x80, $0x38;
	[tilespmem:$0xEF00] =	vst v63  }
0x41: {  	s19 =	rddreg [dreg:$0x13];
	s20 =	simm.s32 $0xE500  }
0x42: {  	[tilespmem:s20], [sflag:$0x1] =	stream.linear.gather [hbm4b:s19+s2], $0x80, $0x38;
	[tilespmem:$0xEF00] =	vst v63  }
0x43: {  	s21 =	rddreg [dreg:$0x14];
	s22 =	simm.s32 $0xE600  }
0x44: {  	[tilespmem:s22], [sflag:$0x1] =	stream.linear.gather [hbm4b:s21+s2], $0x80, $0x38;
	[tilespmem:$0xEF00] =	vst v63  }
0x45: {  	s23 =	rddreg [dreg:$0x15];
	s24 =	simm.s32 $0xE700  }
0x46: {  	[tilespmem:s24], [sflag:$0x1] =	stream.linear.gather [hbm4b:s23+s2], $0x80, $0x38;
	[tilespmem:$0xEF00] =	vst v63  }
0x47: {  	s25 =	rddreg [dreg:$0x16];
	s26 =	simm.s32 $0xE800  }
0x48: {  	[tilespmem:s26], [sflag:$0x1] =	stream.linear.gather [hbm4b:s25+s2], $0x80, $0x38;
	[tilespmem:$0xEF00] =	vst v63  }
0x49: {  	s28 =	rddreg [dreg:$0x17];
	s29 =	simm.s32 $0xE900  }
0x4a: {  	[tilespmem:s29], [sflag:$0x1] =	stream.linear.gather [hbm4b:s28+s2], $0x80, $0x38;
	[tilespmem:$0xEF00] =	vst v63  }
0x4b: {  	s30 =	rddreg [dreg:$0x18];
	s31 =	simm.s32 $0xEA00  }
0x4c: {  	[tilespmem:s31], [sflag:$0x1] =	stream.linear.gather [hbm4b:s30+s2], $0x80, $0x38;
	[tilespmem:$0xEF00] =	vst v63  }
0x4d: {  	s1 =	rddreg [dreg:$0x19];
	s17 =	simm.s32 $0xEB00  }
0x4e: {  	[tilespmem:s17], [sflag:$0x1] =	stream.linear.gather [hbm4b:s1+s2], $0x80, $0x38;
	[tilespmem:$0xEF00] =	vst v63  }
0x4f: {  	s18 =	rddreg [dreg:$0x1a];
	s19 =	simm.s32 $0xEC00  }
0x50: {  	[tilespmem:s19], [sflag:$0x1] =	stream.linear.gather [hbm4b:s18+s2], $0x80, $0x38;
	[tilespmem:$0xEF00] =	vst v63  }
0x51: {  	s20 =	rddreg [dreg:$0x1b];
	s21 =	simm.s32 $0xED00  }
0x52: {  	[tilespmem:s21], [sflag:$0x1] =	stream.linear.gather [hbm4b:s20+s2], $0x80, $0x38;
	[tilespmem:$0xEF00] =	vst v63  }
0x53: {  	s22 =	rddreg [dreg:$0x7];
	s23 =	simm.s32 $0x3800  }
0x54: {  	[tilespmem:s23], [sflag:$0x2] =	stream.linear.gather [hbm4b:s22+s2], $0x3800, $0x38;
	[tilespmem:$0xEF00] =	vst v63  }
0x55: {  	s24 =	rddreg [dreg:$0x8];
	s25 =	simm.s32 $0xA800  }
0x56: {  	[tilespmem:s25], [sflag:$0x2] =	stream.linear.gather [hbm4b:s24+s2], $0x3800, $0x38;
	[tilespmem:$0xEF00] =	vst v63  }
0x57: {  	s26 =	simm.s32 $0xE080;
	s28 =	rddreg [dreg:$0x1c]  }
0x58: {  	[tilespmem:s26], [sflag:$0x2] =	stream.linear.gather [hbm4b:s8+s2], $0x80, $0x38;
	[tilespmem:$0xEF00] =	vst v63  }
0x59: {  	s29 =	simm.s32 $0xE180;
	s30 =	rddreg [dreg:$0x1d]  }
0x5a: {  	[tilespmem:s29], [sflag:$0x2] =	stream.linear.gather [hbm4b:s28+s2], $0x80, $0x38;
	[tilespmem:$0xEF00] =	vst v63  }
0x5b: {  	s31 =	simm.s32 $0xE280;
	s1 =	rddreg [dreg:$0x1e]  }
0x5c: {  	[tilespmem:s31], [sflag:$0x2] =	stream.linear.gather [hbm4b:s30+s2], $0x80, $0x38;
	[tilespmem:$0xEF00] =	vst v63  }
0x5d: {  	s17 =	simm.s32 $0xE380;
	s18 =	rddreg [dreg:$0x1f]  }
0x5e: {  	[tilespmem:s17], [sflag:$0x2] =	stream.linear.gather [hbm4b:s1+s2], $0x80, $0x38;
	[tilespmem:$0xEF00] =	vst v63  }
0x5f: {  	s19 =	simm.s32 $0xE480;
	s20 =	sld [smem:$0x7FD]  }
0x60: {  	[tilespmem:s19], [sflag:$0x2] =	stream.linear.gather [hbm4b:s18+s2], $0x80, $0x38;
	[tilespmem:$0xEF00] =	vst v63  }
0x61: {  	s21 =	simm.s32 $0xE580  }
0x62: {  	[tilespmem:s21], [sflag:$0x2] =	stream.linear.gather [hbm4b:s20+s2], $0x80, $0x38;
	[tilespmem:$0xEF00] =	vst v63  }
0x63: {  	s22 =	simm.s32 $0xE680  }
0x64: {  	[tilespmem:s22], [sflag:$0x2] =	stream.linear.gather [hbm4b:s9+s2], $0x80, $0x38;
	[tilespmem:$0xEF00] =	vst v63  }
0x65: {  	s23 =	simm.s32 $0xE780  }
0x66: {  	[tilespmem:s23], [sflag:$0x2] =	stream.linear.gather [hbm4b:s10+s2], $0x80, $0x38;
	[tilespmem:$0xEF00] =	vst v63  }
0x67: {  	s24 =	simm.s32 $0xE880  }
0x68: {  	[tilespmem:s24], [sflag:$0x2] =	stream.linear.gather [hbm4b:s11+s2], $0x80, $0x38;
	[tilespmem:$0xEF00] =	vst v63  }
0x69: {  	s25 =	simm.s32 $0xE980  }
0x6a: {  	[tilespmem:s25], [sflag:$0x2] =	stream.linear.gather [hbm4b:s3+s2], $0x80, $0x38;
	[tilespmem:$0xEF00] =	vst v63  }
0x6b: {  	s26 =	simm.s32 $0xEA80  }
0x6c: {  	[tilespmem:s26], [sflag:$0x2] =	stream.linear.gather [hbm4b:s4+s2], $0x80, $0x38;
	[tilespmem:$0xEF00] =	vst v63  }
0x6d: {  	s28 =	simm.s32 $0xEB80  }
0x6e: {  	[tilespmem:s28], [sflag:$0x2] =	stream.linear.gather [hbm4b:s6+s2], $0x80, $0x38;
	[tilespmem:$0xEF00] =	vst v63  }
0x6f: {  	s29 =	simm.s32 $0xEC80  }
0x70: {  	[tilespmem:s29], [sflag:$0x2] =	stream.linear.gather [hbm4b:s7+s2], $0x80, $0x38;
	[tilespmem:$0xEF00] =	vst v63  }
0x71: {  	s30 =	simm.s32 $0xED80  }
0x72: {  	[tilespmem:s30], [sflag:$0x2] =	stream.linear.gather [hbm4b:s12+s2], $0x80, $0x38;
	[tilespmem:$0xEF00] =	vst v63  }
0x73: {  	_ =	swait.ge [sflag:s13], $0x3800  }
0x74: {  	[sflag:s13] =	ssyncset.done $0x0  }
0x75: {  	[sflag:s13] =	ssyncadd.s32 $0xFFFFC800  }
0x76: {  	_ =	swait.ge [sflag:s13], $0x3800  }
0x77: {  	[sflag:s13] =	ssyncset.done $0x0  }
0x78: {  	[sflag:s13] =	ssyncadd.s32 $0xFFFFC800  }
0x79: {  	_ =	swait.ge [sflag:s13], $0x700  }
0x7a: {  	s17 =	sand.u32 $0x40, s2;
	s18 =	sand.u32 $0x3C00, s2;
	[sflag:s13] =	ssyncset.done $0x0  }
0x7b: {  	s20 =	sor.u32 s17, s18;
	[sflag:s13] =	ssyncadd.s32 $0xFFFFF900  }
0x7c: {  	v1 =	vld [tilespmem:s20+$0x200]  }
0x7d: {  	v2 =	vld [tilespmem:s20+$0x7200]  }
0x7e: {  	v3 =	vld [tilespmem:s20+$0x180]  }
0x7f: {  	v4 =	vld [tilespmem:s20+$0x7180]  }
0x80: {  	v5 =	vld [tilespmem:s20+$0x100]  }
0x81: {  	v6 =	vld [tilespmem:s20+$0x7100]  }
0x82: {  	v7 =	vld [tilespmem:s20+$0x0]  }
0x83: {  	v8 =	vld [tilespmem:s20+$0x7000]  }
0x84: {  	s19 =	sor.u32 $0x30, s17;
	v9 =	vld [tilespmem:s20+$0x80]  }
0x85: {  	s22 =	sor.u32 s18, s19;
	v10 =	vld [tilespmem:s20+$0x7080]  }
0x86: {  	v11 =	vld [tilespmem:s22+$0x200]  }
0x87: {  	v12 =	vld [tilespmem:s22+$0x7200]  }
0x88: {  	v15 =	vld [tilespmem:s22+$0x180]  }
0x89: {  	v16 =	vld [tilespmem:s22+$0x7180]  }
0x8a: {  	v17 =	vld [tilespmem:s22+$0x100]  }
0x8b: {  	v18 =	vld [tilespmem:s22+$0x7100]  }
0x8c: {  	v19 =	vld [tilespmem:s22+$0x0]  }
0x8d: {  	v20 =	vld [tilespmem:s22+$0x7000]  }
0x8e: {  	s21 =	sor.u32 $0x10, s17;
	v21 =	vld [tilespmem:s22+$0x80]  }
0x8f: {  	s31 =	sor.u32 s18, s21;
	v22 =	vld [tilespmem:s22+$0x7080]  }
0x90: {  	v23 =	vld [tilespmem:s31+$0x200]  }
0x91: {  	v24 =	vld [tilespmem:s31+$0x7200]  }
0x92: {  	v27 =	vld [tilespmem:s31+$0x180]  }
0x93: {  	v28 =	vld [tilespmem:s31+$0x7180]  }
0x94: {  	s20 =	sor.u32 $0x20, s17;
	v31 =	vld [tilespmem:s31+$0x100]  }
0x95: {  	v32 =	vld [tilespmem:s31+$0x7100];
	s23 =	sor.u32 s18, s20  }
0x96: {  	v13 =	vld [tilespmem:s23+$0x200]  }
0x97: {  	v14 =	vld [tilespmem:s23+$0x7200]  }
0x98: {  	v25 =	vld [tilespmem:s23+$0x180]  }
0x99: {  	v26 =	vld [tilespmem:s23+$0x7180]  }
0x9a: {  	v29 =	vld [tilespmem:s23+$0x100];
	v3 =	vsub.f32 v3, v4  }
0x9b: {  	v30 =	vld [tilespmem:s23+$0x7100];
	v1 =	vsub.f32 v1, v2;
	v4 =	vsub.f32 v7, v8  }
0x9c: {  	v33 =	vld [tilespmem:s23+$0x0];
	v5 =	vsub.f32 v5, v6;
	v7 =	vsub.f32 v9, v10  }
0x9d: {  	v34 =	vld [tilespmem:s23+$0x7000];
	v9 =	vsub.f32 v11, v12;
	v12 =	vsub.f32 v15, v16  }
0x9e: {  	v16 =	vsub.f32 v27, v28;
	v17 =	vsub.f32 v17, v18  }
0x9f: {  	v19 =	vsub.f32 v19, v20;
	v20 =	vsub.f32 v31, v32  }
0xa0: {  	v22 =	vsub.f32 v21, v22;
	v10 =	vsub.f32 v13, v14  }
0xa1: {  	v13 =	vsub.f32 v23, v24;
	v15 =	vsub.f32 v25, v26  }
0xa2: {  	v18 =	vsub.f32 v29, v30;
	v23 =	vsub.f32 v33, v34  }
0xa3: {  	v1 =	vand.u32 $0x7FFFFFFF, v1;
	v4 =	vand.u32 $0x7FFFFFFF, v4;
	v5 =	vand.u32 $0x7FFFFFFF, v5  }
0xa4: {  	v7 =	vand.u32 $0x7FFFFFFF, v7;
	v28 =	vand.u32 $0x7FFFFFFF, v9;
	v44 =	vand.u32 $0x7FFFFFFF, v12  }
0xa5: {  	v45 =	vand.u32 $0x7FFFFFFF, v16;
	v46 =	vand.u32 $0x7FFFFFFF, v17;
	v21 =	vand.u32 $0x7FFFFFFF, v19  }
0xa6: {  	v19 =	vand.u32 $0x7FFFFFFF, v22;
	v33 =	vmin.f32 v1, $1.000000000e+00;
	v42 =	vmin.f32 v5, $1.000000000e+00  }
0xa7: {  	v35 =	vld [tilespmem:s23+$0x80];
	v41 =	vmin.f32 v4, $1.000000000e+00;
	v40 =	vmin.f32 v7, $1.000000000e+00;
	v39 =	vmin.f32 v28, $1.000000000e+00  }
0xa8: {  	v2 =	vld [tilespmem:s23+$0x7080];
	v27 =	vmin.f32 v46, $1.000000000e+00;
	v32 =	vmin.f32 v45, $1.000000000e+00;
	v12 =	vmin.f32 v21, $1.000000000e+00  }
0xa9: {  	v6 =	vld [tilespmem:s31+$0x0];
	v24 =	vand.u32 $0x7FFFFFFF, v10;
	v31 =	vand.u32 $0x7FFFFFFF, v13;
	v43 =	vand.u32 $0x7FFFFFFF, v15  }
0xaa: {  	v8 =	vld [tilespmem:s31+$0x7000];
	v37 =	vand.u32 $0x7FFFFFFF, v18;
	v18 =	vand.u32 $0x7FFFFFFF, v20;
	v26 =	vsub.f32 v1, v33  }
0xab: {  	v47 =	vmul.f32 $5.000000000e-01, v33;
	v30 =	vsub.f32 v5, v42;
	v56 =	vmul.f32 $5.000000000e-01, v42  }
0xac: {  	v5 =	vmin.f32 v19, $1.000000000e+00;
	v52 =	vmul.f32 $5.000000000e-01, v41;
	v54 =	vmul.f32 $5.000000000e-01, v40  }
0xad: {  	v29 =	vsub.f32 v4, v41;
	v55 =	vmul.f32 $5.000000000e-01, v39;
	v49 =	vmul.f32 $5.000000000e-01, v27  }
0xae: {  	v11 =	vld [tilespmem:s31+$0x80];
	v22 =	vsub.f32 v46, v27;
	v50 =	vmul.f32 $5.000000000e-01, v32;
	v1 =	vimm.f32 $0.0e+00  }
0xaf: {  	v14 =	vld [tilespmem:s31+$0x7080];
	v2 =	vsub.f32 v35, v2;
	v6 =	vsub.f32 v6, v8;
	v38 =	vmin.f32 v24, $1.000000000e+00  }
0xb0: {  	v36 =	vmin.f32 v31, $1.000000000e+00;
	v34 =	vmin.f32 v43, $1.000000000e+00;
	v17 =	vmin.f32 v37, $1.000000000e+00  }
0xb1: {  	v15 =	vmin.f32 v18, $1.000000000e+00;
	v25 =	vsub.f32 v24, v38;
	v24 =	vsub.f32 v28, v39  }
0xb2: {  	v20 =	vsub.f32 v31, v36;
	v51 =	vmul.f32 $5.000000000e-01, v36;
	v57 =	vmul.f32 $5.000000000e-01, v38  }
0xb3: {  	v28 =	vsub.f32 v43, v34;
	v53 =	vmul.f32 $5.000000000e-01, v34;
	v31 =	vsub.f32 v45, v32  }
0xb4: {  	v46 =	vmul.f32 $5.000000000e-01, v17;
	v8 =	vsub.f32 v11, v14;
	v11 =	vand.u32 $0x7FFFFFFF, v3  }
0xb5: {  	v14 =	vand.u32 $0x7FFFFFFF, v23;
	v9 =	vand.u32 $0x7FFFFFFF, v6;
	v13 =	vand.u32 $0x7FFFFFFF, v2  }
0xb6: {  	v3 =	vmin.f32 v44, $1.000000000e+00;
	v23 =	vsub.f32 v7, v40;
	v2 =	vimm.f32 $0.0e+00  }
0xb7: {  	v35 =	vmin.f32 v11, $1.000000000e+00;
	v6 =	vmin.f32 v13, $1.000000000e+00;
	v4 =	vsub.f32 v44, v3  }
0xb8: {  	v10 =	vand.u32 $0x7FFFFFFF, v8;
	v16 =	vsub.f32 v11, v35;
	v48 =	vmul.f32 $5.000000000e-01, v35  }
0xb9: {  	s22 =	simm.s32 $0x40;
	s23 =	simm.s32 $0x200;
	v8 =	vmin.f32 v14, $1.000000000e+00;
	v11 =	vmin.f32 v9, $1.000000000e+00;
	v7 =	vmin.f32 v10, $1.000000000e+00  }
.LBB2_2:
0xba: {  	s24 =	sand.u32 $0x40, s22;
	s25 =	sand.u32 $0x3C00, s23;
	p1 =	sne.s32 s23, $0x3600;
	v37 =	vsub.f32 v37, v17;
	v43 =	vmul.f32 $5.000000000e-01, v12;
	v44 =	vmul.f32 $5.000000000e-01, v5  }
0xbb: {  	v45 =	vmul.f32 $5.000000000e-01, v15;
	v58 =	vmul.f32 $5.000000000e-01, v8;
	v59 =	vsub.f32 v21, v12;
	s26 =	sor.u32 s24, s25  }
0xbc: {  	v60 =	vmul.f32 $5.000000000e-01, v11;
	v61 =	vmul.f32 $5.000000000e-01, v6;
	v62 =	vsub.f32 v19, v5;
	v21 =	vld [tilespmem:s26+$0x200]  }
0xbd: {  	v33 =	vmul.f32 v47, v33;
	v47 =	vmul.f32 $5.000000000e-01, v7;
	v63 =	vsub.f32 v18, v15;
	v19 =	vld [tilespmem:s26+$0x7200]  }
0xbe: {  	v42 =	vmul.f32 v56, v42;
	v35 =	vmul.f32 v48, v35;
	v48 =	vsub.f32 v14, v8;
	v18 =	vld [tilespmem:s26+$0x180]  }
0xbf: {  	v41 =	vmul.f32 v52, v41;
	v40 =	vmul.f32 v54, v40;
	v52 =	vsub.f32 v13, v6;
	v14 =	vld [tilespmem:s26+$0x7180]  }
0xc0: {  	v54 =	vsub.f32 v9, v11;
	v38 =	vmul.f32 v57, v38;
	v39 =	vmul.f32 v55, v39;
	v13 =	vld [tilespmem:s26+$0x100]  }
0xc1: {  	v55 =	vsub.f32 v10, v7;
	v36 =	vmul.f32 v51, v36;
	v34 =	vmul.f32 v53, v34;
	v9 =	vld [tilespmem:s26+$0x7100]  }
0xc2: {  	v27 =	vmul.f32 v49, v27;
	v32 =	vmul.f32 v50, v32;
	v33 =	vadd.f32 v33, v26;
	v10 =	vld [tilespmem:s26+$0x0]  }
0xc3: {  	s28 =	sshrl.u32 s18, $0x2;
	v17 =	vmul.f32 v46, v17;
	s18 =	smov.u32 s25;
	v30 =	vadd.f32 v42, v30;
	v35 =	vadd.f32 v35, v16;
	v26 =	vld [tilespmem:s26+$0x7000]  }
0xc4: {  	s25 =	sor.u32 $0xE000, s28;
	v29 =	vadd.f32 v41, v29;
	v23 =	vadd.f32 v40, v23;
	v40 =	vmul.f32 v43, v12;
	v16 =	vld [tilespmem:s26+$0x80]  }
0xc5: {  	v15 =	vmul.f32 v45, v15;
	v25 =	vadd.f32 v38, v25;
	s19 =	sor.u32 s19, s25;
	v24 =	vadd.f32 v39, v24;
	v12 =	vld [tilespmem:s26+$0x7080]  }
0xc6: {  	v20 =	vadd.f32 v36, v20;
	s20 =	sor.u32 s20, s25;
	v8 =	vmul.f32 v58, v8;
	v28 =	vadd.f32 v34, v28;
	v34 =	vld [tilespmem:s19+$0x0]  }
0xc7: {  	s21 =	sor.u32 s21, s25;
	v11 =	vmul.f32 v60, v11;
	v22 =	vadd.f32 v27, v22;
	v31 =	vadd.f32 v32, v31;
	v32 =	vld [tilespmem:s20+$0x0]  }
0xc8: {  	v7 =	vmul.f32 v47, v7;
	v17 =	vadd.f32 v17, v37;
	v36 =	vadd.f32 v40, v59;
	s19 =	sor.u32 $0x30, s24;
	s20 =	sor.u32 s17, s25;
	s17 =	smov.u32 s24;
	v27 =	vld [tilespmem:s21+$0x0]  }
0xc9: {  	v6 =	vmul.f32 v61, v6;
	v11 =	vadd.f32 v11, v54;
	v15 =	vadd.f32 v15, v63;
	s25 =	sor.u32 s18, s19;
	v37 =	vld [tilespmem:s20+$0x0]  }
0xca: {  	v23 =	vadd.f32 v23, v29;
	v7 =	vadd.f32 v7, v55;
	s20 =	sor.u32 $0x20, s17;
	v38 =	vld [tilespmem:s25+$0x200]  }
0xcb: {  	v5 =	vmul.f32 v44, v5;
	v8 =	vadd.f32 v8, v48;
	v6 =	vadd.f32 v6, v52;
	s24 =	sor.u32 s18, s20;
	v29 =	vld [tilespmem:s25+$0x7200]  }
0xcc: {  	v23 =	vadd.f32 v30, v23;
	v7 =	vadd.f32 v7, v11;
	v39 =	vld [tilespmem:s24+$0x200]  }
0xcd: {  	v5 =	vadd.f32 v5, v62;
	v6 =	vadd.f32 v6, v8;
	v8 =	vmul.f32 $5.000000000e-01, v3;
	v11 =	vld [tilespmem:s24+$0x7200]  }
0xce: {  	v23 =	vadd.f32 v35, v23;
	v7 =	vadd.f32 v15, v7;
	s21 =	sor.u32 $0x10, s17;
	vm0 =	veq.s32 v27, $0x1;
	v30 =	vld [tilespmem:s25+$0x180]  }
0xcf: {  	v5 =	vadd.f32 v5, v36;
	v6 =	vadd.f32 v17, v6;
	v3 =	vmul.f32 v8, v3;
	s26 =	sor.u32 s18, s21;
	v15 =	vld [tilespmem:s25+$0x7180]  }
0xd0: {  	v17 =	vadd.f32 v33, v23;
	v7 =	vadd.f32 v31, v7;
	vm1 =	veq.s32 v37, $0x1;
	v8 =	vld [tilespmem:s26+$0x200]  }
0xd1: {  	v5 =	vadd.f32 v22, v5;
	v3 =	vadd.f32 v3, v4;
	v27 =	vsel vm1, $0x3F800000, v0;
	v23 =	vld [tilespmem:s26+$0x7200]  }
0xd2: {  	v6 =	vadd.f32 v28, v6;
	v7 =	vadd.f32 v20, v7;
	v17 =	vnsel vm1, $0x0, v17;
	v4 =	vld [tilespmem:s24+$0x180]  }
0xd3: {  	v1 =	vadd.f32 v17, v1;
	v2 =	vadd.f32 v27, v2;
	v17 =	vsel vm0, $0x3F800000, v0;
	v20 =	vld [tilespmem:s24+$0x7180]  }
0xd4: {  	v6 =	vadd.f32 v25, v6;
	v3 =	vadd.f32 v3, v5;
	v7 =	vnsel vm0, $0x0, v7;
	v22 =	vld [tilespmem:s25+$0x100]  }
0xd5: {  	vm0 =	veq.s32 v32, $0x1;
	v1 =	vadd.f32 v7, v1;
	v2 =	vadd.f32 v17, v2;
	v5 =	vld [tilespmem:s25+$0x7100]  }
0xd6: {  	v3 =	vadd.f32 v24, v3;
	v6 =	vnsel vm0, $0x0, v6;
	v17 =	vsel vm0, $0x3F800000, v0;
	v7 =	vld [tilespmem:s26+$0x180]  }
0xd7: {  	vm0 =	veq.s32 v34, $0x1;
	v1 =	vadd.f32 v6, v1;
	v2 =	vadd.f32 v17, v2;
	v24 =	vld [tilespmem:s26+$0x7180]  }
0xd8: {  	v3 =	vnsel vm0, $0x0, v3;
	v17 =	vsel vm0, $0x3F800000, v0;
	v6 =	vld [tilespmem:s24+$0x100]  }
0xd9: {  	v1 =	vadd.f32 v3, v1;
	v2 =	vadd.f32 v17, v2;
	v25 =	vld [tilespmem:s24+$0x7100]  }
0xda: {  	v3 =	vld [tilespmem:s25+$0x0]  }
0xdb: {  	v17 =	vld [tilespmem:s25+$0x7000]  }
0xdc: {  	v27 =	vld [tilespmem:s25+$0x80]  }
0xdd: {  	v28 =	vld [tilespmem:s25+$0x7080]  }
0xde: {  	v31 =	vld [tilespmem:s26+$0x100]  }
0xdf: {  	v32 =	vld [tilespmem:s26+$0x7100]  }
0xe0: {  	v33 =	vld [tilespmem:s24+$0x0]  }
0xe1: {  	v34 =	vld [tilespmem:s24+$0x7000]  }
0xe2: {  	v35 =	vld [tilespmem:s24+$0x80]  }
0xe3: {  	v14 =	vsub.f32 v18, v14;
	v18 =	vsub.f32 v21, v19;
	v19 =	vld [tilespmem:s24+$0x7080]  }
0xe4: {  	v9 =	vsub.f32 v13, v9;
	v10 =	vsub.f32 v10, v26;
	v13 =	vld [tilespmem:s26+$0x0]  }
0xe5: {  	v12 =	vsub.f32 v16, v12;
	v21 =	vsub.f32 v38, v29;
	v16 =	vld [tilespmem:s26+$0x7000]  }
0xe6: {  	v11 =	vsub.f32 v39, v11;
	v15 =	vsub.f32 v30, v15;
	v26 =	vld [tilespmem:s26+$0x80]  }
0xe7: {  	v8 =	vsub.f32 v8, v23;
	v4 =	vsub.f32 v4, v20;
	v29 =	vld [tilespmem:s26+$0x7080]  }
0xe8: {  	v5 =	vsub.f32 v22, v5;
	v7 =	vsub.f32 v7, v24  }
0xe9: {  	v6 =	vsub.f32 v6, v25;
	v3 =	vsub.f32 v3, v17  }
0xea: {  	v20 =	vsub.f32 v27, v28;
	v17 =	vsub.f32 v31, v32  }
0xeb: {  	v22 =	vsub.f32 v33, v34;
	v23 =	vsub.f32 v35, v19  }
0xec: {  	v24 =	vand.u32 $0x7FFFFFFF, v18;
	v13 =	vsub.f32 v13, v16;
	v16 =	vsub.f32 v26, v29  }
0xed: {  	v25 =	vand.u32 $0x7FFFFFFF, v10;
	v28 =	vand.u32 $0x7FFFFFFF, v9;
	v27 =	vand.u32 $0x7FFFFFFF, v14  }
0xee: {  	v44 =	vand.u32 $0x7FFFFFFF, v21;
	v43 =	vand.u32 $0x7FFFFFFF, v11;
	v31 =	vand.u32 $0x7FFFFFFF, v12  }
0xef: {  	v45 =	vand.u32 $0x7FFFFFFF, v8;
	v46 =	vand.u32 $0x7FFFFFFF, v4;
	v4 =	vand.u32 $0x7FFFFFFF, v15  }
0xf0: {  	v50 =	vand.u32 $0x7FFFFFFF, v5;
	v58 =	vand.u32 $0x7FFFFFFF, v7;
	v33 =	vmin.f32 v24, $1.000000000e+00  }
0xf1: {  	v37 =	vand.u32 $0x7FFFFFFF, v6;
	v21 =	vand.u32 $0x7FFFFFFF, v3;
	v19 =	vand.u32 $0x7FFFFFFF, v20  }
0xf2: {  	v18 =	vand.u32 $0x7FFFFFFF, v17;
	v35 =	vmin.f32 v27, $1.000000000e+00;
	v14 =	vand.u32 $0x7FFFFFFF, v22  }
0xf3: {  	v42 =	vmin.f32 v28, $1.000000000e+00;
	v9 =	vand.u32 $0x7FFFFFFF, v13;
	v13 =	vand.u32 $0x7FFFFFFF, v23  }
0xf4: {  	v41 =	vmin.f32 v25, $1.000000000e+00;
	v40 =	vmin.f32 v31, $1.000000000e+00;
	v10 =	vand.u32 $0x7FFFFFFF, v16  }
0xf5: {  	v39 =	vmin.f32 v44, $1.000000000e+00;
	v38 =	vmin.f32 v43, $1.000000000e+00;
	v3 =	vmin.f32 v4, $1.000000000e+00  }
0xf6: {  	v36 =	vmin.f32 v45, $1.000000000e+00;
	v34 =	vmin.f32 v46, $1.000000000e+00;
	v26 =	vsub.f32 v24, v33  }
0xf7: {  	v47 =	vmul.f32 $5.000000000e-01, v33;
	v16 =	vsub.f32 v27, v35;
	v27 =	vmin.f32 v50, $1.000000000e+00  }
0xf8: {  	v32 =	vmin.f32 v58, $1.000000000e+00;
	v12 =	vmin.f32 v21, $1.000000000e+00;
	v17 =	vmin.f32 v37, $1.000000000e+00  }
0xf9: {  	v30 =	vsub.f32 v28, v42;
	v48 =	vmul.f32 $5.000000000e-01, v35;
	v5 =	vmin.f32 v19, $1.000000000e+00  }
0xfa: {  	v15 =	vmin.f32 v18, $1.000000000e+00;
	v8 =	vmin.f32 v14, $1.000000000e+00;
	v6 =	vmin.f32 v13, $1.000000000e+00  }
0xfb: {  	v56 =	vmul.f32 $5.000000000e-01, v42;
	v29 =	vsub.f32 v25, v41;
	v23 =	vsub.f32 v31, v40  }
0xfc: {  	v52 =	vmul.f32 $5.000000000e-01, v41;
	v11 =	vmin.f32 v9, $1.000000000e+00;
	v7 =	vmin.f32 v10, $1.000000000e+00  }
.Ltmp2:
0xfd: {  	v54 =	vmul.f32 $5.000000000e-01, v40;
	v25 =	vsub.f32 v43, v38;
	v24 =	vsub.f32 v44, v39;
	(pc) =	sbr.rel @p1 .LBB2_2-.Ltmp2, $4  }
0xfe: {  	v55 =	vmul.f32 $5.000000000e-01, v39;
	v4 =	vsub.f32 v4, v3;
	v20 =	vsub.f32 v45, v36  }
0xff: {  	v57 =	vmul.f32 $5.000000000e-01, v38;
	v51 =	vmul.f32 $5.000000000e-01, v36;
	v28 =	vsub.f32 v46, v34  }
0x100: {  	v53 =	vmul.f32 $5.000000000e-01, v34;
	v49 =	vmul.f32 $5.000000000e-01, v27;
	v22 =	vsub.f32 v50, v27  }
0x101: {  	s22 =	sadd.s32 $0x40, s22;
	s23 =	sadd.s32 $0x200, s23;
	v46 =	vmul.f32 $5.000000000e-01, v17;
	v31 =	vsub.f32 v58, v32;
	v50 =	vmul.f32 $5.000000000e-01, v32  }
0x102: {  	s18 =	sshrl.u32 s18, $0x2  }
0x103: {  	s18 =	sor.u32 $0xE000, s18  }
0x104: {  	s19 =	sor.u32 s19, s18  }
0x105: {  	s20 =	sor.u32 s20, s18;
	v43 =	vld [tilespmem:s19+$0x0]  }
0x106: {  	s24 =	sor.u32 s21, s18;
	v44 =	vld [tilespmem:s20+$0x0]  }
0x107: {  	s17 =	sor.u32 s17, s18;
	v58 =	vld [tilespmem:s24+$0x0]  }
0x108: {  	v59 =	vld [tilespmem:s17+$0x0];
	_ =	swait.ge [sflag:s14], $0x3800  }
0x109: {  	[sflag:s14] =	ssyncset.done $0x0  }
0x10a: {  	[sflag:s14] =	ssyncadd.s32 $0xFFFFC800  }
0x10b: {  	_ =	swait.ge [sflag:s14], $0x3800  }
0x10c: {  	[sflag:s14] =	ssyncset.done $0x0  }
0x10d: {  	s20 =	simm.s32 $0x0;
	[sflag:s14] =	ssyncadd.s32 $0xFFFFC800  }
0x10e: {  	v47 =	vmul.f32 v47, v33;
	s18 =	sand.u32 $0x3C00, s20;
	_ =	swait.ge [sflag:s14], $0x700  }
0x10f: {  	v60 =	vmul.f32 $5.000000000e-01, v12;
	v56 =	vmul.f32 v56, v42;
	s17 =	sand.u32 $0x40, s20;
	s28 =	sadd.s32 $0x3A00, s18;
	[sflag:s14] =	ssyncset.done $0x0  }
0x110: {  	v48 =	vmul.f32 v48, v35;
	v52 =	vmul.f32 v52, v41;
	s25 =	sor.u32 s17, s28;
	[sflag:s14] =	ssyncadd.s32 $0xFFFFF900  }
0x111: {  	v61 =	vmul.f32 $5.000000000e-01, v5;
	v40 =	vmul.f32 v54, v40;
	s26 =	sadd.s32 $0x3980, s18;
	v45 =	vld [tilespmem:s25+$0x0]  }
0x112: {  	v54 =	vmul.f32 v57, v38;
	v39 =	vmul.f32 v55, v39;
	s29 =	sor.u32 s17, s26;
	v33 =	vld [tilespmem:s25+$0x7000]  }
0x113: {  	v37 =	vsub.f32 v37, v17;
	v51 =	vmul.f32 v51, v36;
	v34 =	vmul.f32 v53, v34;
	s23 =	sadd.s32 $0x3800, s18;
	v42 =	vld [tilespmem:s29+$0x0]  }
0x114: {  	v53 =	vmul.f32 $5.000000000e-01, v8;
	v21 =	vsub.f32 v21, v12;
	v19 =	vsub.f32 v19, v5;
	s31 =	sor.u32 s17, s23;
	v41 =	vld [tilespmem:s29+$0x7000]  }
0x115: {  	v18 =	vsub.f32 v18, v15;
	v29 =	vadd.f32 v52, v29;
	v52 =	vmul.f32 $5.000000000e-01, v6;
	s24 =	sadd.s32 $0x3880, s18;
	v36 =	vld [tilespmem:s31+$0x0]  }
0x116: {  	v14 =	vsub.f32 v14, v8;
	v32 =	vmul.f32 v50, v32;
	v26 =	vadd.f32 v47, v26;
	s0 =	sor.u32 s17, s24;
	v47 =	vld [tilespmem:s31+$0x7000]  }
0x117: {  	v13 =	vsub.f32 v13, v6;
	v8 =	vmul.f32 v53, v8;
	v6 =	vmul.f32 v52, v6;
	s19 =	sor.u32 $0x30, s17;
	v50 =	vld [tilespmem:s0+$0x0]  }
0x118: {  	v27 =	vmul.f32 v49, v27;
	v9 =	vsub.f32 v9, v11;
	v16 =	vadd.f32 v48, v16;
	s22 =	sor.u32 s19, s28;
	v49 =	vld [tilespmem:s0+$0x7000]  }
0x119: {  	v63 =	vmul.f32 $5.000000000e-01, v15;
	v8 =	vadd.f32 v8, v14;
	v6 =	vadd.f32 v6, v13;
	v48 =	vld [tilespmem:s22+$0x0]  }
0x11a: {  	v10 =	vsub.f32 v10, v7;
	v62 =	vmul.f32 $5.000000000e-01, v7;
	v17 =	vmul.f32 v46, v17;
	s1 =	sor.u32 s19, s26;
	v46 =	vld [tilespmem:s22+$0x7000]  }
0x11b: {  	v15 =	vmul.f32 v63, v15;
	s21 =	sor.u32 $0x20, s17;
	v6 =	vadd.f32 v6, v8;
	v8 =	vmul.f32 $5.000000000e-01, v3;
	v63 =	vld [tilespmem:s1+$0x0]  }
0x11c: {  	v30 =	vadd.f32 v56, v30;
	v56 =	vmul.f32 $5.000000000e-01, v11;
	v20 =	vadd.f32 v51, v20;
	s29 =	sor.u32 s21, s28;
	v51 =	vld [tilespmem:s1+$0x7000]  }
0x11d: {  	v23 =	vadd.f32 v40, v23;
	v25 =	vadd.f32 v54, v25;
	v3 =	vmul.f32 v8, v3;
	v40 =	vld [tilespmem:s29+$0x0]  }
0x11e: {  	v12 =	vmul.f32 v60, v12;
	v24 =	vadd.f32 v39, v24;
	v17 =	vadd.f32 v17, v37;
	s1 =	sor.u32 s19, s23;
	v60 =	vld [tilespmem:s29+$0x7000]  }
0x11f: {  	v7 =	vmul.f32 v62, v7;
	v11 =	vmul.f32 v56, v11;
	s25 =	sadd.s32 $0x3900, s18;
	v3 =	vadd.f32 v3, v4;
	v4 =	vld [tilespmem:s1+$0x0]  }
0x120: {  	v22 =	vadd.f32 v27, v22;
	v6 =	vadd.f32 v17, v6;
	s30 =	sor.u32 s17, s25;
	v17 =	vld [tilespmem:s1+$0x7000]  }
0x121: {  	v5 =	vmul.f32 v61, v5;
	v7 =	vadd.f32 v7, v10;
	v9 =	vadd.f32 v11, v9;
	s22 =	sor.u32 $0x10, s17;
	v35 =	vld [tilespmem:s30+$0x0]  }
0x122: {  	v11 =	vadd.f32 v15, v18;
	v18 =	vadd.f32 v23, v29;
	s28 =	sor.u32 s22, s28;
	v38 =	vld [tilespmem:s30+$0x7000]  }
0x123: {  	v12 =	vadd.f32 v12, v21;
	v5 =	vadd.f32 v5, v19;
	v27 =	vld [tilespmem:s28+$0x0]  }
0x124: {  	v14 =	vadd.f32 v30, v18;
	v7 =	vadd.f32 v7, v9;
	s31 =	sor.u32 s19, s25;
	v21 =	vld [tilespmem:s28+$0x7000]  }
0x125: {  	v31 =	vadd.f32 v32, v31;
	v5 =	vadd.f32 v5, v12;
	v13 =	vld [tilespmem:s31+$0x0]  }
0x126: {  	v14 =	vadd.f32 v16, v14;
	v7 =	vadd.f32 v11, v7;
	s0 =	sor.u32 s21, s25;
	v9 =	vld [tilespmem:s31+$0x7000]  }
0x127: {  	v28 =	vadd.f32 v34, v28;
	vm1 =	veq.s32 v59, $0x1;
	v5 =	vadd.f32 v22, v5;
	v8 =	vld [tilespmem:s0+$0x0]  }
0x128: {  	v16 =	vsel vm1, $0x3F800000, v0;
	v12 =	vadd.f32 v26, v14;
	v7 =	vadd.f32 v31, v7;
	s29 =	sor.u32 s21, s23;
	s23 =	sor.u32 s22, s23;
	v14 =	vld [tilespmem:s0+$0x7000]  }
0x129: {  	vm0 =	veq.s32 v58, $0x1;
	v2 =	vadd.f32 v16, v2;
	v6 =	vadd.f32 v28, v6;
	v26 =	vld [tilespmem:s23+$0x0]  }
0x12a: {  	s30 =	sor.u32 s21, s26;
	v12 =	vnsel vm1, $0x0, v12;
	v7 =	vadd.f32 v20, v7;
	v3 =	vadd.f32 v3, v5;
	v29 =	vld [tilespmem:s23+$0x7000]  }
0x12b: {  	v6 =	vadd.f32 v25, v6;
	v15 =	vld [tilespmem:s30+$0x0];
	v1 =	vadd.f32 v12, v1;
	v12 =	vsel vm0, $0x3F800000, v0  }
0x12c: {  	s26 =	sor.u32 s22, s26;
	v10 =	vld [tilespmem:s30+$0x7000];
	v7 =	vnsel vm0, $0x0, v7;
	v2 =	vadd.f32 v12, v2;
	v3 =	vadd.f32 v24, v3  }
0x12d: {  	v18 =	vld [tilespmem:s26+$0x0];
	v1 =	vadd.f32 v7, v1;
	v22 =	vsub.f32 v45, v33  }
0x12e: {  	vm14 =	veq.s32 v44, $0x1;
	s28 =	sor.u32 s19, s24;
	v11 =	vld [tilespmem:s26+$0x7000];
	v24 =	vsub.f32 v36, v47;
	v28 =	vsub.f32 v50, v49  }
0x12f: {  	v16 =	vld [tilespmem:s28+$0x0];
	v12 =	vsel vm14, $0x3F800000, v0;
	v30 =	vsub.f32 v48, v46;
	v54 =	vsub.f32 v63, v51  }
0x130: {  	s31 =	sor.u32 s22, s24;
	v5 =	vld [tilespmem:s28+$0x7000];
	v6 =	vnsel vm14, $0x0, v6;
	v2 =	vadd.f32 v12, v2;
	v53 =	vsub.f32 v40, v60  }
0x131: {  	vm15 =	veq.s32 v43, $0x1;
	v31 =	vld [tilespmem:s31+$0x0];
	v4 =	vsub.f32 v4, v17;
	v1 =	vadd.f32 v6, v1  }
0x132: {  	v55 =	vld [tilespmem:s31+$0x7000];
	v3 =	vnsel vm15, $0x0, v3;
	v25 =	vsub.f32 v35, v38;
	v21 =	vsub.f32 v27, v21  }
0x133: {  	v12 =	vsel vm15, $0x3F800000, v0;
	v13 =	vsub.f32 v13, v9;
	v8 =	vsub.f32 v8, v14  }
0x134: {  	v56 =	vand.u32 $0x7FFFFFFF, v24;
	v57 =	vand.u32 $0x7FFFFFFF, v28;
	v2 =	vadd.f32 v12, v2  }
0x135: {  	v59 =	vand.u32 $0x7FFFFFFF, v30;
	v12 =	vsub.f32 v42, v41;
	v10 =	vsub.f32 v15, v10  }
0x136: {  	s25 =	sor.u32 s22, s25;
	v62 =	vand.u32 $0x7FFFFFFF, v54;
	v11 =	vsub.f32 v18, v11;
	v5 =	vsub.f32 v16, v5  }
0x137: {  	v19 =	vld [tilespmem:s25+$0x7000];
	v16 =	vand.u32 $0x7FFFFFFF, v22;
	v15 =	vsub.f32 v26, v29;
	v17 =	vsub.f32 v31, v55  }
0x138: {  	v7 =	vld [tilespmem:s25+$0x0];
	v58 =	vand.u32 $0x7FFFFFFF, v53;
	v30 =	vmin.f32 v56, $1.000000000e+00;
	v31 =	vmin.f32 v57, $1.000000000e+00  }
0x139: {  	v27 =	vmin.f32 v59, $1.000000000e+00;
	v1 =	vadd.f32 v3, v1;
	v60 =	vand.u32 $0x7FFFFFFF, v21  }
0x13a: {  	v9 =	vmin.f32 v16, $1.000000000e+00;
	v63 =	vand.u32 $0x7FFFFFFF, v13;
	v41 =	vand.u32 $0x7FFFFFFF, v8  }
0x13b: {  	v24 =	vmin.f32 v58, $1.000000000e+00;
	v34 =	vsub.f32 v56, v30;
	v35 =	vsub.f32 v57, v31  }
0x13c: {  	v46 =	vmul.f32 $5.000000000e-01, v30;
	v48 =	vmul.f32 $5.000000000e-01, v31;
	v36 =	vsub.f32 v59, v27  }
0x13d: {  	v49 =	vmul.f32 $5.000000000e-01, v27;
	v14 =	vsub.f32 v7, v19;
	v19 =	vand.u32 $0x7FFFFFFF, v25  }
0x13e: {  	v20 =	vld [tilespmem:s29+$0x7000];
	v61 =	vand.u32 $0x7FFFFFFF, v10;
	v42 =	vand.u32 $0x7FFFFFFF, v11;
	v7 =	vand.u32 $0x7FFFFFFF, v4  }
0x13f: {  	v6 =	vld [tilespmem:s29+$0x0];
	v8 =	vand.u32 $0x7FFFFFFF, v5;
	v15 =	vand.u32 $0x7FFFFFFF, v15;
	v18 =	vand.u32 $0x7FFFFFFF, v17  }
0x140: {  	s30 =	sor.u32 s21, s24;
	v25 =	vmin.f32 v60, $1.000000000e+00;
	v43 =	vmul.f32 $5.000000000e-01, v9;
	v21 =	vmin.f32 v41, $1.000000000e+00  }
0x141: {  	v23 =	vld [tilespmem:s30+$0x7000];
	v38 =	vsub.f32 v58, v24;
	v52 =	vmul.f32 $5.000000000e-01, v24;
	v33 =	vmin.f32 v19, $1.000000000e+00  }
0x142: {  	v3 =	vld [tilespmem:s30+$0x0];
	v26 =	vmin.f32 v61, $1.000000000e+00;
	v29 =	vmin.f32 v42, $1.000000000e+00;
	v5 =	vmin.f32 v8, $1.000000000e+00  }
0x143: {  	v17 =	vmin.f32 v15, $1.000000000e+00;
	v10 =	vmin.f32 v18, $1.000000000e+00;
	v37 =	vsub.f32 v60, v25  }
0x144: {  	v47 =	vmul.f32 $5.000000000e-01, v25;
	v6 =	vsub.f32 v6, v20;
	v32 =	vand.u32 $0x7FFFFFFF, v14  }
0x145: {  	v20 =	vsub.f32 v16, v9;
	v14 =	vmin.f32 v7, $1.000000000e+00;
	v28 =	vsub.f32 v19, v33  }
0x146: {  	v50 =	vmul.f32 $5.000000000e-01, v33;
	v40 =	vsub.f32 v61, v26;
	v51 =	vmul.f32 $5.000000000e-01, v26  }
0x147: {  	v3 =	vsub.f32 v3, v23;
	v23 =	vand.u32 $0x7FFFFFFF, v12;
	v12 =	vand.u32 $0x7FFFFFFF, v6  }
0x148: {  	v19 =	vmin.f32 v32, $1.000000000e+00;
	v11 =	vmin.f32 v23, $1.000000000e+00;
	v13 =	vmin.f32 v12, $1.000000000e+00  }
0x149: {  	v22 =	vand.u32 $0x7FFFFFFF, v3;
	v3 =	vmin.f32 v62, $1.000000000e+00;
	v16 =	vsub.f32 v23, v11  }
0x14a: {  	v23 =	vmin.f32 v63, $1.000000000e+00;
	v44 =	vmul.f32 $5.000000000e-01, v11;
	v6 =	vmin.f32 v22, $1.000000000e+00  }
0x14b: {  	s23 =	simm.s32 $0x200;
	v4 =	vsub.f32 v62, v3;
	v45 =	vmul.f32 $5.000000000e-01, v23;
	v39 =	vsub.f32 v63, v23  }
.LBB2_4:
0x14c: {  	s31 =	sand.u32 $0x3C00, s23;
	p1 =	sne.s32 s23, $0x3600;
	v53 =	vmul.f32 $5.000000000e-01, v29;
	v42 =	vsub.f32 v42, v29;
	v54 =	vmul.f32 $5.000000000e-01, v21;
	s20 =	sadd.s32 $0x40, s20  }
0x14d: {  	v41 =	vsub.f32 v41, v21;
	v55 =	vmul.f32 $5.000000000e-01, v14;
	v56 =	vmul.f32 $5.000000000e-01, v5;
	s30 =	sand.u32 $0x40, s20;
	s29 =	sadd.s32 $0x3A00, s31  }
0x14e: {  	v57 =	vmul.f32 $5.000000000e-01, v19;
	v58 =	vmul.f32 $5.000000000e-01, v13;
	v59 =	vsub.f32 v7, v14;
	s24 =	sor.u32 s30, s29  }
0x14f: {  	v60 =	vmul.f32 $5.000000000e-01, v17;
	v61 =	vmul.f32 $5.000000000e-01, v6;
	v62 =	vsub.f32 v8, v5;
	s28 =	sadd.s32 $0x3980, s31;
	v7 =	vld [tilespmem:s24+$0x0]  }
0x150: {  	v43 =	vmul.f32 v43, v9;
	v63 =	vmul.f32 $5.000000000e-01, v10;
	v32 =	vsub.f32 v32, v19;
	s25 =	sor.u32 s30, s28;
	v8 =	vld [tilespmem:s24+$0x7000]  }
0x151: {  	v33 =	vmul.f32 v50, v33;
	v44 =	vmul.f32 v44, v11;
	v50 =	vsub.f32 v12, v13;
	s26 =	sadd.s32 $0x3900, s31;
	v9 =	vld [tilespmem:s25+$0x0]  }
0x152: {  	v30 =	vmul.f32 v46, v30;
	v31 =	vmul.f32 v48, v31;
	v22 =	vsub.f32 v22, v6;
	s1 =	sor.u32 s30, s26;
	v12 =	vld [tilespmem:s25+$0x7000]  }
0x153: {  	v46 =	vsub.f32 v15, v17;
	v24 =	vmul.f32 v52, v24;
	v27 =	vmul.f32 v49, v27;
	s24 =	sadd.s32 $0x3800, s31;
	v11 =	vld [tilespmem:s1+$0x0]  }
0x154: {  	v48 =	vsub.f32 v18, v10;
	v25 =	vmul.f32 v47, v25;
	v26 =	vmul.f32 v51, v26;
	s0 =	sor.u32 s30, s24;
	v15 =	vld [tilespmem:s1+$0x7000]  }
0x155: {  	v23 =	vmul.f32 v45, v23;
	v43 =	vadd.f32 v43, v20;
	v29 =	vmul.f32 v53, v29;
	s25 =	sadd.s32 $0x3880, s31;
	v18 =	vld [tilespmem:s0+$0x0]  }
0x156: {  	v28 =	vadd.f32 v33, v28;
	v33 =	vadd.f32 v44, v16;
	v21 =	vmul.f32 v54, v21;
	s1 =	sshrl.u32 s18, $0x2;
	s18 =	smov.u32 s31;
	v20 =	vld [tilespmem:s0+$0x7000];
	s0 =	sor.u32 s30, s25  }
0x157: {  	v30 =	vadd.f32 v30, v34;
	v31 =	vadd.f32 v31, v35;
	v34 =	vmul.f32 v55, v14;
	s1 =	sor.u32 $0xE000, s1;
	v16 =	vld [tilespmem:s0+$0x0]  }
0x158: {  	v19 =	vmul.f32 v57, v19;
	v24 =	vadd.f32 v24, v38;
	v27 =	vadd.f32 v27, v36;
	v14 =	vld [tilespmem:s0+$0x7000];
	s0 =	sor.u32 s19, s1  }
0x159: {  	v25 =	vadd.f32 v25, v37;
	v13 =	vmul.f32 v58, v13;
	v26 =	vadd.f32 v26, v40;
	s19 =	sor.u32 s21, s1;
	v35 =	vld [tilespmem:s0+$0x80]  }
0x15a: {  	v17 =	vmul.f32 v60, v17;
	v23 =	vadd.f32 v23, v39;
	v29 =	vadd.f32 v29, v42;
	s0 =	sor.u32 s22, s1;
	v36 =	vld [tilespmem:s19+$0x80]  }
0x15b: {  	v10 =	vmul.f32 v63, v10;
	v21 =	vadd.f32 v21, v41;
	v34 =	vadd.f32 v34, v59;
	s1 =	sor.u32 s17, s1;
	s17 =	smov.u32 s30;
	s19 =	sor.u32 $0x30, s30;
	v37 =	vld [tilespmem:s0+$0x80]  }
0x15c: {  	v6 =	vmul.f32 v61, v6;
	v17 =	vadd.f32 v17, v46;
	v19 =	vadd.f32 v19, v32;
	s0 =	sor.u32 s19, s29;
	v38 =	vld [tilespmem:s1+$0x80]  }
0x15d: {  	v30 =	vadd.f32 v31, v30;
	v10 =	vadd.f32 v10, v48;
	s21 =	sor.u32 $0x20, s17;
	v32 =	vld [tilespmem:s0+$0x0]  }
0x15e: {  	v5 =	vmul.f32 v56, v5;
	v13 =	vadd.f32 v13, v50;
	v6 =	vadd.f32 v6, v22;
	s1 =	sor.u32 s21, s29;
	v31 =	vld [tilespmem:s0+$0x7000]  }
0x15f: {  	v28 =	vadd.f32 v28, v30;
	v10 =	vadd.f32 v10, v17;
	v22 =	vld [tilespmem:s1+$0x0]  }
0x160: {  	v5 =	vadd.f32 v5, v62;
	v6 =	vadd.f32 v6, v13;
	v13 =	vmul.f32 $5.000000000e-01, v3;
	s0 =	sor.u32 s19, s28;
	v17 =	vld [tilespmem:s1+$0x7000]  }
0x161: {  	v28 =	vadd.f32 v33, v28;
	v10 =	vadd.f32 v19, v10;
	s22 =	sor.u32 $0x10, s17;
	vm0 =	veq.s32 v37, $0x1;
	v30 =	vld [tilespmem:s0+$0x0]  }
0x162: {  	v5 =	vadd.f32 v5, v34;
	v6 =	vadd.f32 v21, v6;
	v3 =	vmul.f32 v13, v3;
	s1 =	sor.u32 s22, s29;
	v19 =	vld [tilespmem:s0+$0x7000]  }
0x163: {  	v21 =	vadd.f32 v43, v28;
	v10 =	vadd.f32 v29, v10;
	vm1 =	veq.s32 v38, $0x1;
	v13 =	vld [tilespmem:s1+$0x0]  }
0x164: {  	v5 =	vadd.f32 v23, v5;
	v3 =	vadd.f32 v3, v4;
	s0 =	sor.u32 s21, s28;
	v29 =	vsel vm1, $0x3F800000, v0;
	v28 =	vld [tilespmem:s1+$0x7000]  }
0x165: {  	v6 =	vadd.f32 v26, v6;
	v10 =	vadd.f32 v25, v10;
	v21 =	vnsel vm1, $0x0, v21;
	v4 =	vld [tilespmem:s0+$0x0]  }
0x166: {  	v1 =	vadd.f32 v21, v1;
	v2 =	vadd.f32 v29, v2;
	v21 =	vsel vm0, $0x3F800000, v0;
	v23 =	vld [tilespmem:s0+$0x7000];
	s0 =	sor.u32 s19, s26  }
0x167: {  	v6 =	vadd.f32 v24, v6;
	v3 =	vadd.f32 v3, v5;
	v10 =	vnsel vm0, $0x0, v10;
	v25 =	vld [tilespmem:s0+$0x0]  }
0x168: {  	vm0 =	veq.s32 v36, $0x1;
	s1 =	sor.u32 s22, s28;
	v1 =	vadd.f32 v10, v1;
	v2 =	vadd.f32 v21, v2;
	v5 =	vld [tilespmem:s0+$0x7000]  }
0x169: {  	v3 =	vadd.f32 v27, v3;
	v6 =	vnsel vm0, $0x0, v6;
	v21 =	vsel vm0, $0x3F800000, v0;
	v10 =	vld [tilespmem:s1+$0x0]  }
0x16a: {  	vm0 =	veq.s32 v35, $0x1;
	v1 =	vadd.f32 v6, v1;
	v2 =	vadd.f32 v21, v2;
	s0 =	sor.u32 s21, s26;
	v24 =	vld [tilespmem:s1+$0x7000]  }
0x16b: {  	v3 =	vnsel vm0, $0x0, v3;
	v21 =	vsel vm0, $0x3F800000, v0;
	v6 =	vld [tilespmem:s0+$0x0]  }
0x16c: {  	v1 =	vadd.f32 v3, v1;
	v2 =	vadd.f32 v21, v2;
	v26 =	vld [tilespmem:s0+$0x7000];
	s0 =	sor.u32 s19, s24  }
0x16d: {  	v3 =	vld [tilespmem:s0+$0x0]  }
0x16e: {  	v21 =	vld [tilespmem:s0+$0x7000];
	s0 =	sor.u32 s19, s25  }
0x16f: {  	v27 =	vld [tilespmem:s0+$0x0]  }
0x170: {  	s1 =	sor.u32 s22, s26;
	v29 =	vld [tilespmem:s0+$0x7000]  }
0x171: {  	v33 =	vld [tilespmem:s1+$0x0]  }
0x172: {  	s0 =	sor.u32 s21, s24;
	v34 =	vld [tilespmem:s1+$0x7000]  }
0x173: {  	v35 =	vld [tilespmem:s0+$0x0]  }
0x174: {  	v36 =	vld [tilespmem:s0+$0x7000];
	s0 =	sor.u32 s21, s25  }
0x175: {  	v37 =	vld [tilespmem:s0+$0x0]  }
0x176: {  	v7 =	vsub.f32 v7, v8;
	v9 =	vsub.f32 v9, v12;
	s1 =	sor.u32 s22, s24;
	v8 =	vld [tilespmem:s0+$0x7000]  }
0x177: {  	v11 =	vsub.f32 v11, v15;
	v12 =	vsub.f32 v18, v20;
	v15 =	vld [tilespmem:s1+$0x0]  }
0x178: {  	v14 =	vsub.f32 v16, v14;
	v18 =	vsub.f32 v32, v31;
	s0 =	sor.u32 s22, s25;
	v16 =	vld [tilespmem:s1+$0x7000]  }
0x179: {  	v17 =	vsub.f32 v22, v17;
	v19 =	vsub.f32 v30, v19;
	v20 =	vld [tilespmem:s0+$0x0]  }
0x17a: {  	v13 =	vsub.f32 v13, v28;
	v4 =	vsub.f32 v4, v23;
	v22 =	vld [tilespmem:s0+$0x7000]  }
0x17b: {  	v5 =	vsub.f32 v25, v5;
	v10 =	vsub.f32 v10, v24  }
0x17c: {  	v6 =	vsub.f32 v6, v26;
	v3 =	vsub.f32 v3, v21  }
0x17d: {  	v23 =	vsub.f32 v27, v29;
	v21 =	vsub.f32 v33, v34  }
0x17e: {  	v24 =	vsub.f32 v35, v36;
	v25 =	vsub.f32 v37, v8  }
0x17f: {  	v26 =	vand.u32 $0x7FFFFFFF, v7;
	v15 =	vsub.f32 v15, v16;
	v16 =	vsub.f32 v20, v22  }
0x180: {  	v28 =	vand.u32 $0x7FFFFFFF, v11;
	v29 =	vand.u32 $0x7FFFFFFF, v9;
	v34 =	vand.u32 $0x7FFFFFFF, v12  }
0x181: {  	v35 =	vand.u32 $0x7FFFFFFF, v14;
	v36 =	vand.u32 $0x7FFFFFFF, v17;
	v37 =	vand.u32 $0x7FFFFFFF, v18  }
0x182: {  	v39 =	vand.u32 $0x7FFFFFFF, v13;
	v40 =	vand.u32 $0x7FFFFFFF, v4;
	v4 =	vand.u32 $0x7FFFFFFF, v19  }
0x183: {  	v53 =	vand.u32 $0x7FFFFFFF, v5;
	v42 =	vand.u32 $0x7FFFFFFF, v10;
	v9 =	vmin.f32 v26, $1.000000000e+00  }
0x184: {  	v41 =	vand.u32 $0x7FFFFFFF, v6;
	v7 =	vand.u32 $0x7FFFFFFF, v3;
	v8 =	vand.u32 $0x7FFFFFFF, v23  }
0x185: {  	v11 =	vmin.f32 v29, $1.000000000e+00;
	v32 =	vand.u32 $0x7FFFFFFF, v21;
	v12 =	vand.u32 $0x7FFFFFFF, v24  }
0x186: {  	v33 =	vmin.f32 v28, $1.000000000e+00;
	v15 =	vand.u32 $0x7FFFFFFF, v15;
	v22 =	vand.u32 $0x7FFFFFFF, v25  }
0x187: {  	v30 =	vmin.f32 v34, $1.000000000e+00;
	v31 =	vmin.f32 v35, $1.000000000e+00;
	v18 =	vand.u32 $0x7FFFFFFF, v16  }
0x188: {  	v3 =	vmin.f32 v4, $1.000000000e+00;
	v24 =	vmin.f32 v36, $1.000000000e+00;
	v27 =	vmin.f32 v37, $1.000000000e+00  }
0x189: {  	v20 =	vsub.f32 v26, v9;
	v25 =	vmin.f32 v39, $1.000000000e+00;
	v26 =	vmin.f32 v40, $1.000000000e+00  }
0x18a: {  	v43 =	vmul.f32 $5.000000000e-01, v9;
	v23 =	vmin.f32 v53, $1.000000000e+00;
	v16 =	vsub.f32 v29, v11  }
0x18b: {  	v21 =	vmin.f32 v41, $1.000000000e+00;
	v14 =	vmin.f32 v7, $1.000000000e+00;
	v29 =	vmin.f32 v42, $1.000000000e+00  }
0x18c: {  	v44 =	vmul.f32 $5.000000000e-01, v11;
	v28 =	vsub.f32 v28, v33;
	v5 =	vmin.f32 v8, $1.000000000e+00  }
0x18d: {  	v19 =	vmin.f32 v32, $1.000000000e+00;
	v13 =	vmin.f32 v12, $1.000000000e+00;
	v6 =	vmin.f32 v22, $1.000000000e+00  }
0x18e: {  	v50 =	vmul.f32 $5.000000000e-01, v33;
	v34 =	vsub.f32 v34, v30;
	v35 =	vsub.f32 v35, v31  }
.Ltmp3:
0x18f: {  	v46 =	vmul.f32 $5.000000000e-01, v30;
	v17 =	vmin.f32 v15, $1.000000000e+00;
	v10 =	vmin.f32 v18, $1.000000000e+00;
	(pc) =	sbr.rel @p1 .LBB2_4-.Ltmp3, $4  }
0x190: {  	v48 =	vmul.f32 $5.000000000e-01, v31;
	v38 =	vsub.f32 v36, v24;
	v36 =	vsub.f32 v37, v27  }
0x191: {  	v4 =	vsub.f32 v4, v3;
	v49 =	vmul.f32 $5.000000000e-01, v27;
	v37 =	vsub.f32 v39, v25  }
0x192: {  	v52 =	vmul.f32 $5.000000000e-01, v24;
	v47 =	vmul.f32 $5.000000000e-01, v25;
	v40 =	vsub.f32 v40, v26  }
0x193: {  	s23 =	sadd.s32 $0x200, s23;
	v45 =	vmul.f32 $5.000000000e-01, v23;
	v51 =	vmul.f32 $5.000000000e-01, v26;
	v39 =	vsub.f32 v53, v23  }
0x194: {  	v53 =	vmul.f32 $5.000000000e-01, v29  }
0x195: {  	v42 =	vsub.f32 v42, v29;
	v54 =	vmul.f32 $5.000000000e-01, v21;
	v55 =	vmul.f32 $5.000000000e-01, v14  }
0x196: {  	v41 =	vsub.f32 v41, v21;
	v56 =	vmul.f32 $5.000000000e-01, v5;
	v57 =	vmul.f32 $5.000000000e-01, v19  }
0x197: {  	v58 =	vmul.f32 $5.000000000e-01, v13;
	v7 =	vsub.f32 v7, v14;
	v59 =	vmul.f32 $5.000000000e-01, v17  }
0x198: {  	v60 =	vmul.f32 $5.000000000e-01, v6;
	v8 =	vsub.f32 v8, v5;
	v9 =	vmul.f32 v43, v9  }
0x199: {  	v43 =	vmul.f32 $5.000000000e-01, v10;
	v32 =	vsub.f32 v32, v19;
	v33 =	vmul.f32 v50, v33  }
0x19a: {  	v11 =	vmul.f32 v44, v11;
	v12 =	vsub.f32 v12, v13;
	v30 =	vmul.f32 v46, v30  }
0x19b: {  	v31 =	vmul.f32 v48, v31;
	v22 =	vsub.f32 v22, v6;
	v24 =	vmul.f32 v52, v24  }
0x19c: {  	v15 =	vsub.f32 v15, v17;
	v27 =	vmul.f32 v49, v27;
	v25 =	vmul.f32 v47, v25  }
0x19d: {  	v18 =	vsub.f32 v18, v10;
	v26 =	vmul.f32 v51, v26;
	v23 =	vmul.f32 v45, v23  }
0x19e: {  	v9 =	vadd.f32 v9, v20;
	v61 =	vmul.f32 v53, v29;
	v28 =	vadd.f32 v33, v28  }
0x19f: {  	v11 =	vadd.f32 v11, v16;
	v62 =	vmul.f32 v54, v21;
	v63 =	vadd.f32 v30, v34  }
0x1a0: {  	v33 =	vadd.f32 v31, v35;
	v34 =	vmul.f32 v55, v14;
	v24 =	vadd.f32 v24, v38  }
0x1a1: {  	v35 =	vmul.f32 v57, v19;
	v27 =	vadd.f32 v27, v36;
	v25 =	vadd.f32 v25, v37  }
0x1a2: {  	v38 =	vmul.f32 v58, v13;
	v44 =	vmul.f32 v59, v17;
	v26 =	vadd.f32 v26, v40  }
0x1a3: {  	v45 =	vmul.f32 v43, v10;
	v23 =	vadd.f32 v23, v39;
	v20 =	vadd.f32 v61, v42  }
0x1a4: {  	s0 =	sshrl.u32 s18, $0x2;
	v48 =	vmul.f32 v60, v6;
	v16 =	vadd.f32 v62, v41;
	v7 =	vadd.f32 v34, v7  }
0x1a5: {  	s0 =	sor.u32 $0xE000, s0;
	v51 =	vmul.f32 v56, v5;
	v46 =	vadd.f32 v44, v15;
	v47 =	vadd.f32 v35, v32  }
0x1a6: {  	s1 =	sor.u32 s17, s0;
	v53 =	vmul.f32 $5.000000000e-01, v3;
	v49 =	vadd.f32 v33, v63;
	v10 =	vadd.f32 v45, v18  }
0x1a7: {  	s30 =	sor.u32 s22, s0;
	v50 =	vld [tilespmem:s1+$0x80];
	v12 =	vadd.f32 v38, v12;
	v6 =	vadd.f32 v48, v22  }
0x1a8: {  	s31 =	sor.u32 s21, s0;
	v54 =	vld [tilespmem:s30+$0x80];
	v5 =	vadd.f32 v51, v8;
	v3 =	vmul.f32 v53, v3;
	v52 =	vadd.f32 v28, v49  }
0x1a9: {  	v55 =	vld [tilespmem:s31+$0x80];
	v10 =	vadd.f32 v10, v46;
	v6 =	vadd.f32 v6, v12  }
0x1aa: {  	v5 =	vadd.f32 v5, v7;
	v3 =	vadd.f32 v3, v4  }
0x1ab: {  	v11 =	vadd.f32 v11, v52;
	v10 =	vadd.f32 v47, v10  }
0x1ac: {  	s0 =	sor.u32 s19, s0;
	v6 =	vadd.f32 v16, v6;
	vm0 =	veq.s32 v50, $0x1;
	v5 =	vadd.f32 v23, v5  }
0x1ad: {  	v59 =	vld [tilespmem:s0+$0x80];
	vm13 =	veq.s32 v54, $0x1;
	v56 =	vadd.f32 v9, v11;
	v57 =	vadd.f32 v20, v10  }
0x1ae: {  	vm14 =	veq.s32 v55, $0x1;
	v58 =	vsel vm0, $0x3F800000, v0;
	v6 =	vadd.f32 v26, v6  }
0x1af: {  	v2 =	vadd.f32 v58, v2;
	v8 =	vnsel vm0, $0x0, v56;
	v9 =	vadd.f32 v25, v57  }
0x1b0: {  	v61 =	vsel vm13, $0x3F800000, v0;
	v3 =	vadd.f32 v3, v5;
	v1 =	vadd.f32 v8, v1  }
0x1b1: {  	v6 =	vadd.f32 v24, v6;
	v2 =	vadd.f32 v61, v2;
	v60 =	vnsel vm13, $0x0, v9  }
0x1b2: {  	vm15 =	veq.s32 v59, $0x1;
	v63 =	vsel vm14, $0x3F800000, v0;
	v1 =	vadd.f32 v60, v1  }
0x1b3: {  	v3 =	vadd.f32 v27, v3;
	v62 =	vnsel vm14, $0x0, v6;
	v2 =	vadd.f32 v63, v2  }
.Ltmp4:
0x1b4: {  	v4 =	vsel vm15, $0x3F800000, v0;
	v1 =	vadd.f32 v62, v1;
	(pc) =	sbr.rel @p0 .LBB2_9-.Ltmp4, $4  }
0x1b5: {  	v3 =	vnsel vm15, $0x0, v3;
	v2 =	vadd.f32 v4, v2  }
0x1b6: {  	v1 =	vadd.f32 v3, v1  }
0x1b7: {  	[tilespmem:$0xEE80] =	vst v2  }
0x1b8: {  	[tilespmem:$0xEE00] =	vst v1  }
0x1b9: {  	s17 =	simm.s32 $0x0;
	s0 =	rddreg [dreg:$0x9]  }
0x1ba: {  	[tilespmem:s17], [sflag:$0x1] =	stream.linear.gather [hbm4b:s0+s17], $0x400, $0x38;
	[tilespmem:$0xEF00] =	vst v63  }
0x1bb: {  	s29 =	rddreg [dreg:$0xa];
	s1 =	simm.s32 $0x7000  }
0x1bc: {  	[tilespmem:s1], [sflag:$0x1] =	stream.linear.gather [hbm4b:s29+s17], $0x400, $0x38;
	[tilespmem:$0xEF00] =	vst v63  }
0x1bd: {  	s30 =	rddreg [dreg:$0xb];
	s31 =	simm.s32 $0xE000  }
0x1be: {  	[tilespmem:s31], [sflag:$0x1] =	stream.linear.gather [hbm4b:s30+s17], $0x80, $0x38;
	[tilespmem:$0xEF00] =	vst v63  }
0x1bf: {  	_ =	swait.ge [sflag:s13], $0x400  }
0x1c0: {  	[sflag:s13] =	ssyncset.done $0x0  }
0x1c1: {  	[sflag:s13] =	ssyncadd.s32 $0xFFFFFC00  }
0x1c2: {  	_ =	swait.ge [sflag:s13], $0x400  }
0x1c3: {  	[sflag:s13] =	ssyncset.done $0x0  }
0x1c4: {  	[sflag:s13] =	ssyncadd.s32 $0xFFFFFC00  }
0x1c5: {  	_ =	swait.ge [sflag:s13], $0x80  }
0x1c6: {  	[sflag:s13] =	ssyncset.done $0x0  }
0x1c7: {  	[sflag:s13] =	ssyncadd.s32 $0xFFFFFF80  }
0x1c8: {  	v1 =	vld [tilespmem:$0xEE00]  }
0x1c9: {  	p1 =	por $0x1, $0x1;
	v2 =	vld [tilespmem:$0xEE80]  }
.LBB2_7:
0x1ca: {  	v3 =	vld [tilespmem:s17+$0x0]  }
0x1cb: {  	v4 =	vld [tilespmem:s17+$0x7000]  }
0x1cc: {  	v6 =	vld [tilespmem:s17+$0x7080]  }
0x1cd: {  	v8 =	vld [tilespmem:s17+$0x7100]  }
0x1ce: {  	v9 =	vld [tilespmem:s17+$0x7180]  }
0x1cf: {  	v13 =	vld [tilespmem:s17+$0x7200]  }
0x1d0: {  	v19 =	vld [tilespmem:s17+$0x7010]  }
0x1d1: {  	v14 =	vld [tilespmem:s17+$0x7090]  }
0x1d2: {  	v15 =	vld [tilespmem:s17+$0xE000]  }
0x1d3: {  	v41 =	vld [tilespmem:s17+$0x7210]  }
0x1d4: {  	s0 =	sor.u32 $0x80, s17;
	v47 =	vld [tilespmem:s17+$0x70A0]  }
0x1d5: {  	s28 =	sor.u32 $0x100, s17;
	v5 =	vld [tilespmem:s0+$0x0]  }
0x1d6: {  	s29 =	sor.u32 $0x180, s17;
	v7 =	vld [tilespmem:s28+$0x0]  }
0x1d7: {  	s30 =	sor.u32 $0x200, s17;
	v57 =	vld [tilespmem:s29+$0x0]  }
0x1d8: {  	s31 =	sor.u32 $0x10, s17;
	v12 =	vld [tilespmem:s30+$0x0]  }
0x1d9: {  	s1 =	sor.u32 $0x90, s17;
	v63 =	vld [tilespmem:s31+$0x0]  }
0x1da: {  	s20 =	sor.u32 $0x210, s17;
	v22 =	vld [tilespmem:s1+$0x0]  }
0x1db: {  	s22 =	sor.u32 $0xA0, s17;
	v39 =	vld [tilespmem:s20+$0x0]  }
0x1dc: {  	v46 =	vld [tilespmem:s22+$0x0];
	v3 =	vsub.f32 v3, v4  }
0x1dd: {  	v56 =	vsub.f32 v5, v6;
	v7 =	vsub.f32 v7, v8  }
0x1de: {  	v5 =	vsub.f32 v57, v9;
	v21 =	vsub.f32 v12, v13  }
0x1df: {  	vm0 =	veq.s32 v15, $0x1;
	v31 =	vsub.f32 v63, v19;
	v32 =	vsub.f32 v22, v14  }
0x1e0: {  	v17 =	vsel vm0, $0x3F800000, v0;
	v13 =	vsub.f32 v39, v41;
	v3 =	vand.u32 $0x7FFFFFFF, v3  }
0x1e1: {  	v54 =	vsub.f32 v46, v47;
	v2 =	vadd.f32 v17, v2;
	v58 =	vmin.f32 v3, $1.000000000e+00  }
0x1e2: {  	v4 =	vand.u32 $0x7FFFFFFF, v56;
	v7 =	vand.u32 $0x7FFFFFFF, v7;
	v5 =	vand.u32 $0x7FFFFFFF, v5  }
0x1e3: {  	v30 =	vld [tilespmem:s17+$0x7110];
	v25 =	vand.u32 $0x7FFFFFFF, v21;
	v33 =	vand.u32 $0x7FFFFFFF, v31;
	v8 =	vand.u32 $0x7FFFFFFF, v32  }
0x1e4: {  	v36 =	vld [tilespmem:s17+$0x7190];
	v55 =	vand.u32 $0x7FFFFFFF, v13;
	v10 =	vmul.f32 $5.000000000e-01, v58;
	v11 =	vmin.f32 v4, $1.000000000e+00  }
0x1e5: {  	s18 =	sor.u32 $0x110, s17;
	v45 =	vld [tilespmem:s17+$0x7020];
	v3 =	vsub.f32 v3, v58;
	v61 =	vmin.f32 v7, $1.000000000e+00;
	v20 =	vmin.f32 v5, $1.000000000e+00  }
0x1e6: {  	v28 =	vld [tilespmem:s18+$0x0];
	v27 =	vmin.f32 v25, $1.000000000e+00;
	v35 =	vmin.f32 v33, $1.000000000e+00;
	v38 =	vmin.f32 v8, $1.000000000e+00  }
0x1e7: {  	s25 =	sor.u32 $0x30, s17;
	v22 =	vld [tilespmem:s17+$0x7030];
	v59 =	vmul.f32 $5.000000000e-01, v11;
	v4 =	vsub.f32 v4, v11;
	v62 =	vmul.f32 $5.000000000e-01, v61  }
0x1e8: {  	s19 =	sor.u32 $0x190, s17;
	v21 =	vld [tilespmem:s25+$0x0];
	v7 =	vsub.f32 v7, v61;
	v23 =	vmul.f32 $5.000000000e-01, v20;
	v5 =	vsub.f32 v5, v20  }
0x1e9: {  	s21 =	sor.u32 $0x20, s17;
	v34 =	vld [tilespmem:s19+$0x0];
	v29 =	vmul.f32 $5.000000000e-01, v27;
	v6 =	vsub.f32 v25, v27;
	v37 =	vmul.f32 $5.000000000e-01, v35  }
0x1ea: {  	v43 =	vld [tilespmem:s21+$0x0];
	v40 =	vmul.f32 $5.000000000e-01, v38;
	v8 =	vsub.f32 v8, v38;
	v10 =	vmul.f32 v10, v58  }
0x1eb: {  	v52 =	vld [tilespmem:s17+$0x7120];
	s24 =	sor.u32 $0x1A0, s17;
	v58 =	vmin.f32 v55, $1.000000000e+00;
	v60 =	vmul.f32 v59, v11;
	v18 =	vmul.f32 v62, v61  }
0x1ec: {  	v57 =	vld [tilespmem:s24+$0x0];
	v26 =	vmul.f32 v23, v20;
	v11 =	vsub.f32 v28, v30;
	v3 =	vadd.f32 v10, v3  }
0x1ed: {  	v25 =	vld [tilespmem:s17+$0x70B0];
	v63 =	vmul.f32 $5.000000000e-01, v58;
	v13 =	vsub.f32 v21, v22;
	v4 =	vadd.f32 v60, v4  }
0x1ee: {  	s26 =	sor.u32 $0xB0, s17;
	v10 =	vmul.f32 v37, v35;
	v24 =	vadd.f32 v18, v7;
	v5 =	vadd.f32 v26, v5;
	v60 =	vld [tilespmem:s17+$0x71A0]  }
0x1ef: {  	s23 =	sor.u32 $0x120, s17;
	v42 =	vand.u32 $0x7FFFFFFF, v11;
	v7 =	vsub.f32 v34, v36;
	v11 =	vsub.f32 v43, v45;
	v18 =	vld [tilespmem:s26+$0x0]  }
0x1f0: {  	v49 =	vld [tilespmem:s23+$0x0];
	s29 =	sor.u32 $0x130, s17;
	v44 =	vmin.f32 v42, $1.000000000e+00;
	v34 =	vand.u32 $0x7FFFFFFF, v13;
	v3 =	vadd.f32 v4, v3  }
0x1f1: {  	v4 =	vmul.f32 v29, v27;
	v16 =	vmul.f32 $5.000000000e-01, v44;
	v56 =	vand.u32 $0x7FFFFFFF, v11;
	v27 =	vld [tilespmem:s29+$0x0]  }
0x1f2: {  	v7 =	vand.u32 $0x7FFFFFFF, v7;
	v29 =	vld [tilespmem:s17+$0x7130];
	v59 =	vmin.f32 v56, $1.000000000e+00;
	v3 =	vadd.f32 v24, v3  }
0x1f3: {  	s28 =	sor.u32 $0x220, s17;
	v31 =	vld [tilespmem:s17+$0x7220];
	v4 =	vadd.f32 v4, v6;
	v48 =	vmul.f32 v16, v44;
	v6 =	vsub.f32 v42, v44  }
0x1f4: {  	s31 =	sor.u32 $0x230, s17;
	v26 =	vld [tilespmem:s28+$0x0];
	v61 =	vmul.f32 $5.000000000e-01, v59;
	v9 =	vsub.f32 v57, v60;
	v32 =	vsub.f32 v18, v25  }
0x1f5: {  	v36 =	vmin.f32 v34, $1.000000000e+00;
	v42 =	vld [tilespmem:s31+$0x0];
	v3 =	vadd.f32 v5, v3;
	v5 =	vsub.f32 v33, v35  }
0x1f6: {  	v44 =	vld [tilespmem:s17+$0x7230];
	v50 =	vadd.f32 v48, v6;
	v6 =	vand.u32 $0x7FFFFFFF, v54;
	v15 =	vmul.f32 v61, v59  }
0x1f7: {  	v62 =	vmin.f32 v6, $1.000000000e+00;
	v9 =	vand.u32 $0x7FFFFFFF, v9;
	v11 =	vsub.f32 v27, v29  }
0x1f8: {  	v3 =	vadd.f32 v4, v3;
	v4 =	vmul.f32 v40, v38;
	v5 =	vadd.f32 v10, v5  }
0x1f9: {  	s30 =	sor.u32 $0x1B0, s17;
	v37 =	vld [tilespmem:s17+$0x71B0];
	v10 =	vsub.f32 v49, v52;
	v20 =	vmul.f32 $5.000000000e-01, v62;
	v6 =	vsub.f32 v6, v62  }
0x1fa: {  	v35 =	vld [tilespmem:s30+$0x0];
	v28 =	vmin.f32 v9, $1.000000000e+00;
	v38 =	vmul.f32 $5.000000000e-01, v36;
	v40 =	vsub.f32 v26, v31  }
0x1fb: {  	v30 =	vmul.f32 $5.000000000e-01, v28;
	v43 =	vand.u32 $0x7FFFFFFF, v11;
	v11 =	vsub.f32 v42, v44  }
0x1fc: {  	v3 =	vnsel vm0, $0x0, v3;
	v4 =	vadd.f32 v4, v8;
	v8 =	vsub.f32 v56, v59  }
0x1fd: {  	v10 =	vand.u32 $0x7FFFFFFF, v10;
	v12 =	vmul.f32 v20, v62;
	v17 =	vmul.f32 v38, v36  }
0x1fe: {  	v45 =	vmin.f32 v43, $1.000000000e+00;
	v1 =	vadd.f32 v3, v1;
	v3 =	vmin.f32 v7, $1.000000000e+00  }
0x1ff: {  	v23 =	vmin.f32 v10, $1.000000000e+00;
	v33 =	vmul.f32 v30, v28;
	v13 =	vsub.f32 v35, v37  }
0x200: {  	v46 =	vmul.f32 $5.000000000e-01, v45;
	v11 =	vand.u32 $0x7FFFFFFF, v11;
	v4 =	vadd.f32 v4, v5  }
0x201: {  	v51 =	vmul.f32 $5.000000000e-01, v3;
	v24 =	vmul.f32 $5.000000000e-01, v23;
	v8 =	vadd.f32 v15, v8  }
0x202: {  	v5 =	vmul.f32 v63, v58;
	v6 =	vadd.f32 v12, v6;
	v10 =	vsub.f32 v10, v23  }
0x203: {  	v54 =	vmin.f32 v11, $1.000000000e+00;
	v53 =	vmul.f32 v51, v3;
	v3 =	vsub.f32 v7, v3  }
0x204: {  	v14 =	vmul.f32 v46, v45;
	v11 =	vsub.f32 v11, v54;
	v7 =	vsub.f32 v55, v58  }
0x205: {  	v13 =	vand.u32 $0x7FFFFFFF, v13;
	v4 =	vadd.f32 v50, v4;
	v3 =	vadd.f32 v53, v3  }
0x206: {  	v6 =	vadd.f32 v6, v8;
	v5 =	vadd.f32 v5, v7;
	v7 =	vand.u32 $0x7FFFFFFF, v32  }
0x207: {  	v39 =	vmin.f32 v7, $1.000000000e+00;
	v3 =	vadd.f32 v3, v4;
	v4 =	vmul.f32 v24, v23  }
0x208: {  	v8 =	vsub.f32 v9, v28;
	v49 =	vmin.f32 v13, $1.000000000e+00;
	v41 =	vmul.f32 $5.000000000e-01, v39  }
0x209: {  	v9 =	vsub.f32 v34, v36;
	v50 =	vmul.f32 $5.000000000e-01, v49;
	v4 =	vadd.f32 v4, v10  }
0x20a: {  	v13 =	vsub.f32 v13, v49;
	v7 =	vsub.f32 v7, v39;
	v12 =	vmul.f32 v41, v39  }
0x20b: {  	v4 =	vadd.f32 v4, v6;
	v6 =	vadd.f32 v33, v8;
	v8 =	vand.u32 $0x7FFFFFFF, v40  }
0x20c: {  	v52 =	vld [tilespmem:s17+$0xE010];
	v53 =	vmul.f32 v50, v49;
	v10 =	vsub.f32 v43, v45;
	v47 =	vmin.f32 v8, $1.000000000e+00  }
0x20d: {  	v9 =	vadd.f32 v17, v9;
	v7 =	vadd.f32 v12, v7;
	v48 =	vmul.f32 $5.000000000e-01, v47  }
0x20e: {  	v56 =	vmul.f32 $5.000000000e-01, v54;
	v57 =	vadd.f32 v53, v13;
	v51 =	vadd.f32 v14, v10  }
0x20f: {  	v55 =	vld [tilespmem:s17+$0xE020];
	v8 =	vsub.f32 v8, v47;
	v7 =	vadd.f32 v7, v9;
	v12 =	vmul.f32 v48, v47  }
0x210: {  	v58 =	vmul.f32 v56, v54;
	v3 =	vadd.f32 v5, v3;
	v4 =	vadd.f32 v6, v4  }
0x211: {  	v59 =	vld [tilespmem:s17+$0xE030];
	vm13 =	veq.s32 v52, $0x1;
	v7 =	vadd.f32 v51, v7;
	v8 =	vadd.f32 v12, v8  }
0x212: {  	v60 =	vsel vm13, $0x3F800000, v0;
	v5 =	vadd.f32 v58, v11  }
0x213: {  	p2 =	por p1, p1;
	v3 =	vnsel vm13, $0x0, v3;
	v7 =	vadd.f32 v57, v7;
	v4 =	vadd.f32 v8, v4  }
.Ltmp5:
0x214: {  	v2 =	vadd.f32 v60, v2;
	vm14 =	veq.s32 v55, $0x1;
	v1 =	vadd.f32 v3, v1;
	(pc) =	sbr.rel @p2 .LBB2_7-.Ltmp5, $4  }
0x215: {  	v62 =	vsel vm14, $0x3F800000, v0;
	v61 =	vadd.f32 v5, v7;
	v3 =	vnsel vm14, $0x0, v4  }
0x216: {  	vm15 =	veq.s32 v59, $0x1;
	v2 =	vadd.f32 v62, v2;
	v1 =	vadd.f32 v3, v1  }
0x217: {  	v63 =	vsel vm15, $0x3F800000, v0;
	v3 =	vnsel vm15, $0x0, v61  }
0x218: {  	p1 =	por $0x0, $0x0;
	s17 =	simm.s32 $0x40;
	v2 =	vadd.f32 v63, v2;
	v1 =	vadd.f32 v3, v1  }
.Ltmp6:
0x219: {  	(pc) =	sbr.rel .LBB2_9-.Ltmp6, $3  }
0x21a: {  	_ =	sdelay $0x1  }
0x21b: {  	[tilespmem:$0xEE00] =	vst v1  }
0x21c: {  	[tilespmem:$0xEE80] =	vst v2  }
.LBB2_10:
0x21d: {  	_ =	sfence.sel $0x180000  }
0x21e: {  	[bflag:$0x0] =	sbarrier.arrive $0xFFFF  }
0x21f: {  	_ =	strace $0x90000047  }
0x220: {  	s0 =	stileid.u32;
	[bflag:$0x2] =	sbarrier.arrive $0xFFFF  }
0x221: {  	p0 =	sne.s32 s0, $0x0;
	s0 =	rddreg [dreg:$0x4]  }
0x222: {  	s0 =	sadd.s32 @!p0 $0x100000, s0  }
0x223: {  	[sflag:s0] =	ssyncadd.tile.s32 @!p0 $0x1;
	_ =	shalt  }
.Lfunc_end2:
_tile_overlayer_lowered:
.L_overlay_start_2:
0x224: {  	(tag) =	ssettag $0x2  }
0x225: {  	s0 =	rddreg [dreg:$0x0];
	s2 =	stileid.u32  }
0x226: {  	s1 =	rddreg [dreg:$0x1];
	p0 =	sne.s32 s2, $0x0  }
0x227: {  	s3 =	rddreg [dreg:$0x2];
	[bflag:$0x3] =	sbarrier.arrive $0xFFFF;
	s2 =	simm.s32 @!p0 $0x1C03  }
0x228: {  	[timem:s3], [sflag:s2] =	dma.local @!p0 [hbm:s0], s1  }
0x229: {  	s0 =	simm.s32 @!p0 $0x3  }
0x22a: {  	_ =	swait.ge @!p0 [sflag:s0], s1  }
0x22b: {  	s1 =	ssub.s32 @!p0 $0x0, s1;
	[sflag:s0] =	ssyncset.done @!p0 $0x0  }
0x22c: {  	[sflag:s0] =	ssyncadd.s32 @!p0 s1  }
0x22d: {  	[bflag:$0x3] =	sbarrier.arrive $0xFFFF  }
0x22e: {  	_ =	shalt  }

</sc_bundles>
